<compile_context>
chip_gen: v7x
topology: tpu7x:2x2x1
jax: 0.10.2.dev20260603
libtpu: 0.0.44.dev20260713+nightly
codegen_flags: <defaults>
</compile_context>

<pallas_src>
import functools

import jax
import jax.numpy as jnp
from jax import lax
from jax.experimental import pallas as pl
from jax.experimental.pallas import tpu as pltpu
from jax.experimental.pallas import tpu_sc as plsc

ALPHA = 0.1

_NC = 2
_NS = 16
_L = 16

_SL = 128
_EPT = 20480


def _make_deg_kernel(N, E):
    EPW = E // (_NC * _NS)
    mesh = plsc.VectorSubcoreMesh(core_axis_name="c", subcore_axis_name="s")

    @functools.partial(
        pl.kernel,
        out_type=jax.ShapeDtypeStruct((_NC, N), jnp.float32),
        mesh=mesh,
        compiler_params=pltpu.CompilerParams(needs_layout_passes=False),
        scratch_types=[
            pltpu.VMEM((EPW,), jnp.int32),
            pltpu.VMEM((EPW,), jnp.float32),
            pltpu.VMEM_SHARED((N,), jnp.float32),
        ],
    )
    def deg_k(col_hbm, ones_hbm, zeros_hbm, out_hbm, col_v, ones_v, deg_sh):
        c = lax.axis_index("c")
        s = lax.axis_index("s")
        base = (c * _NS + s) * EPW
        pltpu.sync_copy(col_hbm.at[pl.ds(base, EPW)], col_v)
        pltpu.sync_copy(ones_hbm, ones_v)

        @pl.when(s == 0)
        def _():
            pltpu.sync_copy(zeros_hbm, deg_sh)

        plsc.subcore_barrier()
        pltpu.sync_copy(ones_v, deg_sh.at[col_v], add=True)
        plsc.subcore_barrier()

        @pl.when(s == 0)
        def _():
            pltpu.sync_copy(deg_sh, out_hbm.at[c])

    return deg_k


def _make_scatter_kernel(N, E, D):
    NSL = D // _SL
    SW = NSL // _NC
    B = 128
    STG = 2048
    NSTG = _EPT // STG
    NB = STG // B
    AR = N + 8
    RS = 640
    LAST = N - (_NS - 1) * RS
    mesh = plsc.VectorSubcoreMesh(core_axis_name="c", subcore_axis_name="s")

    @functools.partial(
        pl.kernel,
        out_type=jax.ShapeDtypeStruct((NSL * N, _SL), jnp.float32),
        mesh=mesh,
        compiler_params=pltpu.CompilerParams(needs_layout_passes=False),
        scratch_types=[
            pltpu.VMEM((STG,), jnp.int32),
            pltpu.VMEM((STG,), jnp.int32),
            pltpu.VMEM((B, _SL), jnp.float32),
            pltpu.VMEM((B, _SL), jnp.float32),
            pltpu.VMEM_SHARED((AR, _SL), jnp.float32),
            pltpu.SemaphoreType.DMA,
            pltpu.SemaphoreType.DMA,
            pltpu.SemaphoreType.DMA,
            pltpu.SemaphoreType.DMA,
        ],
    )
    def scat_k(row_hbm, col_hbm, hp_hbm, out_hbm,
               er_v, ec_v, rows_a, rows_b, acc_sh,
               sem_a, sem_b, sem_sa, sem_sb):
        c = lax.axis_index("c")
        s = lax.axis_index("s")
        zero16f = jnp.zeros((_L,), jnp.float32)

        for w in range(SW):
            sl_id = w * _NC + c

            def zb(i, _):
                for k in range(_SL // _L):
                    rows_a[i, pl.ds(k * _L, _L)] = zero16f
                return 0
            lax.fori_loop(0, B, zb, 0)

            @pl.when(s < _NS - 1)
            def _():
                for t in range(RS // B):
                    pltpu.sync_copy(rows_a, acc_sh.at[pl.ds(s * RS + t * B, B)])

            @pl.when(s == _NS - 1)
            def _():
                base = (_NS - 1) * RS
                nlast = LAST + 8
                for t in range(nlast // B):
                    pltpu.sync_copy(rows_a, acc_sh.at[pl.ds(base + t * B, B)])
                if nlast % B:
                    pltpu.sync_copy(
                        rows_a.at[pl.ds(0, nlast % B)],
                        acc_sh.at[pl.ds(base + (nlast // B) * B, nlast % B)])

            plsc.subcore_barrier()

            off16 = jnp.zeros((_L,), jnp.int32) + sl_id * N

            def sb(st, _):
                blk = s * _EPT + st * STG
                pltpu.sync_copy(row_hbm.at[pl.ds(blk, STG)], er_v)
                pltpu.sync_copy(col_hbm.at[pl.ds(blk, STG)], ec_v)

                def ob(i, _):
                    er_v[pl.ds(i * _L, _L)] = er_v[pl.ds(i * _L, _L)] + off16
                    return 0
                lax.fori_loop(0, STG // _L, ob, 0)

                bufs = (rows_a, rows_b)
                gsems = (sem_a, sem_b)
                ssems = (sem_sa, sem_sb)
                dg = [None, None]
                ds = [None, None]
                dg[0] = pltpu.async_copy(
                    hp_hbm.at[er_v.at[pl.ds(0, B)]], rows_a, sem_a)
                for k in range(NB):
                    p, q = k % 2, (k + 1) % 2
                    dg[p].wait()
                    ds[p] = pltpu.async_copy(
                        bufs[p], acc_sh.at[ec_v.at[pl.ds(k * B, B)]],
                        ssems[p], add=True)
                    if k + 1 < NB:
                        if ds[q] is not None:
                            ds[q].wait()
                        dg[q] = pltpu.async_copy(
                            hp_hbm.at[er_v.at[pl.ds((k + 1) * B, B)]],
                            bufs[q], gsems[q])
                ds[(NB - 1) % 2].wait()
                if ds[NB % 2] is not None:
                    ds[NB % 2].wait()
                return 0

            lax.fori_loop(0, NSTG, sb, 0)
            plsc.subcore_barrier()

            obase = sl_id * N

            @pl.when(s < _NS - 1)
            def _():
                pltpu.sync_copy(acc_sh.at[pl.ds(s * RS, RS)],
                                out_hbm.at[pl.ds(obase + s * RS, RS)])

            @pl.when(s == _NS - 1)
            def _():
                pltpu.sync_copy(acc_sh.at[pl.ds((_NS - 1) * RS, LAST)],
                                out_hbm.at[pl.ds(obase + (_NS - 1) * RS, LAST)])

            plsc.subcore_barrier()

    return scat_k


def _make_linear_kernel(N, D_IN, D):
    R = 1000
    NSL = D // _SL
    NR = N // R
    grid = (N // R, NSL)

    def body(x_ref, w_ref, degp_ref, hp_ref, dis_ref):
        deg = degp_ref[...]
        d = deg[:, 0:1] + deg[:, 1:2] + 1.0
        dis = lax.rsqrt(d)
        hp_ref[...] = jnp.dot(x_ref[...], w_ref[...],
                              preferred_element_type=jnp.float32) * dis
        dis_ref[...] = dis

    return pl.pallas_call(
        body,
        grid=grid,
        in_specs=[
            pl.BlockSpec((R, D_IN), lambda i, j: (i, 0)),
            pl.BlockSpec((D_IN, _SL), lambda i, j: (0, j)),
            pl.BlockSpec((R, 2), lambda i, j: (i, 0)),
        ],
        out_specs=[
            pl.BlockSpec((R, _SL), lambda i, j: (j * NR + i, 0)),
            pl.BlockSpec((R, 1), lambda i, j: (i, 0)),
        ],
        out_shape=[
            jax.ShapeDtypeStruct((NSL * N, _SL), jnp.float32),
            jax.ShapeDtypeStruct((N, 1), jnp.float32),
        ],
    )


def _make_mlp_kernel(N, D, DH):
    R = 1000
    NSL = D // _SL
    NR = N // R
    grid = (N // R,)

    def _leaky(z):
        return jnp.where(z >= 0, z, ALPHA * z)

    def body(a0, a1, a2, a3, h0, h1, h2, h3, dis_ref, bg_ref,
             w1_ref, b1_ref, w2_ref, b2_ref, w3_ref, b3_ref,
             wo_ref, bo_ref, out_ref):
        dis = dis_ref[...]
        acc = jnp.concatenate([a0[...], a1[...], a2[...], a3[...]], axis=1)
        hp = jnp.concatenate([h0[...], h1[...], h2[...], h3[...]], axis=1)
        conv = dis * (acc + hp) + bg_ref[...]
        z1 = _leaky(jnp.dot(conv, w1_ref[...],
                            preferred_element_type=jnp.float32) + b1_ref[...])
        z2 = _leaky(jnp.dot(z1, w2_ref[...],
                            preferred_element_type=jnp.float32) + b2_ref[...])
        z3 = _leaky(jnp.dot(z2, w3_ref[...],
                            preferred_element_type=jnp.float32) + b3_ref[...])
        out_ref[...] = jnp.dot(z3, wo_ref[...],
                               preferred_element_type=jnp.float32) + bo_ref[...]

    full = lambda a, b: pl.BlockSpec((a, b), lambda i: (0, 0))

    def slice_spec(k):
        return pl.BlockSpec((R, _SL), lambda i, k=k: (k * NR + i, 0))

    return pl.pallas_call(
        body,
        grid=grid,
        in_specs=[slice_spec(k) for k in range(NSL)]
        + [slice_spec(k) for k in range(NSL)]
        + [
            pl.BlockSpec((R, 1), lambda i: (i, 0)),
            full(1, D),
            full(D, DH), full(1, DH),
            full(DH, DH), full(1, DH),
            full(DH, DH), full(1, DH),
            full(DH, 1), full(1, 1),
        ],
        out_specs=pl.BlockSpec((R, 1), lambda i: (i, 0)),
        out_shape=jax.ShapeDtypeStruct((N, 1), jnp.float32),
    )


def kernel(x, edge_index, W_gcn, b_gcn, W1, b1, W2, b2, W3, b3, Wo, bo):
    N, D_IN = x.shape
    D = W_gcn.shape[1]
    DH = W1.shape[1]
    E = edge_index.shape[1]

    EP = _EPT * _NS
    pad = EP - E
    row_p = jnp.concatenate([edge_index[0], jnp.zeros((pad,), jnp.int32)])
    col_p = jnp.concatenate([edge_index[1], jnp.full((pad,), N, jnp.int32)])
    col = edge_index[1]
    ones_e = jnp.ones((E // (_NC * _NS),), jnp.float32)
    zeros_n = jnp.zeros((N,), jnp.float32)

    degp = _make_deg_kernel(N, E)(col, ones_e, zeros_n)
    hp_all, dis = _make_linear_kernel(N, D_IN, D)(x, W_gcn, degp.T)
    acc_all = _make_scatter_kernel(N, E, D)(row_p, col_p, hp_all)
    out = _make_mlp_kernel(N, D, DH)(
        acc_all, acc_all, acc_all, acc_all,
        hp_all, hp_all, hp_all, hp_all,
        dis, b_gcn.reshape(1, D),
        W1, b1.reshape(1, DH), W2, b2.reshape(1, DH),
        W3, b3.reshape(1, DH), Wo, bo.reshape(1, 1))
    return out

# --- scband reference (transcript-rebuilt; emitter-appended) ---
"""Pipeline reference for scband-deep-ham-critic-58222576664665 (READ-ONLY COPY).

The authoritative reference and input builder live on the scoring server;
editing this copy changes nothing except your own understanding.
"""

import jax, jax.numpy as jnp
import numpy as np

N = 10000
E = 320000
D_IN = 128
D_GCN = 512
D_H = 256
ALPHA = 0.1


def setup_inputs(seed: int = 0) -> dict:
    key = jax.random.key(seed)
    ks = jax.random.split(key, 12)
    x = jax.random.normal(ks[0], (N, D_IN), dtype=jnp.float32)
    edge_index = jax.random.randint(ks[1], (2, E), 0, N, dtype=jnp.int32)
    W_gcn = jax.random.normal(ks[2], (D_IN, D_GCN), dtype=jnp.float32) * (1.0 / np.sqrt(D_IN))
    b_gcn = jnp.zeros((D_GCN,), dtype=jnp.float32)
    W1 = jax.random.normal(ks[3], (D_GCN, D_H), dtype=jnp.float32) * (1.0 / np.sqrt(D_GCN))
    b1 = jax.random.normal(ks[4], (D_H,), dtype=jnp.float32) * 0.01
    W2 = jax.random.normal(ks[5], (D_H, D_H), dtype=jnp.float32) * (1.0 / np.sqrt(D_H))
    b2 = jax.random.normal(ks[6], (D_H,), dtype=jnp.float32) * 0.01
    W3 = jax.random.normal(ks[7], (D_H, D_H), dtype=jnp.float32) * (1.0 / np.sqrt(D_H))
    b3 = jax.random.normal(ks[8], (D_H,), dtype=jnp.float32) * 0.01
    Wo = jax.random.normal(ks[9], (D_H, 1), dtype=jnp.float32) * (1.0 / np.sqrt(D_H))
    bo = jnp.zeros((1,), dtype=jnp.float32)
    return {"x": x, "edge_index": edge_index, "W_gcn": W_gcn, "b_gcn": b_gcn,
            "W1": W1, "b1": b1, "W2": W2, "b2": b2, "W3": W3, "b3": b3,
            "Wo": Wo, "bo": bo}


def _leaky(z, alpha):
    return jnp.where(z >= 0, z, alpha * z)


def reference(x, edge_index, W_gcn, b_gcn, W1, b1, W2, b2, W3, b3, Wo, bo):
    n = x.shape[0]
    # GCNConv: add self loops, symmetric normalization, linear-then-aggregate
    loops = jnp.arange(n, dtype=edge_index.dtype)
    ei = jnp.concatenate([edge_index, jnp.stack([loops, loops])], axis=1)
    row, col = ei[0], ei[1]
    deg = jnp.zeros((n,), dtype=jnp.float32).at[col].add(1.0)
    deg_inv_sqrt = jnp.where(deg > 0, deg ** -0.5, 0.0)
    norm = deg_inv_sqrt[row] * deg_inv_sqrt[col]
    h = x @ W_gcn
    msgs = h[row] * norm[:, None]
    conv = jnp.zeros((n, h.shape[1]), dtype=jnp.float32).at[col].add(msgs) + b_gcn
    # MLP head with leaky relu
    h1 = _leaky(conv @ W1 + b1, ALPHA)
    h2 = _leaky(h1 @ W2 + b2, ALPHA)
    h3 = _leaky(h2 @ W3 + b3, ALPHA)
    out = h3 @ Wo + bo
    return out

if __name__ == "__main__":
    import jax
    _d = setup_inputs()
    print(jax.jit(kernel)(*tuple(_d.values())))

</pallas_src>

<mosaic_0001>
#map = affine_map<(d0, d1) -> (0)>
#map1 = affine_map<(d0, d1) -> (0, 0)>
module attributes {stable_mosaic.version = 14 : i64} {
  func.func @deg_k(%arg0: i32, %arg1: i32, %arg2: memref<320000xi32, #tpu.memory_space<hbm>>, %arg3: memref<10000xf32, #tpu.memory_space<hbm>>, %arg4: memref<10000xf32, #tpu.memory_space<hbm>>, %arg5: memref<2x10000xf32, #tpu.memory_space<hbm>>, %arg6: memref<10000xi32, #tpu.memory_space<vmem>>, %arg7: memref<10000xf32, #tpu.memory_space<vmem>>, %arg8: memref<10000xf32, #tpu.memory_space<vmem_shared>>) attributes {dimension_semantics = [#tpu.dimension_semantics<core_parallel>, #tpu.dimension_semantics<subcore_parallel>], iteration_bounds = array<i64: 2, 16>, scalar_prefetch = 0 : i64, scratch_operands = 3 : i64, tpu.core_type = #tpu.core_type<sc_vector_subcore>, window_params = [{transform_indices = #map}, {transform_indices = #map}, {transform_indices = #map}, {transform_indices = #map1}]} {
    %mul3A = arith.constant 16 : i32
    %mul3A_0 = arith.muli %arg0, %mul3A : i32
    %add3A = arith.addi %mul3A_0, %arg1 : i32
    %mul3A_1 = arith.constant 10000 : i32
    %mul3A_2 = arith.muli %add3A, %mul3A_1 : i32
    "tpu.region"() ({
      %run_scoped3A = tpu.sem_alloc : memref<!tpu.dma_semaphore, #tpu.memory_space<semaphore_mem>>
      %dma_start3A = tpu.memref_slice %arg2[%mul3A_2] : memref<320000xi32, #tpu.memory_space<hbm>> -> memref<10000xi32, #tpu.memory_space<hbm>>
      %dma_start3A_11 = tpu.memref_slice %arg2[%mul3A_2] : memref<320000xi32, #tpu.memory_space<hbm>> -> memref<10000xi32, #tpu.memory_space<hbm>>
      tpu.enqueue_dma source(%dma_start3A_11 : memref<10000xi32, #tpu.memory_space<hbm>>) target(%arg6 : memref<10000xi32, #tpu.memory_space<vmem>>) target_semaphore(%run_scoped3A : memref<!tpu.dma_semaphore, #tpu.memory_space<semaphore_mem>>)
      %dma_wait3A = tpu.memref_slice %arg2[%mul3A_2] : memref<320000xi32, #tpu.memory_space<hbm>> -> memref<10000xi32, #tpu.memory_space<hbm>>
      %dma_wait3A_12 = tpu.memref_slice %arg2[%mul3A_2] : memref<320000xi32, #tpu.memory_space<hbm>> -> memref<10000xi32, #tpu.memory_space<hbm>>
      tpu.wait_dma2 semaphore(%run_scoped3A : memref<!tpu.dma_semaphore, #tpu.memory_space<semaphore_mem>>) src(%dma_wait3A_12 : memref<10000xi32, #tpu.memory_space<hbm>>) dst(%arg6 : memref<10000xi32, #tpu.memory_space<vmem>>)
      tpu.yield
    }) : () -> ()
    "tpu.region"() ({
      %run_scoped3A = tpu.sem_alloc : memref<!tpu.dma_semaphore, #tpu.memory_space<semaphore_mem>>
      tpu.enqueue_dma source(%arg3 : memref<10000xf32, #tpu.memory_space<hbm>>) target(%arg7 : memref<10000xf32, #tpu.memory_space<vmem>>) target_semaphore(%run_scoped3A : memref<!tpu.dma_semaphore, #tpu.memory_space<semaphore_mem>>)
      tpu.wait_dma2 semaphore(%run_scoped3A : memref<!tpu.dma_semaphore, #tpu.memory_space<semaphore_mem>>) src(%arg3 : memref<10000xf32, #tpu.memory_space<hbm>>) dst(%arg7 : memref<10000xf32, #tpu.memory_space<vmem>>)
      tpu.yield
    }) : () -> ()
    %eq3A = arith.constant 0 : i32
    %eq3A_3 = arith.cmpi eq, %arg1, %eq3A : i32
    %convert_element_type3A = arith.extui %eq3A_3 : i1 to i32
    %cond3A = arith.constant 0 : i32
    %cond3A_4 = arith.cmpi ne, %convert_element_type3A, %cond3A : i32
    scf.if %cond3A_4 {
      "tpu.region"() ({
        %run_scoped3A = tpu.sem_alloc : memref<!tpu.dma_semaphore, #tpu.memory_space<semaphore_mem>>
        tpu.enqueue_dma source(%arg4 : memref<10000xf32, #tpu.memory_space<hbm>>) target(%arg8 : memref<10000xf32, #tpu.memory_space<vmem_shared>>) target_semaphore(%run_scoped3A : memref<!tpu.dma_semaphore, #tpu.memory_space<semaphore_mem>>)
        tpu.wait_dma2 semaphore(%run_scoped3A : memref<!tpu.dma_semaphore, #tpu.memory_space<semaphore_mem>>) src(%arg4 : memref<10000xf32, #tpu.memory_space<hbm>>) dst(%arg8 : memref<10000xf32, #tpu.memory_space<vmem_shared>>)
        tpu.yield
      }) : () -> ()
    } else {
    }
    %barrier3A = arith.constant 0 : index
    tpu.barrier barrier_id(%barrier3A)
    "tpu.region"() ({
      %run_scoped3A = tpu.sem_alloc : memref<!tpu.dma_semaphore, #tpu.memory_space<semaphore_mem>>
      %dma_start3A = arith.constant 0 : i32
      %dma_start3A_11 = tpu.memref_slice %arg8[%dma_start3A] : memref<10000xf32, #tpu.memory_space<vmem_shared>> -> memref<10000xf32, #tpu.memory_space<vmem_shared>>
      tpu.enqueue_indirect_dma source(%arg7 : memref<10000xf32, #tpu.memory_space<vmem>>) target(%dma_start3A_11 : memref<10000xf32, #tpu.memory_space<vmem_shared>>) offsets(%arg6 : memref<10000xi32, #tpu.memory_space<vmem>>) semaphore(%run_scoped3A : memref<!tpu.dma_semaphore, #tpu.memory_space<semaphore_mem>>) {add = true}
      %dma_wait3A = arith.constant 0 : i32
      %dma_wait3A_12 = tpu.memref_slice %arg8[%dma_wait3A] : memref<10000xf32, #tpu.memory_space<vmem_shared>> -> memref<10000xf32, #tpu.memory_space<vmem_shared>>
      tpu.wait_indirect_dma semaphore(%run_scoped3A : memref<!tpu.dma_semaphore, #tpu.memory_space<semaphore_mem>>) src(%arg7 : memref<10000xf32, #tpu.memory_space<vmem>>) dst(%dma_wait3A_12 : memref<10000xf32, #tpu.memory_space<vmem_shared>>)
      tpu.yield
    }) : () -> ()
    %barrier3A_5 = arith.constant 0 : index
    tpu.barrier barrier_id(%barrier3A_5)
    %eq3A_6 = arith.constant 0 : i32
    %eq3A_7 = arith.cmpi eq, %arg1, %eq3A_6 : i32
    %convert_element_type3A_8 = arith.extui %eq3A_7 : i1 to i32
    %cond3A_9 = arith.constant 0 : i32
    %cond3A_10 = arith.cmpi ne, %convert_element_type3A_8, %cond3A_9 : i32
    scf.if %cond3A_10 {
      "tpu.region"() ({
        %run_scoped3A = tpu.sem_alloc : memref<!tpu.dma_semaphore, #tpu.memory_space<semaphore_mem>>
        %dma_start3A = arith.constant 0 : i32
        %dma_start3A_11 = tpu.memref_slice %arg5[%arg0, %dma_start3A] : memref<2x10000xf32, #tpu.memory_space<hbm>> -> memref<1x10000xf32, #tpu.memory_space<hbm>>
        %dma_start3A_12 = tpu.memref_squeeze %dma_start3A_11 : memref<1x10000xf32, #tpu.memory_space<hbm>> -> memref<10000xf32, #tpu.memory_space<hbm>>
        tpu.enqueue_dma source(%arg8 : memref<10000xf32, #tpu.memory_space<vmem_shared>>) target(%dma_start3A_12 : memref<10000xf32, #tpu.memory_space<hbm>>) target_semaphore(%run_scoped3A : memref<!tpu.dma_semaphore, #tpu.memory_space<semaphore_mem>>)
        %dma_wait3A = arith.constant 0 : i32
        %dma_wait3A_13 = tpu.memref_slice %arg5[%arg0, %dma_wait3A] : memref<2x10000xf32, #tpu.memory_space<hbm>> -> memref<1x10000xf32, #tpu.memory_space<hbm>>
        %dma_wait3A_14 = tpu.memref_squeeze %dma_wait3A_13 : memref<1x10000xf32, #tpu.memory_space<hbm>> -> memref<10000xf32, #tpu.memory_space<hbm>>
        tpu.wait_dma2 semaphore(%run_scoped3A : memref<!tpu.dma_semaphore, #tpu.memory_space<semaphore_mem>>) src(%arg8 : memref<10000xf32, #tpu.memory_space<vmem_shared>>) dst(%dma_wait3A_14 : memref<10000xf32, #tpu.memory_space<hbm>>)
        tpu.yield
      }) : () -> ()
    } else {
    }
    return
  }
}

#map = affine_map<(d0, d1) -> (0)>
#map1 = affine_map<(d0, d1) -> (0, 0)>
module attributes {stable_mosaic.version = 14 : i64} {
  func.func @scat_k(%arg0: i32, %arg1: i32, %arg2: memref<327680xi32, #tpu.memory_space<hbm>>, %arg3: memref<327680xi32, #tpu.memory_space<hbm>>, %arg4: memref<40000x128xf32, #tpu.memory_space<hbm>>, %arg5: memref<40000x128xf32, #tpu.memory_space<hbm>>, %arg6: memref<2048xi32, #tpu.memory_space<vmem>>, %arg7: memref<2048xi32, #tpu.memory_space<vmem>>, %arg8: memref<128x128xf32, #tpu.memory_space<vmem>>, %arg9: memref<128x128xf32, #tpu.memory_space<vmem>>, %arg10: memref<10008x128xf32, #tpu.memory_space<vmem_shared>>, %arg11: memref<!tpu.dma_semaphore, #tpu.memory_space<semaphore_mem>>, %arg12: memref<!tpu.dma_semaphore, #tpu.memory_space<semaphore_mem>>, %arg13: memref<!tpu.dma_semaphore, #tpu.memory_space<semaphore_mem>>, %arg14: memref<!tpu.dma_semaphore, #tpu.memory_space<semaphore_mem>>) attributes {dimension_semantics = [#tpu.dimension_semantics<core_parallel>, #tpu.dimension_semantics<subcore_parallel>], iteration_bounds = array<i64: 2, 16>, scalar_prefetch = 0 : i64, scratch_operands = 9 : i64, tpu.core_type = #tpu.core_type<sc_vector_subcore>, window_params = [{transform_indices = #map}, {transform_indices = #map}, {transform_indices = #map1}, {transform_indices = #map1}]} {
    %broadcast_in_dim3A = arith.constant 0.000000e+00 : f32
    %broadcast_in_dim3A_0 = vector.broadcast %broadcast_in_dim3A : f32 to vector<16xf32>
    %add3A = arith.constant 0 : i32
    %add3A_1 = arith.addi %add3A, %arg0 : i32
    %scan3A = arith.constant 0 : i32
    %scan3A_2 = arith.constant 0 : i32
    %scan3A_3 = arith.constant 128 : i32
    %scan3A_4 = arith.addi %scan3A_2, %scan3A_3 : i32
    %scan3A_5 = arith.constant 1 : i32
    %scan3A_6 = scf.for %scan3A_87 = %scan3A_2 to %scan3A_4 step %scan3A_5 iter_args(%scan3A_88 = %scan3A) -> (i32)  : i32 {
      %swap3A = arith.index_cast %scan3A_87 : i32 to index
      %swap3A_89 = arith.constant 0 : index
      %swap3A_90 = tpu.vector_load %arg8[%swap3A, %swap3A_89] {strides = array<i32>} : memref<128x128xf32, #tpu.memory_space<vmem>>, vector<16xf32>,
      tpu.vector_store %arg8[%swap3A, %swap3A_89], %broadcast_in_dim3A_0 {strides = array<i32>} : memref<128x128xf32, #tpu.memory_space<vmem>>, vector<16xf32>,
      %swap3A_91 = arith.index_cast %scan3A_87 : i32 to index
      %swap3A_92 = arith.constant 16 : index
      %swap3A_93 = tpu.vector_load %arg8[%swap3A_91, %swap3A_92] {strides = array<i32>} : memref<128x128xf32, #tpu.memory_space<vmem>>, vector<16xf32>,
      tpu.vector_store %arg8[%swap3A_91, %swap3A_92], %broadcast_in_dim3A_0 {strides = array<i32>} : memref<128x128xf32, #tpu.memory_space<vmem>>, vector<16xf32>,
      %swap3A_94 = arith.index_cast %scan3A_87 : i32 to index
      %swap3A_95 = arith.constant 32 : index
      %swap3A_96 = tpu.vector_load %arg8[%swap3A_94, %swap3A_95] {strides = array<i32>} : memref<128x128xf32, #tpu.memory_space<vmem>>, vector<16xf32>,
      tpu.vector_store %arg8[%swap3A_94, %swap3A_95], %broadcast_in_dim3A_0 {strides = array<i32>} : memref<128x128xf32, #tpu.memory_space<vmem>>, vector<16xf32>,
      %swap3A_97 = arith.index_cast %scan3A_87 : i32 to index
      %swap3A_98 = arith.constant 48 : index
      %swap3A_99 = tpu.vector_load %arg8[%swap3A_97, %swap3A_98] {strides = array<i32>} : memref<128x128xf32, #tpu.memory_space<vmem>>, vector<16xf32>,
      tpu.vector_store %arg8[%swap3A_97, %swap3A_98], %broadcast_in_dim3A_0 {strides = array<i32>} : memref<128x128xf32, #tpu.memory_space<vmem>>, vector<16xf32>,
      %swap3A_100 = arith.index_cast %scan3A_87 : i32 to index
      %swap3A_101 = arith.constant 64 : index
      %swap3A_102 = tpu.vector_load %arg8[%swap3A_100, %swap3A_101] {strides = array<i32>} : memref<128x128xf32, #tpu.memory_space<vmem>>, vector<16xf32>,
      tpu.vector_store %arg8[%swap3A_100, %swap3A_101], %broadcast_in_dim3A_0 {strides = array<i32>} : memref<128x128xf32, #tpu.memory_space<vmem>>, vector<16xf32>,
      %swap3A_103 = arith.index_cast %scan3A_87 : i32 to index
      %swap3A_104 = arith.constant 80 : index
      %swap3A_105 = tpu.vector_load %arg8[%swap3A_103, %swap3A_104] {strides = array<i32>} : memref<128x128xf32, #tpu.memory_space<vmem>>, vector<16xf32>,
      tpu.vector_store %arg8[%swap3A_103, %swap3A_104], %broadcast_in_dim3A_0 {strides = array<i32>} : memref<128x128xf32, #tpu.memory_space<vmem>>, vector<16xf32>,
      %swap3A_106 = arith.index_cast %scan3A_87 : i32 to index
      %swap3A_107 = arith.constant 96 : index
      %swap3A_108 = tpu.vector_load %arg8[%swap3A_106, %swap3A_107] {strides = array<i32>} : memref<128x128xf32, #tpu.memory_space<vmem>>, vector<16xf32>,
      tpu.vector_store %arg8[%swap3A_106, %swap3A_107], %broadcast_in_dim3A_0 {strides = array<i32>} : memref<128x128xf32, #tpu.memory_space<vmem>>, vector<16xf32>,
      %swap3A_109 = arith.index_cast %scan3A_87 : i32 to index
      %swap3A_110 = arith.constant 112 : index
      %swap3A_111 = tpu.vector_load %arg8[%swap3A_109, %swap3A_110] {strides = array<i32>} : memref<128x128xf32, #tpu.memory_space<vmem>>, vector<16xf32>,
      tpu.vector_store %arg8[%swap3A_109, %swap3A_110], %broadcast_in_dim3A_0 {strides = array<i32>} : memref<128x128xf32, #tpu.memory_space<vmem>>, vector<16xf32>,
      %scan3A_112 = arith.constant 0 : i32
      scf.yield %scan3A_112 : i32
    }
    %scan3A_7 = arith.constant 128 : i32
    %lt3A = arith.constant 15 : i32
    %lt3A_8 = arith.cmpi slt, %arg1, %lt3A : i32
    %convert_element_type3A = arith.extui %lt3A_8 : i1 to i32
    %cond3A = arith.constant 0 : i32
    %cond3A_9 = arith.cmpi ne, %convert_element_type3A, %cond3A : i32
    scf.if %cond3A_9 {
      %mul3A_87 = arith.constant 640 : i32
      %mul3A_88 = arith.muli %arg1, %mul3A_87 : i32
      %add3A_89 = arith.constant 0 : i32
      %add3A_90 = arith.addi %mul3A_88, %add3A_89 : i32
      "tpu.region"() ({
        %run_scoped3A = tpu.sem_alloc : memref<!tpu.dma_semaphore, #tpu.memory_space<semaphore_mem>>
        %dma_start3A = arith.constant 0 : i32
        %dma_start3A_107 = tpu.memref_slice %arg10[%add3A_90, %dma_start3A] : memref<10008x128xf32, #tpu.memory_space<vmem_shared>> -> memref<128x128xf32, #tpu.memory_space<vmem_shared>>
        %dma_start3A_108 = arith.constant 0 : i32
        %dma_start3A_109 = tpu.memref_slice %arg10[%add3A_90, %dma_start3A_108] : memref<10008x128xf32, #tpu.memory_space<vmem_shared>> -> memref<128x128xf32, #tpu.memory_space<vmem_shared>>
        tpu.enqueue_dma source(%arg8 : memref<128x128xf32, #tpu.memory_space<vmem>>) target(%dma_start3A_109 : memref<128x128xf32, #tpu.memory_space<vmem_shared>>) target_semaphore(%run_scoped3A : memref<!tpu.dma_semaphore, #tpu.memory_space<semaphore_mem>>)
        %dma_wait3A = arith.constant 0 : i32
        %dma_wait3A_110 = tpu.memref_slice %arg10[%add3A_90, %dma_wait3A] : memref<10008x128xf32, #tpu.memory_space<vmem_shared>> -> memref<128x128xf32, #tpu.memory_space<vmem_shared>>
        %dma_wait3A_111 = arith.constant 0 : i32
        %dma_wait3A_112 = tpu.memref_slice %arg10[%add3A_90, %dma_wait3A_111] : memref<10008x128xf32, #tpu.memory_space<vmem_shared>> -> memref<128x128xf32, #tpu.memory_space<vmem_shared>>
        tpu.wait_dma2 semaphore(%run_scoped3A : memref<!tpu.dma_semaphore, #tpu.memory_space<semaphore_mem>>) src(%arg8 : memref<128x128xf32, #tpu.memory_space<vmem>>) dst(%dma_wait3A_112 : memref<128x128xf32, #tpu.memory_space<vmem_shared>>)
        tpu.yield
      }) : () -> ()
      %mul3A_91 = arith.constant 640 : i32
      %mul3A_92 = arith.muli %arg1, %mul3A_91 : i32
      %add3A_93 = arith.constant 128 : i32
      %add3A_94 = arith.addi %mul3A_92, %add3A_93 : i32
      "tpu.region"() ({
        %run_scoped3A = tpu.sem_alloc : memref<!tpu.dma_semaphore, #tpu.memory_space<semaphore_mem>>
        %dma_start3A = arith.constant 0 : i32
        %dma_start3A_107 = tpu.memref_slice %arg10[%add3A_94, %dma_start3A] : memref<10008x128xf32, #tpu.memory_space<vmem_shared>> -> memref<128x128xf32, #tpu.memory_space<vmem_shared>>
        %dma_start3A_108 = arith.constant 0 : i32
        %dma_start3A_109 = tpu.memref_slice %arg10[%add3A_94, %dma_start3A_108] : memref<10008x128xf32, #tpu.memory_space<vmem_shared>> -> memref<128x128xf32, #tpu.memory_space<vmem_shared>>
        tpu.enqueue_dma source(%arg8 : memref<128x128xf32, #tpu.memory_space<vmem>>) target(%dma_start3A_109 : memref<128x128xf32, #tpu.memory_space<vmem_shared>>) target_semaphore(%run_scoped3A : memref<!tpu.dma_semaphore, #tpu.memory_space<semaphore_mem>>)
        %dma_wait3A = arith.constant 0 : i32
        %dma_wait3A_110 = tpu.memref_slice %arg10[%add3A_94, %dma_wait3A] : memref<10008x128xf32, #tpu.memory_space<vmem_shared>> -> memref<128x128xf32, #tpu.memory_space<vmem_shared>>
        %dma_wait3A_111 = arith.constant 0 : i32
        %dma_wait3A_112 = tpu.memref_slice %arg10[%add3A_94, %dma_wait3A_111] : memref<10008x128xf32, #tpu.memory_space<vmem_shared>> -> memref<128x128xf32, #tpu.memory_space<vmem_shared>>
        tpu.wait_dma2 semaphore(%run_scoped3A : memref<!tpu.dma_semaphore, #tpu.memory_space<semaphore_mem>>) src(%arg8 : memref<128x128xf32, #tpu.memory_space<vmem>>) dst(%dma_wait3A_112 : memref<128x128xf32, #tpu.memory_space<vmem_shared>>)
        tpu.yield
      }) : () -> ()
      %mul3A_95 = arith.constant 640 : i32
      %mul3A_96 = arith.muli %arg1, %mul3A_95 : i32
      %add3A_97 = arith.constant 256 : i32
      %add3A_98 = arith.addi %mul3A_96, %add3A_97 : i32
      "tpu.region"() ({
        %run_scoped3A = tpu.sem_alloc : memref<!tpu.dma_semaphore, #tpu.memory_space<semaphore_mem>>
        %dma_start3A = arith.constant 0 : i32
        %dma_start3A_107 = tpu.memref_slice %arg10[%add3A_98, %dma_start3A] : memref<10008x128xf32, #tpu.memory_space<vmem_shared>> -> memref<128x128xf32, #tpu.memory_space<vmem_shared>>
        %dma_start3A_108 = arith.constant 0 : i32
        %dma_start3A_109 = tpu.memref_slice %arg10[%add3A_98, %dma_start3A_108] : memref<10008x128xf32, #tpu.memory_space<vmem_shared>> -> memref<128x128xf32, #tpu.memory_space<vmem_shared>>
        tpu.enqueue_dma source(%arg8 : memref<128x128xf32, #tpu.memory_space<vmem>>) target(%dma_start3A_109 : memref<128x128xf32, #tpu.memory_space<vmem_shared>>) target_semaphore(%run_scoped3A : memref<!tpu.dma_semaphore, #tpu.memory_space<semaphore_mem>>)
        %dma_wait3A = arith.constant 0 : i32
        %dma_wait3A_110 = tpu.memref_slice %arg10[%add3A_98, %dma_wait3A] : memref<10008x128xf32, #tpu.memory_space<vmem_shared>> -> memref<128x128xf32, #tpu.memory_space<vmem_shared>>
        %dma_wait3A_111 = arith.constant 0 : i32
        %dma_wait3A_112 = tpu.memref_slice %arg10[%add3A_98, %dma_wait3A_111] : memref<10008x128xf32, #tpu.memory_space<vmem_shared>> -> memref<128x128xf32, #tpu.memory_space<vmem_shared>>
        tpu.wait_dma2 semaphore(%run_scoped3A : memref<!tpu.dma_semaphore, #tpu.memory_space<semaphore_mem>>) src(%arg8 : memref<128x128xf32, #tpu.memory_space<vmem>>) dst(%dma_wait3A_112 : memref<128x128xf32, #tpu.memory_space<vmem_shared>>)
        tpu.yield
      }) : () -> ()
      %mul3A_99 = arith.constant 640 : i32
      %mul3A_100 = arith.muli %arg1, %mul3A_99 : i32
      %add3A_101 = arith.constant 384 : i32
      %add3A_102 = arith.addi %mul3A_100, %add3A_101 : i32
      "tpu.region"() ({
        %run_scoped3A = tpu.sem_alloc : memref<!tpu.dma_semaphore, #tpu.memory_space<semaphore_mem>>
        %dma_start3A = arith.constant 0 : i32
        %dma_start3A_107 = tpu.memref_slice %arg10[%add3A_102, %dma_start3A] : memref<10008x128xf32, #tpu.memory_space<vmem_shared>> -> memref<128x128xf32, #tpu.memory_space<vmem_shared>>
        %dma_start3A_108 = arith.constant 0 : i32
        %dma_start3A_109 = tpu.memref_slice %arg10[%add3A_102, %dma_start3A_108] : memref<10008x128xf32, #tpu.memory_space<vmem_shared>> -> memref<128x128xf32, #tpu.memory_space<vmem_shared>>
        tpu.enqueue_dma source(%arg8 : memref<128x128xf32, #tpu.memory_space<vmem>>) target(%dma_start3A_109 : memref<128x128xf32, #tpu.memory_space<vmem_shared>>) target_semaphore(%run_scoped3A : memref<!tpu.dma_semaphore, #tpu.memory_space<semaphore_mem>>)
        %dma_wait3A = arith.constant 0 : i32
        %dma_wait3A_110 = tpu.memref_slice %arg10[%add3A_102, %dma_wait3A] : memref<10008x128xf32, #tpu.memory_space<vmem_shared>> -> memref<128x128xf32, #tpu.memory_space<vmem_shared>>
        %dma_wait3A_111 = arith.constant 0 : i32
        %dma_wait3A_112 = tpu.memref_slice %arg10[%add3A_102, %dma_wait3A_111] : memref<10008x128xf32, #tpu.memory_space<vmem_shared>> -> memref<128x128xf32, #tpu.memory_space<vmem_shared>>
        tpu.wait_dma2 semaphore(%run_scoped3A : memref<!tpu.dma_semaphore, #tpu.memory_space<semaphore_mem>>) src(%arg8 : memref<128x128xf32, #tpu.memory_space<vmem>>) dst(%dma_wait3A_112 : memref<128x128xf32, #tpu.memory_space<vmem_shared>>)
        tpu.yield
      }) : () -> ()
      %mul3A_103 = arith.constant 640 : i32
      %mul3A_104 = arith.muli %arg1, %mul3A_103 : i32
      %add3A_105 = arith.constant 512 : i32
      %add3A_106 = arith.addi %mul3A_104, %add3A_105 : i32
      "tpu.region"() ({
        %run_scoped3A = tpu.sem_alloc : memref<!tpu.dma_semaphore, #tpu.memory_space<semaphore_mem>>
        %dma_start3A = arith.constant 0 : i32
        %dma_start3A_107 = tpu.memref_slice %arg10[%add3A_106, %dma_start3A] : memref<10008x128xf32, #tpu.memory_space<vmem_shared>> -> memref<128x128xf32, #tpu.memory_space<vmem_shared>>
        %dma_start3A_108 = arith.constant 0 : i32
        %dma_start3A_109 = tpu.memref_slice %arg10[%add3A_106, %dma_start3A_108] : memref<10008x128xf32, #tpu.memory_space<vmem_shared>> -> memref<128x128xf32, #tpu.memory_space<vmem_shared>>
        tpu.enqueue_dma source(%arg8 : memref<128x128xf32, #tpu.memory_space<vmem>>) target(%dma_start3A_109 : memref<128x128xf32, #tpu.memory_space<vmem_shared>>) target_semaphore(%run_scoped3A : memref<!tpu.dma_semaphore, #tpu.memory_space<semaphore_mem>>)
        %dma_wait3A = arith.constant 0 : i32
        %dma_wait3A_110 = tpu.memref_slice %arg10[%add3A_106, %dma_wait3A] : memref<10008x128xf32, #tpu.memory_space<vmem_shared>> -> memref<128x128xf32, #tpu.memory_space<vmem_shared>>
        %dma_wait3A_111 = arith.constant 0 : i32
        %dma_wait3A_112 = tpu.memref_slice %arg10[%add3A_106, %dma_wait3A_111] : memref<10008x128xf32, #tpu.memory_space<vmem_shared>> -> memref<128x128xf32, #tpu.memory_space<vmem_shared>>
        tpu.wait_dma2 semaphore(%run_scoped3A : memref<!tpu.dma_semaphore, #tpu.memory_space<semaphore_mem>>) src(%arg8 : memref<128x128xf32, #tpu.memory_space<vmem>>) dst(%dma_wait3A_112 : memref<128x128xf32, #tpu.memory_space<vmem_shared>>)
        tpu.yield
      }) : () -> ()
    } else {
    }
    %eq3A = arith.constant 15 : i32
    %eq3A_10 = arith.cmpi eq, %arg1, %eq3A : i32
    %convert_element_type3A_11 = arith.extui %eq3A_10 : i1 to i32
    %cond3A_12 = arith.constant 0 : i32
    %cond3A_13 = arith.cmpi ne, %convert_element_type3A_11, %cond3A_12 : i32
    scf.if %cond3A_13 {
      "tpu.region"() ({
        %run_scoped3A = tpu.sem_alloc : memref<!tpu.dma_semaphore, #tpu.memory_space<semaphore_mem>>
        %dma_start3A = arith.constant 9600 : i32
        %dma_start3A_87 = arith.constant 0 : i32
        %dma_start3A_88 = tpu.memref_slice %arg10[%dma_start3A, %dma_start3A_87] : memref<10008x128xf32, #tpu.memory_space<vmem_shared>> -> memref<128x128xf32, #tpu.memory_space<vmem_shared>>
        %dma_start3A_89 = arith.constant 9600 : i32
        %dma_start3A_90 = arith.constant 0 : i32
        %dma_start3A_91 = tpu.memref_slice %arg10[%dma_start3A_89, %dma_start3A_90] : memref<10008x128xf32, #tpu.memory_space<vmem_shared>> -> memref<128x128xf32, #tpu.memory_space<vmem_shared>>
        tpu.enqueue_dma source(%arg8 : memref<128x128xf32, #tpu.memory_space<vmem>>) target(%dma_start3A_91 : memref<128x128xf32, #tpu.memory_space<vmem_shared>>) target_semaphore(%run_scoped3A : memref<!tpu.dma_semaphore, #tpu.memory_space<semaphore_mem>>)
        %dma_wait3A = arith.constant 9600 : i32
        %dma_wait3A_92 = arith.constant 0 : i32
        %dma_wait3A_93 = tpu.memref_slice %arg10[%dma_wait3A, %dma_wait3A_92] : memref<10008x128xf32, #tpu.memory_space<vmem_shared>> -> memref<128x128xf32, #tpu.memory_space<vmem_shared>>
        %dma_wait3A_94 = arith.constant 9600 : i32
        %dma_wait3A_95 = arith.constant 0 : i32
        %dma_wait3A_96 = tpu.memref_slice %arg10[%dma_wait3A_94, %dma_wait3A_95] : memref<10008x128xf32, #tpu.memory_space<vmem_shared>> -> memref<128x128xf32, #tpu.memory_space<vmem_shared>>
        tpu.wait_dma2 semaphore(%run_scoped3A : memref<!tpu.dma_semaphore, #tpu.memory_space<semaphore_mem>>) src(%arg8 : memref<128x128xf32, #tpu.memory_space<vmem>>) dst(%dma_wait3A_96 : memref<128x128xf32, #tpu.memory_space<vmem_shared>>)
        tpu.yield
      }) : () -> ()
      "tpu.region"() ({
        %run_scoped3A = tpu.sem_alloc : memref<!tpu.dma_semaphore, #tpu.memory_space<semaphore_mem>>
        %dma_start3A = arith.constant 9728 : i32
        %dma_start3A_87 = arith.constant 0 : i32
        %dma_start3A_88 = tpu.memref_slice %arg10[%dma_start3A, %dma_start3A_87] : memref<10008x128xf32, #tpu.memory_space<vmem_shared>> -> memref<128x128xf32, #tpu.memory_space<vmem_shared>>
        %dma_start3A_89 = arith.constant 9728 : i32
        %dma_start3A_90 = arith.constant 0 : i32
        %dma_start3A_91 = tpu.memref_slice %arg10[%dma_start3A_89, %dma_start3A_90] : memref<10008x128xf32, #tpu.memory_space<vmem_shared>> -> memref<128x128xf32, #tpu.memory_space<vmem_shared>>
        tpu.enqueue_dma source(%arg8 : memref<128x128xf32, #tpu.memory_space<vmem>>) target(%dma_start3A_91 : memref<128x128xf32, #tpu.memory_space<vmem_shared>>) target_semaphore(%run_scoped3A : memref<!tpu.dma_semaphore, #tpu.memory_space<semaphore_mem>>)
        %dma_wait3A = arith.constant 9728 : i32
        %dma_wait3A_92 = arith.constant 0 : i32
        %dma_wait3A_93 = tpu.memref_slice %arg10[%dma_wait3A, %dma_wait3A_92] : memref<10008x128xf32, #tpu.memory_space<vmem_shared>> -> memref<128x128xf32, #tpu.memory_space<vmem_shared>>
        %dma_wait3A_94 = arith.constant 9728 : i32
        %dma_wait3A_95 = arith.constant 0 : i32
        %dma_wait3A_96 = tpu.memref_slice %arg10[%dma_wait3A_94, %dma_wait3A_95] : memref<10008x128xf32, #tpu.memory_space<vmem_shared>> -> memref<128x128xf32, #tpu.memory_space<vmem_shared>>
        tpu.wait_dma2 semaphore(%run_scoped3A : memref<!tpu.dma_semaphore, #tpu.memory_space<semaphore_mem>>) src(%arg8 : memref<128x128xf32, #tpu.memory_space<vmem>>) dst(%dma_wait3A_96 : memref<128x128xf32, #tpu.memory_space<vmem_shared>>)
        tpu.yield
      }) : () -> ()
      "tpu.region"() ({
        %run_scoped3A = tpu.sem_alloc : memref<!tpu.dma_semaphore, #tpu.memory_space<semaphore_mem>>
        %dma_start3A = arith.constant 9856 : i32
        %dma_start3A_87 = arith.constant 0 : i32
        %dma_start3A_88 = tpu.memref_slice %arg10[%dma_start3A, %dma_start3A_87] : memref<10008x128xf32, #tpu.memory_space<vmem_shared>> -> memref<128x128xf32, #tpu.memory_space<vmem_shared>>
        %dma_start3A_89 = arith.constant 9856 : i32
        %dma_start3A_90 = arith.constant 0 : i32
        %dma_start3A_91 = tpu.memref_slice %arg10[%dma_start3A_89, %dma_start3A_90] : memref<10008x128xf32, #tpu.memory_space<vmem_shared>> -> memref<128x128xf32, #tpu.memory_space<vmem_shared>>
        tpu.enqueue_dma source(%arg8 : memref<128x128xf32, #tpu.memory_space<vmem>>) target(%dma_start3A_91 : memref<128x128xf32, #tpu.memory_space<vmem_shared>>) target_semaphore(%run_scoped3A : memref<!tpu.dma_semaphore, #tpu.memory_space<semaphore_mem>>)
        %dma_wait3A = arith.constant 9856 : i32
        %dma_wait3A_92 = arith.constant 0 : i32
        %dma_wait3A_93 = tpu.memref_slice %arg10[%dma_wait3A, %dma_wait3A_92] : memref<10008x128xf32, #tpu.memory_space<vmem_shared>> -> memref<128x128xf32, #tpu.memory_space<vmem_shared>>
        %dma_wait3A_94 = arith.constant 9856 : i32
        %dma_wait3A_95 = arith.constant 0 : i32
        %dma_wait3A_96 = tpu.memref_slice %arg10[%dma_wait3A_94, %dma_wait3A_95] : memref<10008x128xf32, #tpu.memory_space<vmem_shared>> -> memref<128x128xf32, #tpu.memory_space<vmem_shared>>
        tpu.wait_dma2 semaphore(%run_scoped3A : memref<!tpu.dma_semaphore, #tpu.memory_space<semaphore_mem>>) src(%arg8 : memref<128x128xf32, #tpu.memory_space<vmem>>) dst(%dma_wait3A_96 : memref<128x128xf32, #tpu.memory_space<vmem_shared>>)
        tpu.yield
      }) : () -> ()
      "tpu.region"() ({
        %run_scoped3A = tpu.sem_alloc : memref<!tpu.dma_semaphore, #tpu.memory_space<semaphore_mem>>
        %dma_start3A = arith.constant 0 : i32
        %dma_start3A_87 = arith.constant 0 : i32
        %dma_start3A_88 = tpu.memref_slice %arg8[%dma_start3A, %dma_start3A_87] : memref<128x128xf32, #tpu.memory_space<vmem>> -> memref<24x128xf32, #tpu.memory_space<vmem>>
        %dma_start3A_89 = arith.constant 9984 : i32
        %dma_start3A_90 = arith.constant 0 : i32
        %dma_start3A_91 = tpu.memref_slice %arg10[%dma_start3A_89, %dma_start3A_90] : memref<10008x128xf32, #tpu.memory_space<vmem_shared>> -> memref<24x128xf32, #tpu.memory_space<vmem_shared>>
        %dma_start3A_92 = arith.constant 9984 : i32
        %dma_start3A_93 = arith.constant 0 : i32
        %dma_start3A_94 = tpu.memref_slice %arg10[%dma_start3A_92, %dma_start3A_93] : memref<10008x128xf32, #tpu.memory_space<vmem_shared>> -> memref<24x128xf32, #tpu.memory_space<vmem_shared>>
        %dma_start3A_95 = arith.constant 0 : i32
        %dma_start3A_96 = arith.constant 0 : i32
        %dma_start3A_97 = tpu.memref_slice %arg8[%dma_start3A_95, %dma_start3A_96] : memref<128x128xf32, #tpu.memory_space<vmem>> -> memref<24x128xf32, #tpu.memory_space<vmem>>
        tpu.enqueue_dma source(%dma_start3A_97 : memref<24x128xf32, #tpu.memory_space<vmem>>) target(%dma_start3A_94 : memref<24x128xf32, #tpu.memory_space<vmem_shared>>) target_semaphore(%run_scoped3A : memref<!tpu.dma_semaphore, #tpu.memory_space<semaphore_mem>>)
        %dma_wait3A = arith.constant 0 : i32
        %dma_wait3A_98 = arith.constant 0 : i32
        %dma_wait3A_99 = tpu.memref_slice %arg8[%dma_wait3A, %dma_wait3A_98] : memref<128x128xf32, #tpu.memory_space<vmem>> -> memref<24x128xf32, #tpu.memory_space<vmem>>
        %dma_wait3A_100 = arith.constant 9984 : i32
        %dma_wait3A_101 = arith.constant 0 : i32
        %dma_wait3A_102 = tpu.memref_slice %arg10[%dma_wait3A_100, %dma_wait3A_101] : memref<10008x128xf32, #tpu.memory_space<vmem_shared>> -> memref<24x128xf32, #tpu.memory_space<vmem_shared>>
        %dma_wait3A_103 = arith.constant 9984 : i32
        %dma_wait3A_104 = arith.constant 0 : i32
        %dma_wait3A_105 = tpu.memref_slice %arg10[%dma_wait3A_103, %dma_wait3A_104] : memref<10008x128xf32, #tpu.memory_space<vmem_shared>> -> memref<24x128xf32, #tpu.memory_space<vmem_shared>>
        %dma_wait3A_106 = arith.constant 0 : i32
        %dma_wait3A_107 = arith.constant 0 : i32
        %dma_wait3A_108 = tpu.memref_slice %arg8[%dma_wait3A_106, %dma_wait3A_107] : memref<128x128xf32, #tpu.memory_space<vmem>> -> memref<24x128xf32, #tpu.memory_space<vmem>>
        tpu.wait_dma2 semaphore(%run_scoped3A : memref<!tpu.dma_semaphore, #tpu.memory_space<semaphore_mem>>) src(%dma_wait3A_108 : memref<24x128xf32, #tpu.memory_space<vmem>>) dst(%dma_wait3A_105 : memref<24x128xf32, #tpu.memory_space<vmem_shared>>)
        tpu.yield
      }) : () -> ()
    } else {
    }
    %barrier3A = arith.constant 0 : index
    tpu.barrier barrier_id(%barrier3A)
    %broadcast_in_dim3A_14 = arith.constant 0 : i32
    %broadcast_in_dim3A_15 = vector.broadcast %broadcast_in_dim3A_14 : i32 to vector<16xi32>
    %mul3A = arith.constant 10000 : i32
    %mul3A_16 = arith.muli %add3A_1, %mul3A : i32
    %add3A_17 = vector.broadcast %mul3A_16 : i32 to vector<16xi32>
    %add3A_18 = arith.addi %broadcast_in_dim3A_15, %add3A_17 : vector<16xi32>
    %scan3A_19 = arith.constant 0 : i32
    %scan3A_20 = arith.constant 0 : i32
    %scan3A_21 = arith.constant 10 : i32
    %scan3A_22 = arith.addi %scan3A_20, %scan3A_21 : i32
    %scan3A_23 = arith.constant 1 : i32
    %scan3A_24 = scf.for %scan3A_87 = %scan3A_20 to %scan3A_22 step %scan3A_23 iter_args(%scan3A_88 = %scan3A_19) -> (i32)  : i32 {
      %mul3A_89 = arith.constant 20480 : i32
      %mul3A_90 = arith.muli %arg1, %mul3A_89 : i32
      %mul3A_91 = arith.constant 2048 : i32
      %mul3A_92 = arith.muli %scan3A_87, %mul3A_91 : i32
      %add3A_93 = arith.addi %mul3A_90, %mul3A_92 : i32
      "tpu.region"() ({
        %run_scoped3A = tpu.sem_alloc : memref<!tpu.dma_semaphore, #tpu.memory_space<semaphore_mem>>
        %dma_start3A_420 = tpu.memref_slice %arg2[%add3A_93] : memref<327680xi32, #tpu.memory_space<hbm>> -> memref<2048xi32, #tpu.memory_space<hbm>>
        %dma_start3A_421 = tpu.memref_slice %arg2[%add3A_93] : memref<327680xi32, #tpu.memory_space<hbm>> -> memref<2048xi32, #tpu.memory_space<hbm>>
        tpu.enqueue_dma source(%dma_start3A_421 : memref<2048xi32, #tpu.memory_space<hbm>>) target(%arg6 : memref<2048xi32, #tpu.memory_space<vmem>>) target_semaphore(%run_scoped3A : memref<!tpu.dma_semaphore, #tpu.memory_space<semaphore_mem>>)
        %dma_wait3A_422 = tpu.memref_slice %arg2[%add3A_93] : memref<327680xi32, #tpu.memory_space<hbm>> -> memref<2048xi32, #tpu.memory_space<hbm>>
        %dma_wait3A_423 = tpu.memref_slice %arg2[%add3A_93] : memref<327680xi32, #tpu.memory_space<hbm>> -> memref<2048xi32, #tpu.memory_space<hbm>>
        tpu.wait_dma2 semaphore(%run_scoped3A : memref<!tpu.dma_semaphore, #tpu.memory_space<semaphore_mem>>) src(%dma_wait3A_423 : memref<2048xi32, #tpu.memory_space<hbm>>) dst(%arg6 : memref<2048xi32, #tpu.memory_space<vmem>>)
        tpu.yield
      }) : () -> ()
      "tpu.region"() ({
        %run_scoped3A = tpu.sem_alloc : memref<!tpu.dma_semaphore, #tpu.memory_space<semaphore_mem>>
        %dma_start3A_420 = tpu.memref_slice %arg3[%add3A_93] : memref<327680xi32, #tpu.memory_space<hbm>> -> memref<2048xi32, #tpu.memory_space<hbm>>
        %dma_start3A_421 = tpu.memref_slice %arg3[%add3A_93] : memref<327680xi32, #tpu.memory_space<hbm>> -> memref<2048xi32, #tpu.memory_space<hbm>>
        tpu.enqueue_dma source(%dma_start3A_421 : memref<2048xi32, #tpu.memory_space<hbm>>) target(%arg7 : memref<2048xi32, #tpu.memory_space<vmem>>) target_semaphore(%run_scoped3A : memref<!tpu.dma_semaphore, #tpu.memory_space<semaphore_mem>>)
        %dma_wait3A_422 = tpu.memref_slice %arg3[%add3A_93] : memref<327680xi32, #tpu.memory_space<hbm>> -> memref<2048xi32, #tpu.memory_space<hbm>>
        %dma_wait3A_423 = tpu.memref_slice %arg3[%add3A_93] : memref<327680xi32, #tpu.memory_space<hbm>> -> memref<2048xi32, #tpu.memory_space<hbm>>
        tpu.wait_dma2 semaphore(%run_scoped3A : memref<!tpu.dma_semaphore, #tpu.memory_space<semaphore_mem>>) src(%dma_wait3A_423 : memref<2048xi32, #tpu.memory_space<hbm>>) dst(%arg7 : memref<2048xi32, #tpu.memory_space<vmem>>)
        tpu.yield
      }) : () -> ()
      %scan3A_94 = arith.constant 0 : i32
      %scan3A_95 = arith.constant 0 : i32
      %scan3A_96 = arith.constant 128 : i32
      %scan3A_97 = arith.addi %scan3A_95, %scan3A_96 : i32
      %scan3A_98 = arith.constant 1 : i32
      %scan3A_99 = scf.for %scan3A_420 = %scan3A_95 to %scan3A_97 step %scan3A_98 iter_args(%scan3A_421 = %scan3A_94) -> (i32)  : i32 {
        %mul3A_422 = arith.constant 16 : i32
        %mul3A_423 = arith.muli %scan3A_420, %mul3A_422 : i32
        %get3A = arith.index_cast %mul3A_423 : i32 to index
        %get3A_424 = tpu.vector_load %arg6[%get3A] {strides = array<i32>} : memref<2048xi32, #tpu.memory_space<vmem>>, vector<16xi32>,
        %add3A_425 = arith.addi %get3A_424, %add3A_18 : vector<16xi32>
        %mul3A_426 = arith.constant 16 : i32
        %mul3A_427 = arith.muli %scan3A_420, %mul3A_426 : i32
        %swap3A = arith.index_cast %mul3A_427 : i32 to index
        %swap3A_428 = tpu.vector_load %arg6[%swap3A] {strides = array<i32>} : memref<2048xi32, #tpu.memory_space<vmem>>, vector<16xi32>,
        tpu.vector_store %arg6[%swap3A], %add3A_425 {strides = array<i32>} : memref<2048xi32, #tpu.memory_space<vmem>>, vector<16xi32>,
        %scan3A_429 = arith.constant 0 : i32
        scf.yield %scan3A_429 : i32
      }
      %scan3A_100 = arith.constant 128 : i32
      %dma_start3A = arith.constant 0 : i32
      %dma_start3A_101 = tpu.memref_slice %arg6[%dma_start3A] : memref<2048xi32, #tpu.memory_space<vmem>> -> memref<128xi32, #tpu.memory_space<vmem>>
      %dma_start3A_102 = arith.constant 0 : i32
      %dma_start3A_103 = arith.constant 0 : i32
      %dma_start3A_104 = tpu.memref_slice %arg4[%dma_start3A_102, %dma_start3A_103] : memref<40000x128xf32, #tpu.memory_space<hbm>> -> memref<40000x128xf32, #tpu.memory_space<hbm>>
      tpu.enqueue_indirect_dma source(%dma_start3A_104 : memref<40000x128xf32, #tpu.memory_space<hbm>>) target(%arg8 : memref<128x128xf32, #tpu.memory_space<vmem>>) offsets(%dma_start3A_101 : memref<128xi32, #tpu.memory_space<vmem>>) semaphore(%arg11 : memref<!tpu.dma_semaphore, #tpu.memory_space<semaphore_mem>>)
      %dma_wait3A = arith.constant 0 : i32
      %dma_wait3A_105 = tpu.memref_slice %arg6[%dma_wait3A] : memref<2048xi32, #tpu.memory_space<vmem>> -> memref<128xi32, #tpu.memory_space<vmem>>
      %dma_wait3A_106 = arith.constant 0 : i32
      %dma_wait3A_107 = arith.constant 0 : i32
      %dma_wait3A_108 = tpu.memref_slice %arg4[%dma_wait3A_106, %dma_wait3A_107] : memref<40000x128xf32, #tpu.memory_space<hbm>> -> memref<40000x128xf32, #tpu.memory_space<hbm>>
      tpu.wait_indirect_dma semaphore(%arg11 : memref<!tpu.dma_semaphore, #tpu.memory_space<semaphore_mem>>) src(%dma_wait3A_108 : memref<40000x128xf32, #tpu.memory_space<hbm>>) dst(%arg8 : memref<128x128xf32, #tpu.memory_space<vmem>>)
      %dma_start3A_109 = arith.constant 0 : i32
      %dma_start3A_110 = tpu.memref_slice %arg7[%dma_start3A_109] : memref<2048xi32, #tpu.memory_space<vmem>> -> memref<128xi32, #tpu.memory_space<vmem>>
      %dma_start3A_111 = arith.constant 0 : i32
      %dma_start3A_112 = arith.constant 0 : i32
      %dma_start3A_113 = tpu.memref_slice %arg10[%dma_start3A_111, %dma_start3A_112] : memref<10008x128xf32, #tpu.memory_space<vmem_shared>> -> memref<10008x128xf32, #tpu.memory_space<vmem_shared>>
      tpu.enqueue_indirect_dma source(%arg8 : memref<128x128xf32, #tpu.memory_space<vmem>>) target(%dma_start3A_113 : memref<10008x128xf32, #tpu.memory_space<vmem_shared>>) offsets(%dma_start3A_110 : memref<128xi32, #tpu.memory_space<vmem>>) semaphore(%arg13 : memref<!tpu.dma_semaphore, #tpu.memory_space<semaphore_mem>>) {add = true}
      %dma_start3A_114 = arith.constant 128 : i32
      %dma_start3A_115 = tpu.memref_slice %arg6[%dma_start3A_114] : memref<2048xi32, #tpu.memory_space<vmem>> -> memref<128xi32, #tpu.memory_space<vmem>>
      %dma_start3A_116 = arith.constant 0 : i32
      %dma_start3A_117 = arith.constant 0 : i32
      %dma_start3A_118 = tpu.memref_slice %arg4[%dma_start3A_116, %dma_start3A_117] : memref<40000x128xf32, #tpu.memory_space<hbm>> -> memref<40000x128xf32, #tpu.memory_space<hbm>>
      tpu.enqueue_indirect_dma source(%dma_start3A_118 : memref<40000x128xf32, #tpu.memory_space<hbm>>) target(%arg9 : memref<128x128xf32, #tpu.memory_space<vmem>>) offsets(%dma_start3A_115 : memref<128xi32, #tpu.memory_space<vmem>>) semaphore(%arg12 : memref<!tpu.dma_semaphore, #tpu.memory_space<semaphore_mem>>)
      %dma_wait3A_119 = arith.constant 128 : i32
      %dma_wait3A_120 = tpu.memref_slice %arg6[%dma_wait3A_119] : memref<2048xi32, #tpu.memory_space<vmem>> -> memref<128xi32, #tpu.memory_space<vmem>>
      %dma_wait3A_121 = arith.constant 0 : i32
      %dma_wait3A_122 = arith.constant 0 : i32
      %dma_wait3A_123 = tpu.memref_slice %arg4[%dma_wait3A_121, %dma_wait3A_122] : memref<40000x128xf32, #tpu.memory_space<hbm>> -> memref<40000x128xf32, #tpu.memory_space<hbm>>
      tpu.wait_indirect_dma semaphore(%arg12 : memref<!tpu.dma_semaphore, #tpu.memory_space<semaphore_mem>>) src(%dma_wait3A_123 : memref<40000x128xf32, #tpu.memory_space<hbm>>) dst(%arg9 : memref<128x128xf32, #tpu.memory_space<vmem>>)
      %dma_start3A_124 = arith.constant 128 : i32
      %dma_start3A_125 = tpu.memref_slice %arg7[%dma_start3A_124] : memref<2048xi32, #tpu.memory_space<vmem>> -> memref<128xi32, #tpu.memory_space<vmem>>
      %dma_start3A_126 = arith.constant 0 : i32
      %dma_start3A_127 = arith.constant 0 : i32
      %dma_start3A_128 = tpu.memref_slice %arg10[%dma_start3A_126, %dma_start3A_127] : memref<10008x128xf32, #tpu.memory_space<vmem_shared>> -> memref<10008x128xf32, #tpu.memory_space<vmem_shared>>
      tpu.enqueue_indirect_dma source(%arg9 : memref<128x128xf32, #tpu.memory_space<vmem>>) target(%dma_start3A_128 : memref<10008x128xf32, #tpu.memory_space<vmem_shared>>) offsets(%dma_start3A_125 : memref<128xi32, #tpu.memory_space<vmem>>) semaphore(%arg14 : memref<!tpu.dma_semaphore, #tpu.memory_space<semaphore_mem>>) {add = true}
      %dma_wait3A_129 = arith.constant 0 : i32
      %dma_wait3A_130 = tpu.memref_slice %arg7[%dma_wait3A_129] : memref<2048xi32, #tpu.memory_space<vmem>> -> memref<128xi32, #tpu.memory_space<vmem>>
      %dma_wait3A_131 = arith.constant 0 : i32
      %dma_wait3A_132 = arith.constant 0 : i32
      %dma_wait3A_133 = tpu.memref_slice %arg10[%dma_wait3A_131, %dma_wait3A_132] : memref<10008x128xf32, #tpu.memory_space<vmem_shared>> -> memref<10008x128xf32, #tpu.memory_space<vmem_shared>>
      tpu.wait_indirect_dma semaphore(%arg13 : memref<!tpu.dma_semaphore, #tpu.memory_space<semaphore_mem>>) src(%arg8 : memref<128x128xf32, #tpu.memory_space<vmem>>) dst(%dma_wait3A_133 : memref<10008x128xf32, #tpu.memory_space<vmem_shared>>)
      %dma_start3A_134 = arith.constant 256 : i32
      %dma_start3A_135 = tpu.memref_slice %arg6[%dma_start3A_134] : memref<2048xi32, #tpu.memory_space<vmem>> -> memref<128xi32, #tpu.memory_space<vmem>>
      %dma_start3A_136 = arith.constant 0 : i32
      %dma_start3A_137 = arith.constant 0 : i32
      %dma_start3A_138 = tpu.memref_slice %arg4[%dma_start3A_136, %dma_start3A_137] : memref<40000x128xf32, #tpu.memory_space<hbm>> -> memref<40000x128xf32, #tpu.memory_space<hbm>>
      tpu.enqueue_indirect_dma source(%dma_start3A_138 : memref<40000x128xf32, #tpu.memory_space<hbm>>) target(%arg8 : memref<128x128xf32, #tpu.memory_space<vmem>>) offsets(%dma_start3A_135 : memref<128xi32, #tpu.memory_space<vmem>>) semaphore(%arg11 : memref<!tpu.dma_semaphore, #tpu.memory_space<semaphore_mem>>)
      %dma_wait3A_139 = arith.constant 256 : i32
      %dma_wait3A_140 = tpu.memref_slice %arg6[%dma_wait3A_139] : memref<2048xi32, #tpu.memory_space<vmem>> -> memref<128xi32, #tpu.memory_space<vmem>>
      %dma_wait3A_141 = arith.constant 0 : i32
      %dma_wait3A_142 = arith.constant 0 : i32
      %dma_wait3A_143 = tpu.memref_slice %arg4[%dma_wait3A_141, %dma_wait3A_142] : memref<40000x128xf32, #tpu.memory_space<hbm>> -> memref<40000x128xf32, #tpu.memory_space<hbm>>
      tpu.wait_indirect_dma semaphore(%arg11 : memref<!tpu.dma_semaphore, #tpu.memory_space<semaphore_mem>>) src(%dma_wait3A_143 : memref<40000x128xf32, #tpu.memory_space<hbm>>) dst(%arg8 : memref<128x128xf32, #tpu.memory_space<vmem>>)
      %dma_start3A_144 = arith.constant 256 : i32
      %dma_start3A_145 = tpu.memref_slice %arg7[%dma_start3A_144] : memref<2048xi32, #tpu.memory_space<vmem>> -> memref<128xi32, #tpu.memory_space<vmem>>
      %dma_start3A_146 = arith.constant 0 : i32
      %dma_start3A_147 = arith.constant 0 : i32
      %dma_start3A_148 = tpu.memref_slice %arg10[%dma_start3A_146, %dma_start3A_147] : memref<10008x128xf32, #tpu.memory_space<vmem_shared>> -> memref<10008x128xf32, #tpu.memory_space<vmem_shared>>
      tpu.enqueue_indirect_dma source(%arg8 : memref<128x128xf32, #tpu.memory_space<vmem>>) target(%dma_start3A_148 : memref<10008x128xf32, #tpu.memory_space<vmem_shared>>) offsets(%dma_start3A_145 : memref<128xi32, #tpu.memory_space<vmem>>) semaphore(%arg13 : memref<!tpu.dma_semaphore, #tpu.memory_space<semaphore_mem>>) {add = true}
      %dma_wait3A_149 = arith.constant 128 : i32
      %dma_wait3A_150 = tpu.memref_slice %arg7[%dma_wait3A_149] : memref<2048xi32, #tpu.memory_space<vmem>> -> memref<128xi32, #tpu.memory_space<vmem>>
      %dma_wait3A_151 = arith.constant 0 : i32
      %dma_wait3A_152 = arith.constant 0 : i32
      %dma_wait3A_153 = tpu.memref_slice %arg10[%dma_wait3A_151, %dma_wait3A_152] : memref<10008x128xf32, #tpu.memory_space<vmem_shared>> -> memref<10008x128xf32, #tpu.memory_space<vmem_shared>>
      tpu.wait_indirect_dma semaphore(%arg14 : memref<!tpu.dma_semaphore, #tpu.memory_space<semaphore_mem>>) src(%arg9 : memref<128x128xf32, #tpu.memory_space<vmem>>) dst(%dma_wait3A_153 : memref<10008x128xf32, #tpu.memory_space<vmem_shared>>)
      %dma_start3A_154 = arith.constant 384 : i32
      %dma_start3A_155 = tpu.memref_slice %arg6[%dma_start3A_154] : memref<2048xi32, #tpu.memory_space<vmem>> -> memref<128xi32, #tpu.memory_space<vmem>>
      %dma_start3A_156 = arith.constant 0 : i32
      %dma_start3A_157 = arith.constant 0 : i32
      %dma_start3A_158 = tpu.memref_slice %arg4[%dma_start3A_156, %dma_start3A_157] : memref<40000x128xf32, #tpu.memory_space<hbm>> -> memref<40000x128xf32, #tpu.memory_space<hbm>>
      tpu.enqueue_indirect_dma source(%dma_start3A_158 : memref<40000x128xf32, #tpu.memory_space<hbm>>) target(%arg9 : memref<128x128xf32, #tpu.memory_space<vmem>>) offsets(%dma_start3A_155 : memref<128xi32, #tpu.memory_space<vmem>>) semaphore(%arg12 : memref<!tpu.dma_semaphore, #tpu.memory_space<semaphore_mem>>)
      %dma_wait3A_159 = arith.constant 384 : i32
      %dma_wait3A_160 = tpu.memref_slice %arg6[%dma_wait3A_159] : memref<2048xi32, #tpu.memory_space<vmem>> -> memref<128xi32, #tpu.memory_space<vmem>>
      %dma_wait3A_161 = arith.constant 0 : i32
      %dma_wait3A_162 = arith.constant 0 : i32
      %dma_wait3A_163 = tpu.memref_slice %arg4[%dma_wait3A_161, %dma_wait3A_162] : memref<40000x128xf32, #tpu.memory_space<hbm>> -> memref<40000x128xf32, #tpu.memory_space<hbm>>
      tpu.wait_indirect_dma semaphore(%arg12 : memref<!tpu.dma_semaphore, #tpu.memory_space<semaphore_mem>>) src(%dma_wait3A_163 : memref<40000x128xf32, #tpu.memory_space<hbm>>) dst(%arg9 : memref<128x128xf32, #tpu.memory_space<vmem>>)
      %dma_start3A_164 = arith.constant 384 : i32
      %dma_start3A_165 = tpu.memref_slice %arg7[%dma_start3A_164] : memref<2048xi32, #tpu.memory_space<vmem>> -> memref<128xi32, #tpu.memory_space<vmem>>
      %dma_start3A_166 = arith.constant 0 : i32
      %dma_start3A_167 = arith.constant 0 : i32
      %dma_start3A_168 = tpu.memref_slice %arg10[%dma_start3A_166, %dma_start3A_167] : memref<10008x128xf32, #tpu.memory_space<vmem_shared>> -> memref<10008x128xf32, #tpu.memory_space<vmem_shared>>
      tpu.enqueue_indirect_dma source(%arg9 : memref<128x128xf32, #tpu.memory_space<vmem>>) target(%dma_start3A_168 : memref<10008x128xf32, #tpu.memory_space<vmem_shared>>) offsets(%dma_start3A_165 : memref<128xi32, #tpu.memory_space<vmem>>) semaphore(%arg14 : memref<!tpu.dma_semaphore, #tpu.memory_space<semaphore_mem>>) {add = true}
      %dma_wait3A_169 = arith.constant 256 : i32
      %dma_wait3A_170 = tpu.memref_slice %arg7[%dma_wait3A_169] : memref<2048xi32, #tpu.memory_space<vmem>> -> memref<128xi32, #tpu.memory_space<vmem>>
      %dma_wait3A_171 = arith.constant 0 : i32
      %dma_wait3A_172 = arith.constant 0 : i32
      %dma_wait3A_173 = tpu.memref_slice %arg10[%dma_wait3A_171, %dma_wait3A_172] : memref<10008x128xf32, #tpu.memory_space<vmem_shared>> -> memref<10008x128xf32, #tpu.memory_space<vmem_shared>>
      tpu.wait_indirect_dma semaphore(%arg13 : memref<!tpu.dma_semaphore, #tpu.memory_space<semaphore_mem>>) src(%arg8 : memref<128x128xf32, #tpu.memory_space<vmem>>) dst(%dma_wait3A_173 : memref<10008x128xf32, #tpu.memory_space<vmem_shared>>)
      %dma_start3A_174 = arith.constant 512 : i32
      %dma_start3A_175 = tpu.memref_slice %arg6[%dma_start3A_174] : memref<2048xi32, #tpu.memory_space<vmem>> -> memref<128xi32, #tpu.memory_space<vmem>>
      %dma_start3A_176 = arith.constant 0 : i32
      %dma_start3A_177 = arith.constant 0 : i32
      %dma_start3A_178 = tpu.memref_slice %arg4[%dma_start3A_176, %dma_start3A_177] : memref<40000x128xf32, #tpu.memory_space<hbm>> -> memref<40000x128xf32, #tpu.memory_space<hbm>>
      tpu.enqueue_indirect_dma source(%dma_start3A_178 : memref<40000x128xf32, #tpu.memory_space<hbm>>) target(%arg8 : memref<128x128xf32, #tpu.memory_space<vmem>>) offsets(%dma_start3A_175 : memref<128xi32, #tpu.memory_space<vmem>>) semaphore(%arg11 : memref<!tpu.dma_semaphore, #tpu.memory_space<semaphore_mem>>)
      %dma_wait3A_179 = arith.constant 512 : i32
      %dma_wait3A_180 = tpu.memref_slice %arg6[%dma_wait3A_179] : memref<2048xi32, #tpu.memory_space<vmem>> -> memref<128xi32, #tpu.memory_space<vmem>>
      %dma_wait3A_181 = arith.constant 0 : i32
      %dma_wait3A_182 = arith.constant 0 : i32
      %dma_wait3A_183 = tpu.memref_slice %arg4[%dma_wait3A_181, %dma_wait3A_182] : memref<40000x128xf32, #tpu.memory_space<hbm>> -> memref<40000x128xf32, #tpu.memory_space<hbm>>
      tpu.wait_indirect_dma semaphore(%arg11 : memref<!tpu.dma_semaphore, #tpu.memory_space<semaphore_mem>>) src(%dma_wait3A_183 : memref<40000x128xf32, #tpu.memory_space<hbm>>) dst(%arg8 : memref<128x128xf32, #tpu.memory_space<vmem>>)
      %dma_start3A_184 = arith.constant 512 : i32
      %dma_start3A_185 = tpu.memref_slice %arg7[%dma_start3A_184] : memref<2048xi32, #tpu.memory_space<vmem>> -> memref<128xi32, #tpu.memory_space<vmem>>
      %dma_start3A_186 = arith.constant 0 : i32
      %dma_start3A_187 = arith.constant 0 : i32
      %dma_start3A_188 = tpu.memref_slice %arg10[%dma_start3A_186, %dma_start3A_187] : memref<10008x128xf32, #tpu.memory_space<vmem_shared>> -> memref<10008x128xf32, #tpu.memory_space<vmem_shared>>
      tpu.enqueue_indirect_dma source(%arg8 : memref<128x128xf32, #tpu.memory_space<vmem>>) target(%dma_start3A_188 : memref<10008x128xf32, #tpu.memory_space<vmem_shared>>) offsets(%dma_start3A_185 : memref<128xi32, #tpu.memory_space<vmem>>) semaphore(%arg13 : memref<!tpu.dma_semaphore, #tpu.memory_space<semaphore_mem>>) {add = true}
      %dma_wait3A_189 = arith.constant 384 : i32
      %dma_wait3A_190 = tpu.memref_slice %arg7[%dma_wait3A_189] : memref<2048xi32, #tpu.memory_space<vmem>> -> memref<128xi32, #tpu.memory_space<vmem>>
      %dma_wait3A_191 = arith.constant 0 : i32
      %dma_wait3A_192 = arith.constant 0 : i32
      %dma_wait3A_193 = tpu.memref_slice %arg10[%dma_wait3A_191, %dma_wait3A_192] : memref<10008x128xf32, #tpu.memory_space<vmem_shared>> -> memref<10008x128xf32, #tpu.memory_space<vmem_shared>>
      tpu.wait_indirect_dma semaphore(%arg14 : memref<!tpu.dma_semaphore, #tpu.memory_space<semaphore_mem>>) src(%arg9 : memref<128x128xf32, #tpu.memory_space<vmem>>) dst(%dma_wait3A_193 : memref<10008x128xf32, #tpu.memory_space<vmem_shared>>)
      %dma_start3A_194 = arith.constant 640 : i32
      %dma_start3A_195 = tpu.memref_slice %arg6[%dma_start3A_194] : memref<2048xi32, #tpu.memory_space<vmem>> -> memref<128xi32, #tpu.memory_space<vmem>>
      %dma_start3A_196 = arith.constant 0 : i32
      %dma_start3A_197 = arith.constant 0 : i32
      %dma_start3A_198 = tpu.memref_slice %arg4[%dma_start3A_196, %dma_start3A_197] : memref<40000x128xf32, #tpu.memory_space<hbm>> -> memref<40000x128xf32, #tpu.memory_space<hbm>>
      tpu.enqueue_indirect_dma source(%dma_start3A_198 : memref<40000x128xf32, #tpu.memory_space<hbm>>) target(%arg9 : memref<128x128xf32, #tpu.memory_space<vmem>>) offsets(%dma_start3A_195 : memref<128xi32, #tpu.memory_space<vmem>>) semaphore(%arg12 : memref<!tpu.dma_semaphore, #tpu.memory_space<semaphore_mem>>)
      %dma_wait3A_199 = arith.constant 640 : i32
      %dma_wait3A_200 = tpu.memref_slice %arg6[%dma_wait3A_199] : memref<2048xi32, #tpu.memory_space<vmem>> -> memref<128xi32, #tpu.memory_space<vmem>>
      %dma_wait3A_201 = arith.constant 0 : i32
      %dma_wait3A_202 = arith.constant 0 : i32
      %dma_wait3A_203 = tpu.memref_slice %arg4[%dma_wait3A_201, %dma_wait3A_202] : memref<40000x128xf32, #tpu.memory_space<hbm>> -> memref<40000x128xf32, #tpu.memory_space<hbm>>
      tpu.wait_indirect_dma semaphore(%arg12 : memref<!tpu.dma_semaphore, #tpu.memory_space<semaphore_mem>>) src(%dma_wait3A_203 : memref<40000x128xf32, #tpu.memory_space<hbm>>) dst(%arg9 : memref<128x128xf32, #tpu.memory_space<vmem>>)
      %dma_start3A_204 = arith.constant 640 : i32
      %dma_start3A_205 = tpu.memref_slice %arg7[%dma_start3A_204] : memref<2048xi32, #tpu.memory_space<vmem>> -> memref<128xi32, #tpu.memory_space<vmem>>
      %dma_start3A_206 = arith.constant 0 : i32
      %dma_start3A_207 = arith.constant 0 : i32
      %dma_start3A_208 = tpu.memref_slice %arg10[%dma_start3A_206, %dma_start3A_207] : memref<10008x128xf32, #tpu.memory_space<vmem_shared>> -> memref<10008x128xf32, #tpu.memory_space<vmem_shared>>
      tpu.enqueue_indirect_dma source(%arg9 : memref<128x128xf32, #tpu.memory_space<vmem>>) target(%dma_start3A_208 : memref<10008x128xf32, #tpu.memory_space<vmem_shared>>) offsets(%dma_start3A_205 : memref<128xi32, #tpu.memory_space<vmem>>) semaphore(%arg14 : memref<!tpu.dma_semaphore, #tpu.memory_space<semaphore_mem>>) {add = true}
      %dma_wait3A_209 = arith.constant 512 : i32
      %dma_wait3A_210 = tpu.memref_slice %arg7[%dma_wait3A_209] : memref<2048xi32, #tpu.memory_space<vmem>> -> memref<128xi32, #tpu.memory_space<vmem>>
      %dma_wait3A_211 = arith.constant 0 : i32
      %dma_wait3A_212 = arith.constant 0 : i32
      %dma_wait3A_213 = tpu.memref_slice %arg10[%dma_wait3A_211, %dma_wait3A_212] : memref<10008x128xf32, #tpu.memory_space<vmem_shared>> -> memref<10008x128xf32, #tpu.memory_space<vmem_shared>>
      tpu.wait_indirect_dma semaphore(%arg13 : memref<!tpu.dma_semaphore, #tpu.memory_space<semaphore_mem>>) src(%arg8 : memref<128x128xf32, #tpu.memory_space<vmem>>) dst(%dma_wait3A_213 : memref<10008x128xf32, #tpu.memory_space<vmem_shared>>)
      %dma_start3A_214 = arith.constant 768 : i32
      %dma_start3A_215 = tpu.memref_slice %arg6[%dma_start3A_214] : memref<2048xi32, #tpu.memory_space<vmem>> -> memref<128xi32, #tpu.memory_space<vmem>>
      %dma_start3A_216 = arith.constant 0 : i32
      %dma_start3A_217 = arith.constant 0 : i32
      %dma_start3A_218 = tpu.memref_slice %arg4[%dma_start3A_216, %dma_start3A_217] : memref<40000x128xf32, #tpu.memory_space<hbm>> -> memref<40000x128xf32, #tpu.memory_space<hbm>>
      tpu.enqueue_indirect_dma source(%dma_start3A_218 : memref<40000x128xf32, #tpu.memory_space<hbm>>) target(%arg8 : memref<128x128xf32, #tpu.memory_space<vmem>>) offsets(%dma_start3A_215 : memref<128xi32, #tpu.memory_space<vmem>>) semaphore(%arg11 : memref<!tpu.dma_semaphore, #tpu.memory_space<semaphore_mem>>)
      %dma_wait3A_219 = arith.constant 768 : i32
      %dma_wait3A_220 = tpu.memref_slice %arg6[%dma_wait3A_219] : memref<2048xi32, #tpu.memory_space<vmem>> -> memref<128xi32, #tpu.memory_space<vmem>>
      %dma_wait3A_221 = arith.constant 0 : i32
      %dma_wait3A_222 = arith.constant 0 : i32
      %dma_wait3A_223 = tpu.memref_slice %arg4[%dma_wait3A_221, %dma_wait3A_222] : memref<40000x128xf32, #tpu.memory_space<hbm>> -> memref<40000x128xf32, #tpu.memory_space<hbm>>
      tpu.wait_indirect_dma semaphore(%arg11 : memref<!tpu.dma_semaphore, #tpu.memory_space<semaphore_mem>>) src(%dma_wait3A_223 : memref<40000x128xf32, #tpu.memory_space<hbm>>) dst(%arg8 : memref<128x128xf32, #tpu.memory_space<vmem>>)
      %dma_start3A_224 = arith.constant 768 : i32
      %dma_start3A_225 = tpu.memref_slice %arg7[%dma_start3A_224] : memref<2048xi32, #tpu.memory_space<vmem>> -> memref<128xi32, #tpu.memory_space<vmem>>
      %dma_start3A_226 = arith.constant 0 : i32
      %dma_start3A_227 = arith.constant 0 : i32
      %dma_start3A_228 = tpu.memref_slice %arg10[%dma_start3A_226, %dma_start3A_227] : memref<10008x128xf32, #tpu.memory_space<vmem_shared>> -> memref<10008x128xf32, #tpu.memory_space<vmem_shared>>
      tpu.enqueue_indirect_dma source(%arg8 : memref<128x128xf32, #tpu.memory_space<vmem>>) target(%dma_start3A_228 : memref<10008x128xf32, #tpu.memory_space<vmem_shared>>) offsets(%dma_start3A_225 : memref<128xi32, #tpu.memory_space<vmem>>) semaphore(%arg13 : memref<!tpu.dma_semaphore, #tpu.memory_space<semaphore_mem>>) {add = true}
      %dma_wait3A_229 = arith.constant 640 : i32
      %dma_wait3A_230 = tpu.memref_slice %arg7[%dma_wait3A_229] : memref<2048xi32, #tpu.memory_space<vmem>> -> memref<128xi32, #tpu.memory_space<vmem>>
      %dma_wait3A_231 = arith.constant 0 : i32
      %dma_wait3A_232 = arith.constant 0 : i32
      %dma_wait3A_233 = tpu.memref_slice %arg10[%dma_wait3A_231, %dma_wait3A_232] : memref<10008x128xf32, #tpu.memory_space<vmem_shared>> -> memref<10008x128xf32, #tpu.memory_space<vmem_shared>>
      tpu.wait_indirect_dma semaphore(%arg14 : memref<!tpu.dma_semaphore, #tpu.memory_space<semaphore_mem>>) src(%arg9 : memref<128x128xf32, #tpu.memory_space<vmem>>) dst(%dma_wait3A_233 : memref<10008x128xf32, #tpu.memory_space<vmem_shared>>)
      %dma_start3A_234 = arith.constant 896 : i32
      %dma_start3A_235 = tpu.memref_slice %arg6[%dma_start3A_234] : memref<2048xi32, #tpu.memory_space<vmem>> -> memref<128xi32, #tpu.memory_space<vmem>>
      %dma_start3A_236 = arith.constant 0 : i32
      %dma_start3A_237 = arith.constant 0 : i32
      %dma_start3A_238 = tpu.memref_slice %arg4[%dma_start3A_236, %dma_start3A_237] : memref<40000x128xf32, #tpu.memory_space<hbm>> -> memref<40000x128xf32, #tpu.memory_space<hbm>>
      tpu.enqueue_indirect_dma source(%dma_start3A_238 : memref<40000x128xf32, #tpu.memory_space<hbm>>) target(%arg9 : memref<128x128xf32, #tpu.memory_space<vmem>>) offsets(%dma_start3A_235 : memref<128xi32, #tpu.memory_space<vmem>>) semaphore(%arg12 : memref<!tpu.dma_semaphore, #tpu.memory_space<semaphore_mem>>)
      %dma_wait3A_239 = arith.constant 896 : i32
      %dma_wait3A_240 = tpu.memref_slice %arg6[%dma_wait3A_239] : memref<2048xi32, #tpu.memory_space<vmem>> -> memref<128xi32, #tpu.memory_space<vmem>>
      %dma_wait3A_241 = arith.constant 0 : i32
      %dma_wait3A_242 = arith.constant 0 : i32
      %dma_wait3A_243 = tpu.memref_slice %arg4[%dma_wait3A_241, %dma_wait3A_242] : memref<40000x128xf32, #tpu.memory_space<hbm>> -> memref<40000x128xf32, #tpu.memory_space<hbm>>
      tpu.wait_indirect_dma semaphore(%arg12 : memref<!tpu.dma_semaphore, #tpu.memory_space<semaphore_mem>>) src(%dma_wait3A_243 : memref<40000x128xf32, #tpu.memory_space<hbm>>) dst(%arg9 : memref<128x128xf32, #tpu.memory_space<vmem>>)
      %dma_start3A_244 = arith.constant 896 : i32
      %dma_start3A_245 = tpu.memref_slice %arg7[%dma_start3A_244] : memref<2048xi32, #tpu.memory_space<vmem>> -> memref<128xi32, #tpu.memory_space<vmem>>
      %dma_start3A_246 = arith.constant 0 : i32
      %dma_start3A_247 = arith.constant 0 : i32
      %dma_start3A_248 = tpu.memref_slice %arg10[%dma_start3A_246, %dma_start3A_247] : memref<10008x128xf32, #tpu.memory_space<vmem_shared>> -> memref<10008x128xf32, #tpu.memory_space<vmem_shared>>
      tpu.enqueue_indirect_dma source(%arg9 : memref<128x128xf32, #tpu.memory_space<vmem>>) target(%dma_start3A_248 : memref<10008x128xf32, #tpu.memory_space<vmem_shared>>) offsets(%dma_start3A_245 : memref<128xi32, #tpu.memory_space<vmem>>) semaphore(%arg14 : memref<!tpu.dma_semaphore, #tpu.memory_space<semaphore_mem>>) {add = true}
      %dma_wait3A_249 = arith.constant 768 : i32
      %dma_wait3A_250 = tpu.memref_slice %arg7[%dma_wait3A_249] : memref<2048xi32, #tpu.memory_space<vmem>> -> memref<128xi32, #tpu.memory_space<vmem>>
      %dma_wait3A_251 = arith.constant 0 : i32
      %dma_wait3A_252 = arith.constant 0 : i32
      %dma_wait3A_253 = tpu.memref_slice %arg10[%dma_wait3A_251, %dma_wait3A_252] : memref<10008x128xf32, #tpu.memory_space<vmem_shared>> -> memref<10008x128xf32, #tpu.memory_space<vmem_shared>>
      tpu.wait_indirect_dma semaphore(%arg13 : memref<!tpu.dma_semaphore, #tpu.memory_space<semaphore_mem>>) src(%arg8 : memref<128x128xf32, #tpu.memory_space<vmem>>) dst(%dma_wait3A_253 : memref<10008x128xf32, #tpu.memory_space<vmem_shared>>)
      %dma_start3A_254 = arith.constant 1024 : i32
      %dma_start3A_255 = tpu.memref_slice %arg6[%dma_start3A_254] : memref<2048xi32, #tpu.memory_space<vmem>> -> memref<128xi32, #tpu.memory_space<vmem>>
      %dma_start3A_256 = arith.constant 0 : i32
      %dma_start3A_257 = arith.constant 0 : i32
      %dma_start3A_258 = tpu.memref_slice %arg4[%dma_start3A_256, %dma_start3A_257] : memref<40000x128xf32, #tpu.memory_space<hbm>> -> memref<40000x128xf32, #tpu.memory_space<hbm>>
      tpu.enqueue_indirect_dma source(%dma_start3A_258 : memref<40000x128xf32, #tpu.memory_space<hbm>>) target(%arg8 : memref<128x128xf32, #tpu.memory_space<vmem>>) offsets(%dma_start3A_255 : memref<128xi32, #tpu.memory_space<vmem>>) semaphore(%arg11 : memref<!tpu.dma_semaphore, #tpu.memory_space<semaphore_mem>>)
      %dma_wait3A_259 = arith.constant 1024 : i32
      %dma_wait3A_260 = tpu.memref_slice %arg6[%dma_wait3A_259] : memref<2048xi32, #tpu.memory_space<vmem>> -> memref<128xi32, #tpu.memory_space<vmem>>
      %dma_wait3A_261 = arith.constant 0 : i32
      %dma_wait3A_262 = arith.constant 0 : i32
      %dma_wait3A_263 = tpu.memref_slice %arg4[%dma_wait3A_261, %dma_wait3A_262] : memref<40000x128xf32, #tpu.memory_space<hbm>> -> memref<40000x128xf32, #tpu.memory_space<hbm>>
      tpu.wait_indirect_dma semaphore(%arg11 : memref<!tpu.dma_semaphore, #tpu.memory_space<semaphore_mem>>) src(%dma_wait3A_263 : memref<40000x128xf32, #tpu.memory_space<hbm>>) dst(%arg8 : memref<128x128xf32, #tpu.memory_space<vmem>>)
      %dma_start3A_264 = arith.constant 1024 : i32
      %dma_start3A_265 = tpu.memref_slice %arg7[%dma_start3A_264] : memref<2048xi32, #tpu.memory_space<vmem>> -> memref<128xi32, #tpu.memory_space<vmem>>
      %dma_start3A_266 = arith.constant 0 : i32
      %dma_start3A_267 = arith.constant 0 : i32
      %dma_start3A_268 = tpu.memref_slice %arg10[%dma_start3A_266, %dma_start3A_267] : memref<10008x128xf32, #tpu.memory_space<vmem_shared>> -> memref<10008x128xf32, #tpu.memory_space<vmem_shared>>
      tpu.enqueue_indirect_dma source(%arg8 : memref<128x128xf32, #tpu.memory_space<vmem>>) target(%dma_start3A_268 : memref<10008x128xf32, #tpu.memory_space<vmem_shared>>) offsets(%dma_start3A_265 : memref<128xi32, #tpu.memory_space<vmem>>) semaphore(%arg13 : memref<!tpu.dma_semaphore, #tpu.memory_space<semaphore_mem>>) {add = true}
      %dma_wait3A_269 = arith.constant 896 : i32
      %dma_wait3A_270 = tpu.memref_slice %arg7[%dma_wait3A_269] : memref<2048xi32, #tpu.memory_space<vmem>> -> memref<128xi32, #tpu.memory_space<vmem>>
      %dma_wait3A_271 = arith.constant 0 : i32
      %dma_wait3A_272 = arith.constant 0 : i32
      %dma_wait3A_273 = tpu.memref_slice %arg10[%dma_wait3A_271, %dma_wait3A_272] : memref<10008x128xf32, #tpu.memory_space<vmem_shared>> -> memref<10008x128xf32, #tpu.memory_space<vmem_shared>>
      tpu.wait_indirect_dma semaphore(%arg14 : memref<!tpu.dma_semaphore, #tpu.memory_space<semaphore_mem>>) src(%arg9 : memref<128x128xf32, #tpu.memory_space<vmem>>) dst(%dma_wait3A_273 : memref<10008x128xf32, #tpu.memory_space<vmem_shared>>)
      %dma_start3A_274 = arith.constant 1152 : i32
      %dma_start3A_275 = tpu.memref_slice %arg6[%dma_start3A_274] : memref<2048xi32, #tpu.memory_space<vmem>> -> memref<128xi32, #tpu.memory_space<vmem>>
      %dma_start3A_276 = arith.constant 0 : i32
      %dma_start3A_277 = arith.constant 0 : i32
      %dma_start3A_278 = tpu.memref_slice %arg4[%dma_start3A_276, %dma_start3A_277] : memref<40000x128xf32, #tpu.memory_space<hbm>> -> memref<40000x128xf32, #tpu.memory_space<hbm>>
      tpu.enqueue_indirect_dma source(%dma_start3A_278 : memref<40000x128xf32, #tpu.memory_space<hbm>>) target(%arg9 : memref<128x128xf32, #tpu.memory_space<vmem>>) offsets(%dma_start3A_275 : memref<128xi32, #tpu.memory_space<vmem>>) semaphore(%arg12 : memref<!tpu.dma_semaphore, #tpu.memory_space<semaphore_mem>>)
      %dma_wait3A_279 = arith.constant 1152 : i32
      %dma_wait3A_280 = tpu.memref_slice %arg6[%dma_wait3A_279] : memref<2048xi32, #tpu.memory_space<vmem>> -> memref<128xi32, #tpu.memory_space<vmem>>
      %dma_wait3A_281 = arith.constant 0 : i32
      %dma_wait3A_282 = arith.constant 0 : i32
      %dma_wait3A_283 = tpu.memref_slice %arg4[%dma_wait3A_281, %dma_wait3A_282] : memref<40000x128xf32, #tpu.memory_space<hbm>> -> memref<40000x128xf32, #tpu.memory_space<hbm>>
      tpu.wait_indirect_dma semaphore(%arg12 : memref<!tpu.dma_semaphore, #tpu.memory_space<semaphore_mem>>) src(%dma_wait3A_283 : memref<40000x128xf32, #tpu.memory_space<hbm>>) dst(%arg9 : memref<128x128xf32, #tpu.memory_space<vmem>>)
      %dma_start3A_284 = arith.constant 1152 : i32
      %dma_start3A_285 = tpu.memref_slice %arg7[%dma_start3A_284] : memref<2048xi32, #tpu.memory_space<vmem>> -> memref<128xi32, #tpu.memory_space<vmem>>
      %dma_start3A_286 = arith.constant 0 : i32
      %dma_start3A_287 = arith.constant 0 : i32
      %dma_start3A_288 = tpu.memref_slice %arg10[%dma_start3A_286, %dma_start3A_287] : memref<10008x128xf32, #tpu.memory_space<vmem_shared>> -> memref<10008x128xf32, #tpu.memory_space<vmem_shared>>
      tpu.enqueue_indirect_dma source(%arg9 : memref<128x128xf32, #tpu.memory_space<vmem>>) target(%dma_start3A_288 : memref<10008x128xf32, #tpu.memory_space<vmem_shared>>) offsets(%dma_start3A_285 : memref<128xi32, #tpu.memory_space<vmem>>) semaphore(%arg14 : memref<!tpu.dma_semaphore, #tpu.memory_space<semaphore_mem>>) {add = true}
      %dma_wait3A_289 = arith.constant 1024 : i32
      %dma_wait3A_290 = tpu.memref_slice %arg7[%dma_wait3A_289] : memref<2048xi32, #tpu.memory_space<vmem>> -> memref<128xi32, #tpu.memory_space<vmem>>
      %dma_wait3A_291 = arith.constant 0 : i32
      %dma_wait3A_292 = arith.constant 0 : i32
      %dma_wait3A_293 = tpu.memref_slice %arg10[%dma_wait3A_291, %dma_wait3A_292] : memref<10008x128xf32, #tpu.memory_space<vmem_shared>> -> memref<10008x128xf32, #tpu.memory_space<vmem_shared>>
      tpu.wait_indirect_dma semaphore(%arg13 : memref<!tpu.dma_semaphore, #tpu.memory_space<semaphore_mem>>) src(%arg8 : memref<128x128xf32, #tpu.memory_space<vmem>>) dst(%dma_wait3A_293 : memref<10008x128xf32, #tpu.memory_space<vmem_shared>>)
      %dma_start3A_294 = arith.constant 1280 : i32
      %dma_start3A_295 = tpu.memref_slice %arg6[%dma_start3A_294] : memref<2048xi32, #tpu.memory_space<vmem>> -> memref<128xi32, #tpu.memory_space<vmem>>
      %dma_start3A_296 = arith.constant 0 : i32
      %dma_start3A_297 = arith.constant 0 : i32
      %dma_start3A_298 = tpu.memref_slice %arg4[%dma_start3A_296, %dma_start3A_297] : memref<40000x128xf32, #tpu.memory_space<hbm>> -> memref<40000x128xf32, #tpu.memory_space<hbm>>
      tpu.enqueue_indirect_dma source(%dma_start3A_298 : memref<40000x128xf32, #tpu.memory_space<hbm>>) target(%arg8 : memref<128x128xf32, #tpu.memory_space<vmem>>) offsets(%dma_start3A_295 : memref<128xi32, #tpu.memory_space<vmem>>) semaphore(%arg11 : memref<!tpu.dma_semaphore, #tpu.memory_space<semaphore_mem>>)
      %dma_wait3A_299 = arith.constant 1280 : i32
      %dma_wait3A_300 = tpu.memref_slice %arg6[%dma_wait3A_299] : memref<2048xi32, #tpu.memory_space<vmem>> -> memref<128xi32, #tpu.memory_space<vmem>>
      %dma_wait3A_301 = arith.constant 0 : i32
      %dma_wait3A_302 = arith.constant 0 : i32
      %dma_wait3A_303 = tpu.memref_slice %arg4[%dma_wait3A_301, %dma_wait3A_302] : memref<40000x128xf32, #tpu.memory_space<hbm>> -> memref<40000x128xf32, #tpu.memory_space<hbm>>
      tpu.wait_indirect_dma semaphore(%arg11 : memref<!tpu.dma_semaphore, #tpu.memory_space<semaphore_mem>>) src(%dma_wait3A_303 : memref<40000x128xf32, #tpu.memory_space<hbm>>) dst(%arg8 : memref<128x128xf32, #tpu.memory_space<vmem>>)
      %dma_start3A_304 = arith.constant 1280 : i32
      %dma_start3A_305 = tpu.memref_slice %arg7[%dma_start3A_304] : memref<2048xi32, #tpu.memory_space<vmem>> -> memref<128xi32, #tpu.memory_space<vmem>>
      %dma_start3A_306 = arith.constant 0 : i32
      %dma_start3A_307 = arith.constant 0 : i32
      %dma_start3A_308 = tpu.memref_slice %arg10[%dma_start3A_306, %dma_start3A_307] : memref<10008x128xf32, #tpu.memory_space<vmem_shared>> -> memref<10008x128xf32, #tpu.memory_space<vmem_shared>>
      tpu.enqueue_indirect_dma source(%arg8 : memref<128x128xf32, #tpu.memory_space<vmem>>) target(%dma_start3A_308 : memref<10008x128xf32, #tpu.memory_space<vmem_shared>>) offsets(%dma_start3A_305 : memref<128xi32, #tpu.memory_space<vmem>>) semaphore(%arg13 : memref<!tpu.dma_semaphore, #tpu.memory_space<semaphore_mem>>) {add = true}
      %dma_wait3A_309 = arith.constant 1152 : i32
      %dma_wait3A_310 = tpu.memref_slice %arg7[%dma_wait3A_309] : memref<2048xi32, #tpu.memory_space<vmem>> -> memref<128xi32, #tpu.memory_space<vmem>>
      %dma_wait3A_311 = arith.constant 0 : i32
      %dma_wait3A_312 = arith.constant 0 : i32
      %dma_wait3A_313 = tpu.memref_slice %arg10[%dma_wait3A_311, %dma_wait3A_312] : memref<10008x128xf32, #tpu.memory_space<vmem_shared>> -> memref<10008x128xf32, #tpu.memory_space<vmem_shared>>
      tpu.wait_indirect_dma semaphore(%arg14 : memref<!tpu.dma_semaphore, #tpu.memory_space<semaphore_mem>>) src(%arg9 : memref<128x128xf32, #tpu.memory_space<vmem>>) dst(%dma_wait3A_313 : memref<10008x128xf32, #tpu.memory_space<vmem_shared>>)
      %dma_start3A_314 = arith.constant 1408 : i32
      %dma_start3A_315 = tpu.memref_slice %arg6[%dma_start3A_314] : memref<2048xi32, #tpu.memory_space<vmem>> -> memref<128xi32, #tpu.memory_space<vmem>>
      %dma_start3A_316 = arith.constant 0 : i32
      %dma_start3A_317 = arith.constant 0 : i32
      %dma_start3A_318 = tpu.memref_slice %arg4[%dma_start3A_316, %dma_start3A_317] : memref<40000x128xf32, #tpu.memory_space<hbm>> -> memref<40000x128xf32, #tpu.memory_space<hbm>>
      tpu.enqueue_indirect_dma source(%dma_start3A_318 : memref<40000x128xf32, #tpu.memory_space<hbm>>) target(%arg9 : memref<128x128xf32, #tpu.memory_space<vmem>>) offsets(%dma_start3A_315 : memref<128xi32, #tpu.memory_space<vmem>>) semaphore(%arg12 : memref<!tpu.dma_semaphore, #tpu.memory_space<semaphore_mem>>)
      %dma_wait3A_319 = arith.constant 1408 : i32
      %dma_wait3A_320 = tpu.memref_slice %arg6[%dma_wait3A_319] : memref<2048xi32, #tpu.memory_space<vmem>> -> memref<128xi32, #tpu.memory_space<vmem>>
      %dma_wait3A_321 = arith.constant 0 : i32
      %dma_wait3A_322 = arith.constant 0 : i32
      %dma_wait3A_323 = tpu.memref_slice %arg4[%dma_wait3A_321, %dma_wait3A_322] : memref<40000x128xf32, #tpu.memory_space<hbm>> -> memref<40000x128xf32, #tpu.memory_space<hbm>>
      tpu.wait_indirect_dma semaphore(%arg12 : memref<!tpu.dma_semaphore, #tpu.memory_space<semaphore_mem>>) src(%dma_wait3A_323 : memref<40000x128xf32, #tpu.memory_space<hbm>>) dst(%arg9 : memref<128x128xf32, #tpu.memory_space<vmem>>)
      %dma_start3A_324 = arith.constant 1408 : i32
      %dma_start3A_325 = tpu.memref_slice %arg7[%dma_start3A_324] : memref<2048xi32, #tpu.memory_space<vmem>> -> memref<128xi32, #tpu.memory_space<vmem>>
      %dma_start3A_326 = arith.constant 0 : i32
      %dma_start3A_327 = arith.constant 0 : i32
      %dma_start3A_328 = tpu.memref_slice %arg10[%dma_start3A_326, %dma_start3A_327] : memref<10008x128xf32, #tpu.memory_space<vmem_shared>> -> memref<10008x128xf32, #tpu.memory_space<vmem_shared>>
      tpu.enqueue_indirect_dma source(%arg9 : memref<128x128xf32, #tpu.memory_space<vmem>>) target(%dma_start3A_328 : memref<10008x128xf32, #tpu.memory_space<vmem_shared>>) offsets(%dma_start3A_325 : memref<128xi32, #tpu.memory_space<vmem>>) semaphore(%arg14 : memref<!tpu.dma_semaphore, #tpu.memory_space<semaphore_mem>>) {add = true}
      %dma_wait3A_329 = arith.constant 1280 : i32
      %dma_wait3A_330 = tpu.memref_slice %arg7[%dma_wait3A_329] : memref<2048xi32, #tpu.memory_space<vmem>> -> memref<128xi32, #tpu.memory_space<vmem>>
      %dma_wait3A_331 = arith.constant 0 : i32
      %dma_wait3A_332 = arith.constant 0 : i32
      %dma_wait3A_333 = tpu.memref_slice %arg10[%dma_wait3A_331, %dma_wait3A_332] : memref<10008x128xf32, #tpu.memory_space<vmem_shared>> -> memref<10008x128xf32, #tpu.memory_space<vmem_shared>>
      tpu.wait_indirect_dma semaphore(%arg13 : memref<!tpu.dma_semaphore, #tpu.memory_space<semaphore_mem>>) src(%arg8 : memref<128x128xf32, #tpu.memory_space<vmem>>) dst(%dma_wait3A_333 : memref<10008x128xf32, #tpu.memory_space<vmem_shared>>)
      %dma_start3A_334 = arith.constant 1536 : i32
      %dma_start3A_335 = tpu.memref_slice %arg6[%dma_start3A_334] : memref<2048xi32, #tpu.memory_space<vmem>> -> memref<128xi32, #tpu.memory_space<vmem>>
      %dma_start3A_336 = arith.constant 0 : i32
      %dma_start3A_337 = arith.constant 0 : i32
      %dma_start3A_338 = tpu.memref_slice %arg4[%dma_start3A_336, %dma_start3A_337] : memref<40000x128xf32, #tpu.memory_space<hbm>> -> memref<40000x128xf32, #tpu.memory_space<hbm>>
      tpu.enqueue_indirect_dma source(%dma_start3A_338 : memref<40000x128xf32, #tpu.memory_space<hbm>>) target(%arg8 : memref<128x128xf32, #tpu.memory_space<vmem>>) offsets(%dma_start3A_335 : memref<128xi32, #tpu.memory_space<vmem>>) semaphore(%arg11 : memref<!tpu.dma_semaphore, #tpu.memory_space<semaphore_mem>>)
      %dma_wait3A_339 = arith.constant 1536 : i32
      %dma_wait3A_340 = tpu.memref_slice %arg6[%dma_wait3A_339] : memref<2048xi32, #tpu.memory_space<vmem>> -> memref<128xi32, #tpu.memory_space<vmem>>
      %dma_wait3A_341 = arith.constant 0 : i32
      %dma_wait3A_342 = arith.constant 0 : i32
      %dma_wait3A_343 = tpu.memref_slice %arg4[%dma_wait3A_341, %dma_wait3A_342] : memref<40000x128xf32, #tpu.memory_space<hbm>> -> memref<40000x128xf32, #tpu.memory_space<hbm>>
      tpu.wait_indirect_dma semaphore(%arg11 : memref<!tpu.dma_semaphore, #tpu.memory_space<semaphore_mem>>) src(%dma_wait3A_343 : memref<40000x128xf32, #tpu.memory_space<hbm>>) dst(%arg8 : memref<128x128xf32, #tpu.memory_space<vmem>>)
      %dma_start3A_344 = arith.constant 1536 : i32
      %dma_start3A_345 = tpu.memref_slice %arg7[%dma_start3A_344] : memref<2048xi32, #tpu.memory_space<vmem>> -> memref<128xi32, #tpu.memory_space<vmem>>
      %dma_start3A_346 = arith.constant 0 : i32
      %dma_start3A_347 = arith.constant 0 : i32
      %dma_start3A_348 = tpu.memref_slice %arg10[%dma_start3A_346, %dma_start3A_347] : memref<10008x128xf32, #tpu.memory_space<vmem_shared>> -> memref<10008x128xf32, #tpu.memory_space<vmem_shared>>
      tpu.enqueue_indirect_dma source(%arg8 : memref<128x128xf32, #tpu.memory_space<vmem>>) target(%dma_start3A_348 : memref<10008x128xf32, #tpu.memory_space<vmem_shared>>) offsets(%dma_start3A_345 : memref<128xi32, #tpu.memory_space<vmem>>) semaphore(%arg13 : memref<!tpu.dma_semaphore, #tpu.memory_space<semaphore_mem>>) {add = true}
      %dma_wait3A_349 = arith.constant 1408 : i32
      %dma_wait3A_350 = tpu.memref_slice %arg7[%dma_wait3A_349] : memref<2048xi32, #tpu.memory_space<vmem>> -> memref<128xi32, #tpu.memory_space<vmem>>
      %dma_wait3A_351 = arith.constant 0 : i32
      %dma_wait3A_352 = arith.constant 0 : i32
      %dma_wait3A_353 = tpu.memref_slice %arg10[%dma_wait3A_351, %dma_wait3A_352] : memref<10008x128xf32, #tpu.memory_space<vmem_shared>> -> memref<10008x128xf32, #tpu.memory_space<vmem_shared>>
      tpu.wait_indirect_dma semaphore(%arg14 : memref<!tpu.dma_semaphore, #tpu.memory_space<semaphore_mem>>) src(%arg9 : memref<128x128xf32, #tpu.memory_space<vmem>>) dst(%dma_wait3A_353 : memref<10008x128xf32, #tpu.memory_space<vmem_shared>>)
      %dma_start3A_354 = arith.constant 1664 : i32
      %dma_start3A_355 = tpu.memref_slice %arg6[%dma_start3A_354] : memref<2048xi32, #tpu.memory_space<vmem>> -> memref<128xi32, #tpu.memory_space<vmem>>
      %dma_start3A_356 = arith.constant 0 : i32
      %dma_start3A_357 = arith.constant 0 : i32
      %dma_start3A_358 = tpu.memref_slice %arg4[%dma_start3A_356, %dma_start3A_357] : memref<40000x128xf32, #tpu.memory_space<hbm>> -> memref<40000x128xf32, #tpu.memory_space<hbm>>
      tpu.enqueue_indirect_dma source(%dma_start3A_358 : memref<40000x128xf32, #tpu.memory_space<hbm>>) target(%arg9 : memref<128x128xf32, #tpu.memory_space<vmem>>) offsets(%dma_start3A_355 : memref<128xi32, #tpu.memory_space<vmem>>) semaphore(%arg12 : memref<!tpu.dma_semaphore, #tpu.memory_space<semaphore_mem>>)
      %dma_wait3A_359 = arith.constant 1664 : i32
      %dma_wait3A_360 = tpu.memref_slice %arg6[%dma_wait3A_359] : memref<2048xi32, #tpu.memory_space<vmem>> -> memref<128xi32, #tpu.memory_space<vmem>>
      %dma_wait3A_361 = arith.constant 0 : i32
      %dma_wait3A_362 = arith.constant 0 : i32
      %dma_wait3A_363 = tpu.memref_slice %arg4[%dma_wait3A_361, %dma_wait3A_362] : memref<40000x128xf32, #tpu.memory_space<hbm>> -> memref<40000x128xf32, #tpu.memory_space<hbm>>
      tpu.wait_indirect_dma semaphore(%arg12 : memref<!tpu.dma_semaphore, #tpu.memory_space<semaphore_mem>>) src(%dma_wait3A_363 : memref<40000x128xf32, #tpu.memory_space<hbm>>) dst(%arg9 : memref<128x128xf32, #tpu.memory_space<vmem>>)
      %dma_start3A_364 = arith.constant 1664 : i32
      %dma_start3A_365 = tpu.memref_slice %arg7[%dma_start3A_364] : memref<2048xi32, #tpu.memory_space<vmem>> -> memref<128xi32, #tpu.memory_space<vmem>>
      %dma_start3A_366 = arith.constant 0 : i32
      %dma_start3A_367 = arith.constant 0 : i32
      %dma_start3A_368 = tpu.memref_slice %arg10[%dma_start3A_366, %dma_start3A_367] : memref<10008x128xf32, #tpu.memory_space<vmem_shared>> -> memref<10008x128xf32, #tpu.memory_space<vmem_shared>>
      tpu.enqueue_indirect_dma source(%arg9 : memref<128x128xf32, #tpu.memory_space<vmem>>) target(%dma_start3A_368 : memref<10008x128xf32, #tpu.memory_space<vmem_shared>>) offsets(%dma_start3A_365 : memref<128xi32, #tpu.memory_space<vmem>>) semaphore(%arg14 : memref<!tpu.dma_semaphore, #tpu.memory_space<semaphore_mem>>) {add = true}
      %dma_wait3A_369 = arith.constant 1536 : i32
      %dma_wait3A_370 = tpu.memref_slice %arg7[%dma_wait3A_369] : memref<2048xi32, #tpu.memory_space<vmem>> -> memref<128xi32, #tpu.memory_space<vmem>>
      %dma_wait3A_371 = arith.constant 0 : i32
      %dma_wait3A_372 = arith.constant 0 : i32
      %dma_wait3A_373 = tpu.memref_slice %arg10[%dma_wait3A_371, %dma_wait3A_372] : memref<10008x128xf32, #tpu.memory_space<vmem_shared>> -> memref<10008x128xf32, #tpu.memory_space<vmem_shared>>
      tpu.wait_indirect_dma semaphore(%arg13 : memref<!tpu.dma_semaphore, #tpu.memory_space<semaphore_mem>>) src(%arg8 : memref<128x128xf32, #tpu.memory_space<vmem>>) dst(%dma_wait3A_373 : memref<10008x128xf32, #tpu.memory_space<vmem_shared>>)
      %dma_start3A_374 = arith.constant 1792 : i32
      %dma_start3A_375 = tpu.memref_slice %arg6[%dma_start3A_374] : memref<2048xi32, #tpu.memory_space<vmem>> -> memref<128xi32, #tpu.memory_space<vmem>>
      %dma_start3A_376 = arith.constant 0 : i32
      %dma_start3A_377 = arith.constant 0 : i32
      %dma_start3A_378 = tpu.memref_slice %arg4[%dma_start3A_376, %dma_start3A_377] : memref<40000x128xf32, #tpu.memory_space<hbm>> -> memref<40000x128xf32, #tpu.memory_space<hbm>>
      tpu.enqueue_indirect_dma source(%dma_start3A_378 : memref<40000x128xf32, #tpu.memory_space<hbm>>) target(%arg8 : memref<128x128xf32, #tpu.memory_space<vmem>>) offsets(%dma_start3A_375 : memref<128xi32, #tpu.memory_space<vmem>>) semaphore(%arg11 : memref<!tpu.dma_semaphore, #tpu.memory_space<semaphore_mem>>)
      %dma_wait3A_379 = arith.constant 1792 : i32
      %dma_wait3A_380 = tpu.memref_slice %arg6[%dma_wait3A_379] : memref<2048xi32, #tpu.memory_space<vmem>> -> memref<128xi32, #tpu.memory_space<vmem>>
      %dma_wait3A_381 = arith.constant 0 : i32
      %dma_wait3A_382 = arith.constant 0 : i32
      %dma_wait3A_383 = tpu.memref_slice %arg4[%dma_wait3A_381, %dma_wait3A_382] : memref<40000x128xf32, #tpu.memory_space<hbm>> -> memref<40000x128xf32, #tpu.memory_space<hbm>>
      tpu.wait_indirect_dma semaphore(%arg11 : memref<!tpu.dma_semaphore, #tpu.memory_space<semaphore_mem>>) src(%dma_wait3A_383 : memref<40000x128xf32, #tpu.memory_space<hbm>>) dst(%arg8 : memref<128x128xf32, #tpu.memory_space<vmem>>)
      %dma_start3A_384 = arith.constant 1792 : i32
      %dma_start3A_385 = tpu.memref_slice %arg7[%dma_start3A_384] : memref<2048xi32, #tpu.memory_space<vmem>> -> memref<128xi32, #tpu.memory_space<vmem>>
      %dma_start3A_386 = arith.constant 0 : i32
      %dma_start3A_387 = arith.constant 0 : i32
      %dma_start3A_388 = tpu.memref_slice %arg10[%dma_start3A_386, %dma_start3A_387] : memref<10008x128xf32, #tpu.memory_space<vmem_shared>> -> memref<10008x128xf32, #tpu.memory_space<vmem_shared>>
      tpu.enqueue_indirect_dma source(%arg8 : memref<128x128xf32, #tpu.memory_space<vmem>>) target(%dma_start3A_388 : memref<10008x128xf32, #tpu.memory_space<vmem_shared>>) offsets(%dma_start3A_385 : memref<128xi32, #tpu.memory_space<vmem>>) semaphore(%arg13 : memref<!tpu.dma_semaphore, #tpu.memory_space<semaphore_mem>>) {add = true}
      %dma_wait3A_389 = arith.constant 1664 : i32
      %dma_wait3A_390 = tpu.memref_slice %arg7[%dma_wait3A_389] : memref<2048xi32, #tpu.memory_space<vmem>> -> memref<128xi32, #tpu.memory_space<vmem>>
      %dma_wait3A_391 = arith.constant 0 : i32
      %dma_wait3A_392 = arith.constant 0 : i32
      %dma_wait3A_393 = tpu.memref_slice %arg10[%dma_wait3A_391, %dma_wait3A_392] : memref<10008x128xf32, #tpu.memory_space<vmem_shared>> -> memref<10008x128xf32, #tpu.memory_space<vmem_shared>>
      tpu.wait_indirect_dma semaphore(%arg14 : memref<!tpu.dma_semaphore, #tpu.memory_space<semaphore_mem>>) src(%arg9 : memref<128x128xf32, #tpu.memory_space<vmem>>) dst(%dma_wait3A_393 : memref<10008x128xf32, #tpu.memory_space<vmem_shared>>)
      %dma_start3A_394 = arith.constant 1920 : i32
      %dma_start3A_395 = tpu.memref_slice %arg6[%dma_start3A_394] : memref<2048xi32, #tpu.memory_space<vmem>> -> memref<128xi32, #tpu.memory_space<vmem>>
      %dma_start3A_396 = arith.constant 0 : i32
      %dma_start3A_397 = arith.constant 0 : i32
      %dma_start3A_398 = tpu.memref_slice %arg4[%dma_start3A_396, %dma_start3A_397] : memref<40000x128xf32, #tpu.memory_space<hbm>> -> memref<40000x128xf32, #tpu.memory_space<hbm>>
      tpu.enqueue_indirect_dma source(%dma_start3A_398 : memref<40000x128xf32, #tpu.memory_space<hbm>>) target(%arg9 : memref<128x128xf32, #tpu.memory_space<vmem>>) offsets(%dma_start3A_395 : memref<128xi32, #tpu.memory_space<vmem>>) semaphore(%arg12 : memref<!tpu.dma_semaphore, #tpu.memory_space<semaphore_mem>>)
      %dma_wait3A_399 = arith.constant 1920 : i32
      %dma_wait3A_400 = tpu.memref_slice %arg6[%dma_wait3A_399] : memref<2048xi32, #tpu.memory_space<vmem>> -> memref<128xi32, #tpu.memory_space<vmem>>
      %dma_wait3A_401 = arith.constant 0 : i32
      %dma_wait3A_402 = arith.constant 0 : i32
      %dma_wait3A_403 = tpu.memref_slice %arg4[%dma_wait3A_401, %dma_wait3A_402] : memref<40000x128xf32, #tpu.memory_space<hbm>> -> memref<40000x128xf32, #tpu.memory_space<hbm>>
      tpu.wait_indirect_dma semaphore(%arg12 : memref<!tpu.dma_semaphore, #tpu.memory_space<semaphore_mem>>) src(%dma_wait3A_403 : memref<40000x128xf32, #tpu.memory_space<hbm>>) dst(%arg9 : memref<128x128xf32, #tpu.memory_space<vmem>>)
      %dma_start3A_404 = arith.constant 1920 : i32
      %dma_start3A_405 = tpu.memref_slice %arg7[%dma_start3A_404] : memref<2048xi32, #tpu.memory_space<vmem>> -> memref<128xi32, #tpu.memory_space<vmem>>
      %dma_start3A_406 = arith.constant 0 : i32
      %dma_start3A_407 = arith.constant 0 : i32
      %dma_start3A_408 = tpu.memref_slice %arg10[%dma_start3A_406, %dma_start3A_407] : memref<10008x128xf32, #tpu.memory_space<vmem_shared>> -> memref<10008x128xf32, #tpu.memory_space<vmem_shared>>
      tpu.enqueue_indirect_dma source(%arg9 : memref<128x128xf32, #tpu.memory_space<vmem>>) target(%dma_start3A_408 : memref<10008x128xf32, #tpu.memory_space<vmem_shared>>) offsets(%dma_start3A_405 : memref<128xi32, #tpu.memory_space<vmem>>) semaphore(%arg14 : memref<!tpu.dma_semaphore, #tpu.memory_space<semaphore_mem>>) {add = true}
      %dma_wait3A_409 = arith.constant 1920 : i32
      %dma_wait3A_410 = tpu.memref_slice %arg7[%dma_wait3A_409] : memref<2048xi32, #tpu.memory_space<vmem>> -> memref<128xi32, #tpu.memory_space<vmem>>
      %dma_wait3A_411 = arith.constant 0 : i32
      %dma_wait3A_412 = arith.constant 0 : i32
      %dma_wait3A_413 = tpu.memref_slice %arg10[%dma_wait3A_411, %dma_wait3A_412] : memref<10008x128xf32, #tpu.memory_space<vmem_shared>> -> memref<10008x128xf32, #tpu.memory_space<vmem_shared>>
      tpu.wait_indirect_dma semaphore(%arg14 : memref<!tpu.dma_semaphore, #tpu.memory_space<semaphore_mem>>) src(%arg9 : memref<128x128xf32, #tpu.memory_space<vmem>>) dst(%dma_wait3A_413 : memref<10008x128xf32, #tpu.memory_space<vmem_shared>>)
      %dma_wait3A_414 = arith.constant 1792 : i32
      %dma_wait3A_415 = tpu.memref_slice %arg7[%dma_wait3A_414] : memref<2048xi32, #tpu.memory_space<vmem>> -> memref<128xi32, #tpu.memory_space<vmem>>
      %dma_wait3A_416 = arith.constant 0 : i32
      %dma_wait3A_417 = arith.constant 0 : i32
      %dma_wait3A_418 = tpu.memref_slice %arg10[%dma_wait3A_416, %dma_wait3A_417] : memref<10008x128xf32, #tpu.memory_space<vmem_shared>> -> memref<10008x128xf32, #tpu.memory_space<vmem_shared>>
      tpu.wait_indirect_dma semaphore(%arg13 : memref<!tpu.dma_semaphore, #tpu.memory_space<semaphore_mem>>) src(%arg8 : memref<128x128xf32, #tpu.memory_space<vmem>>) dst(%dma_wait3A_418 : memref<10008x128xf32, #tpu.memory_space<vmem_shared>>)
      %scan3A_419 = arith.constant 0 : i32
      scf.yield %scan3A_419 : i32
    }
    %scan3A_25 = arith.constant 10 : i32
    %barrier3A_26 = arith.constant 0 : index
    tpu.barrier barrier_id(%barrier3A_26)
    %mul3A_27 = arith.constant 10000 : i32
    %mul3A_28 = arith.muli %add3A_1, %mul3A_27 : i32
    %lt3A_29 = arith.constant 15 : i32
    %lt3A_30 = arith.cmpi slt, %arg1, %lt3A_29 : i32
    %convert_element_type3A_31 = arith.extui %lt3A_30 : i1 to i32
    %cond3A_32 = arith.constant 0 : i32
    %cond3A_33 = arith.cmpi ne, %convert_element_type3A_31, %cond3A_32 : i32
    scf.if %cond3A_33 {
      %mul3A_87 = arith.constant 640 : i32
      %mul3A_88 = arith.muli %arg1, %mul3A_87 : i32
      %mul3A_89 = arith.constant 640 : i32
      %mul3A_90 = arith.muli %arg1, %mul3A_89 : i32
      %add3A_91 = arith.addi %mul3A_28, %mul3A_90 : i32
      "tpu.region"() ({
        %run_scoped3A = tpu.sem_alloc : memref<!tpu.dma_semaphore, #tpu.memory_space<semaphore_mem>>
        %dma_start3A = arith.constant 0 : i32
        %dma_start3A_92 = tpu.memref_slice %arg5[%add3A_91, %dma_start3A] : memref<40000x128xf32, #tpu.memory_space<hbm>> -> memref<640x128xf32, #tpu.memory_space<hbm>>
        %dma_start3A_93 = arith.constant 0 : i32
        %dma_start3A_94 = tpu.memref_slice %arg10[%mul3A_88, %dma_start3A_93] : memref<10008x128xf32, #tpu.memory_space<vmem_shared>> -> memref<640x128xf32, #tpu.memory_space<vmem_shared>>
        tpu.enqueue_dma source(%dma_start3A_94 : memref<640x128xf32, #tpu.memory_space<vmem_shared>>) target(%dma_start3A_92 : memref<640x128xf32, #tpu.memory_space<hbm>>) target_semaphore(%run_scoped3A : memref<!tpu.dma_semaphore, #tpu.memory_space<semaphore_mem>>)
        %dma_wait3A = arith.constant 0 : i32
        %dma_wait3A_95 = tpu.memref_slice %arg5[%add3A_91, %dma_wait3A] : memref<40000x128xf32, #tpu.memory_space<hbm>> -> memref<640x128xf32, #tpu.memory_space<hbm>>
        %dma_wait3A_96 = arith.constant 0 : i32
        %dma_wait3A_97 = tpu.memref_slice %arg10[%mul3A_88, %dma_wait3A_96] : memref<10008x128xf32, #tpu.memory_space<vmem_shared>> -> memref<640x128xf32, #tpu.memory_space<vmem_shared>>
        tpu.wait_dma2 semaphore(%run_scoped3A : memref<!tpu.dma_semaphore, #tpu.memory_space<semaphore_mem>>) src(%dma_wait3A_97 : memref<640x128xf32, #tpu.memory_space<vmem_shared>>) dst(%dma_wait3A_95 : memref<640x128xf32, #tpu.memory_space<hbm>>)
        tpu.yield
      }) : () -> ()
    } else {
    }
    %eq3A_34 = arith.constant 15 : i32
    %eq3A_35 = arith.cmpi eq, %arg1, %eq3A_34 : i32
    %convert_element_type3A_36 = arith.extui %eq3A_35 : i1 to i32
    %cond3A_37 = arith.constant 0 : i32
    %cond3A_38 = arith.cmpi ne, %convert_element_type3A_36, %cond3A_37 : i32
    scf.if %cond3A_38 {
      %add3A_87 = arith.constant 9600 : i32
      %add3A_88 = arith.addi %mul3A_28, %add3A_87 : i32
      "tpu.region"() ({
        %run_scoped3A = tpu.sem_alloc : memref<!tpu.dma_semaphore, #tpu.memory_space<semaphore_mem>>
        %dma_start3A = arith.constant 0 : i32
        %dma_start3A_89 = tpu.memref_slice %arg5[%add3A_88, %dma_start3A] : memref<40000x128xf32, #tpu.memory_space<hbm>> -> memref<400x128xf32, #tpu.memory_space<hbm>>
        %dma_start3A_90 = arith.constant 9600 : i32
        %dma_start3A_91 = arith.constant 0 : i32
        %dma_start3A_92 = tpu.memref_slice %arg10[%dma_start3A_90, %dma_start3A_91] : memref<10008x128xf32, #tpu.memory_space<vmem_shared>> -> memref<400x128xf32, #tpu.memory_space<vmem_shared>>
        tpu.enqueue_dma source(%dma_start3A_92 : memref<400x128xf32, #tpu.memory_space<vmem_shared>>) target(%dma_start3A_89 : memref<400x128xf32, #tpu.memory_space<hbm>>) target_semaphore(%run_scoped3A : memref<!tpu.dma_semaphore, #tpu.memory_space<semaphore_mem>>)
        %dma_wait3A = arith.constant 0 : i32
        %dma_wait3A_93 = tpu.memref_slice %arg5[%add3A_88, %dma_wait3A] : memref<40000x128xf32, #tpu.memory_space<hbm>> -> memref<400x128xf32, #tpu.memory_space<hbm>>
        %dma_wait3A_94 = arith.constant 9600 : i32
        %dma_wait3A_95 = arith.constant 0 : i32
        %dma_wait3A_96 = tpu.memref_slice %arg10[%dma_wait3A_94, %dma_wait3A_95] : memref<10008x128xf32, #tpu.memory_space<vmem_shared>> -> memref<400x128xf32, #tpu.memory_space<vmem_shared>>
        tpu.wait_dma2 semaphore(%run_scoped3A : memref<!tpu.dma_semaphore, #tpu.memory_space<semaphore_mem>>) src(%dma_wait3A_96 : memref<400x128xf32, #tpu.memory_space<vmem_shared>>) dst(%dma_wait3A_93 : memref<400x128xf32, #tpu.memory_space<hbm>>)
        tpu.yield
      }) : () -> ()
    } else {
    }
    %barrier3A_39 = arith.constant 0 : index
    tpu.barrier barrier_id(%barrier3A_39)
    %add3A_40 = arith.constant 2 : i32
    %add3A_41 = arith.addi %add3A_40, %arg0 : i32
    %scan3A_42 = arith.constant 0 : i32
    %scan3A_43 = arith.constant 0 : i32
    %scan3A_44 = arith.constant 128 : i32
    %scan3A_45 = arith.addi %scan3A_43, %scan3A_44 : i32
    %scan3A_46 = arith.constant 1 : i32
    %scan3A_47 = scf.for %scan3A_87 = %scan3A_43 to %scan3A_45 step %scan3A_46 iter_args(%scan3A_88 = %scan3A_42) -> (i32)  : i32 {
      %swap3A = arith.index_cast %scan3A_87 : i32 to index
      %swap3A_89 = arith.constant 0 : index
      %swap3A_90 = tpu.vector_load %arg8[%swap3A, %swap3A_89] {strides = array<i32>} : memref<128x128xf32, #tpu.memory_space<vmem>>, vector<16xf32>,
      tpu.vector_store %arg8[%swap3A, %swap3A_89], %broadcast_in_dim3A_0 {strides = array<i32>} : memref<128x128xf32, #tpu.memory_space<vmem>>, vector<16xf32>,
      %swap3A_91 = arith.index_cast %scan3A_87 : i32 to index
      %swap3A_92 = arith.constant 16 : index
      %swap3A_93 = tpu.vector_load %arg8[%swap3A_91, %swap3A_92] {strides = array<i32>} : memref<128x128xf32, #tpu.memory_space<vmem>>, vector<16xf32>,
      tpu.vector_store %arg8[%swap3A_91, %swap3A_92], %broadcast_in_dim3A_0 {strides = array<i32>} : memref<128x128xf32, #tpu.memory_space<vmem>>, vector<16xf32>,
      %swap3A_94 = arith.index_cast %scan3A_87 : i32 to index
      %swap3A_95 = arith.constant 32 : index
      %swap3A_96 = tpu.vector_load %arg8[%swap3A_94, %swap3A_95] {strides = array<i32>} : memref<128x128xf32, #tpu.memory_space<vmem>>, vector<16xf32>,
      tpu.vector_store %arg8[%swap3A_94, %swap3A_95], %broadcast_in_dim3A_0 {strides = array<i32>} : memref<128x128xf32, #tpu.memory_space<vmem>>, vector<16xf32>,
      %swap3A_97 = arith.index_cast %scan3A_87 : i32 to index
      %swap3A_98 = arith.constant 48 : index
      %swap3A_99 = tpu.vector_load %arg8[%swap3A_97, %swap3A_98] {strides = array<i32>} : memref<128x128xf32, #tpu.memory_space<vmem>>, vector<16xf32>,
      tpu.vector_store %arg8[%swap3A_97, %swap3A_98], %broadcast_in_dim3A_0 {strides = array<i32>} : memref<128x128xf32, #tpu.memory_space<vmem>>, vector<16xf32>,
      %swap3A_100 = arith.index_cast %scan3A_87 : i32 to index
      %swap3A_101 = arith.constant 64 : index
      %swap3A_102 = tpu.vector_load %arg8[%swap3A_100, %swap3A_101] {strides = array<i32>} : memref<128x128xf32, #tpu.memory_space<vmem>>, vector<16xf32>,
      tpu.vector_store %arg8[%swap3A_100, %swap3A_101], %broadcast_in_dim3A_0 {strides = array<i32>} : memref<128x128xf32, #tpu.memory_space<vmem>>, vector<16xf32>,
      %swap3A_103 = arith.index_cast %scan3A_87 : i32 to index
      %swap3A_104 = arith.constant 80 : index
      %swap3A_105 = tpu.vector_load %arg8[%swap3A_103, %swap3A_104] {strides = array<i32>} : memref<128x128xf32, #tpu.memory_space<vmem>>, vector<16xf32>,
      tpu.vector_store %arg8[%swap3A_103, %swap3A_104], %broadcast_in_dim3A_0 {strides = array<i32>} : memref<128x128xf32, #tpu.memory_space<vmem>>, vector<16xf32>,
      %swap3A_106 = arith.index_cast %scan3A_87 : i32 to index
      %swap3A_107 = arith.constant 96 : index
      %swap3A_108 = tpu.vector_load %arg8[%swap3A_106, %swap3A_107] {strides = array<i32>} : memref<128x128xf32, #tpu.memory_space<vmem>>, vector<16xf32>,
      tpu.vector_store %arg8[%swap3A_106, %swap3A_107], %broadcast_in_dim3A_0 {strides = array<i32>} : memref<128x128xf32, #tpu.memory_space<vmem>>, vector<16xf32>,
      %swap3A_109 = arith.index_cast %scan3A_87 : i32 to index
      %swap3A_110 = arith.constant 112 : index
      %swap3A_111 = tpu.vector_load %arg8[%swap3A_109, %swap3A_110] {strides = array<i32>} : memref<128x128xf32, #tpu.memory_space<vmem>>, vector<16xf32>,
      tpu.vector_store %arg8[%swap3A_109, %swap3A_110], %broadcast_in_dim3A_0 {strides = array<i32>} : memref<128x128xf32, #tpu.memory_space<vmem>>, vector<16xf32>,
      %scan3A_112 = arith.constant 0 : i32
      scf.yield %scan3A_112 : i32
    }
    %scan3A_48 = arith.constant 128 : i32
    %lt3A_49 = arith.constant 15 : i32
    %lt3A_50 = arith.cmpi slt, %arg1, %lt3A_49 : i32
    %convert_element_type3A_51 = arith.extui %lt3A_50 : i1 to i32
    %cond3A_52 = arith.constant 0 : i32
    %cond3A_53 = arith.cmpi ne, %convert_element_type3A_51, %cond3A_52 : i32
    scf.if %cond3A_53 {
      %mul3A_87 = arith.constant 640 : i32
      %mul3A_88 = arith.muli %arg1, %mul3A_87 : i32
      %add3A_89 = arith.constant 0 : i32
      %add3A_90 = arith.addi %mul3A_88, %add3A_89 : i32
      "tpu.region"() ({
        %run_scoped3A = tpu.sem_alloc : memref<!tpu.dma_semaphore, #tpu.memory_space<semaphore_mem>>
        %dma_start3A = arith.constant 0 : i32
        %dma_start3A_107 = tpu.memref_slice %arg10[%add3A_90, %dma_start3A] : memref<10008x128xf32, #tpu.memory_space<vmem_shared>> -> memref<128x128xf32, #tpu.memory_space<vmem_shared>>
        %dma_start3A_108 = arith.constant 0 : i32
        %dma_start3A_109 = tpu.memref_slice %arg10[%add3A_90, %dma_start3A_108] : memref<10008x128xf32, #tpu.memory_space<vmem_shared>> -> memref<128x128xf32, #tpu.memory_space<vmem_shared>>
        tpu.enqueue_dma source(%arg8 : memref<128x128xf32, #tpu.memory_space<vmem>>) target(%dma_start3A_109 : memref<128x128xf32, #tpu.memory_space<vmem_shared>>) target_semaphore(%run_scoped3A : memref<!tpu.dma_semaphore, #tpu.memory_space<semaphore_mem>>)
        %dma_wait3A = arith.constant 0 : i32
        %dma_wait3A_110 = tpu.memref_slice %arg10[%add3A_90, %dma_wait3A] : memref<10008x128xf32, #tpu.memory_space<vmem_shared>> -> memref<128x128xf32, #tpu.memory_space<vmem_shared>>
        %dma_wait3A_111 = arith.constant 0 : i32
        %dma_wait3A_112 = tpu.memref_slice %arg10[%add3A_90, %dma_wait3A_111] : memref<10008x128xf32, #tpu.memory_space<vmem_shared>> -> memref<128x128xf32, #tpu.memory_space<vmem_shared>>
        tpu.wait_dma2 semaphore(%run_scoped3A : memref<!tpu.dma_semaphore, #tpu.memory_space<semaphore_mem>>) src(%arg8 : memref<128x128xf32, #tpu.memory_space<vmem>>) dst(%dma_wait3A_112 : memref<128x128xf32, #tpu.memory_space<vmem_shared>>)
        tpu.yield
      }) : () -> ()
      %mul3A_91 = arith.constant 640 : i32
      %mul3A_92 = arith.muli %arg1, %mul3A_91 : i32
      %add3A_93 = arith.constant 128 : i32
      %add3A_94 = arith.addi %mul3A_92, %add3A_93 : i32
      "tpu.region"() ({
        %run_scoped3A = tpu.sem_alloc : memref<!tpu.dma_semaphore, #tpu.memory_space<semaphore_mem>>
        %dma_start3A = arith.constant 0 : i32
        %dma_start3A_107 = tpu.memref_slice %arg10[%add3A_94, %dma_start3A] : memref<10008x128xf32, #tpu.memory_space<vmem_shared>> -> memref<128x128xf32, #tpu.memory_space<vmem_shared>>
        %dma_start3A_108 = arith.constant 0 : i32
        %dma_start3A_109 = tpu.memref_slice %arg10[%add3A_94, %dma_start3A_108] : memref<10008x128xf32, #tpu.memory_space<vmem_shared>> -> memref<128x128xf32, #tpu.memory_space<vmem_shared>>
        tpu.enqueue_dma source(%arg8 : memref<128x128xf32, #tpu.memory_space<vmem>>) target(%dma_start3A_109 : memref<128x128xf32, #tpu.memory_space<vmem_shared>>) target_semaphore(%run_scoped3A : memref<!tpu.dma_semaphore, #tpu.memory_space<semaphore_mem>>)
        %dma_wait3A = arith.constant 0 : i32
        %dma_wait3A_110 = tpu.memref_slice %arg10[%add3A_94, %dma_wait3A] : memref<10008x128xf32, #tpu.memory_space<vmem_shared>> -> memref<128x128xf32, #tpu.memory_space<vmem_shared>>
        %dma_wait3A_111 = arith.constant 0 : i32
        %dma_wait3A_112 = tpu.memref_slice %arg10[%add3A_94, %dma_wait3A_111] : memref<10008x128xf32, #tpu.memory_space<vmem_shared>> -> memref<128x128xf32, #tpu.memory_space<vmem_shared>>
        tpu.wait_dma2 semaphore(%run_scoped3A : memref<!tpu.dma_semaphore, #tpu.memory_space<semaphore_mem>>) src(%arg8 : memref<128x128xf32, #tpu.memory_space<vmem>>) dst(%dma_wait3A_112 : memref<128x128xf32, #tpu.memory_space<vmem_shared>>)
        tpu.yield
      }) : () -> ()
      %mul3A_95 = arith.constant 640 : i32
      %mul3A_96 = arith.muli %arg1, %mul3A_95 : i32
      %add3A_97 = arith.constant 256 : i32
      %add3A_98 = arith.addi %mul3A_96, %add3A_97 : i32
      "tpu.region"() ({
        %run_scoped3A = tpu.sem_alloc : memref<!tpu.dma_semaphore, #tpu.memory_space<semaphore_mem>>
        %dma_start3A = arith.constant 0 : i32
        %dma_start3A_107 = tpu.memref_slice %arg10[%add3A_98, %dma_start3A] : memref<10008x128xf32, #tpu.memory_space<vmem_shared>> -> memref<128x128xf32, #tpu.memory_space<vmem_shared>>
        %dma_start3A_108 = arith.constant 0 : i32
        %dma_start3A_109 = tpu.memref_slice %arg10[%add3A_98, %dma_start3A_108] : memref<10008x128xf32, #tpu.memory_space<vmem_shared>> -> memref<128x128xf32, #tpu.memory_space<vmem_shared>>
        tpu.enqueue_dma source(%arg8 : memref<128x128xf32, #tpu.memory_space<vmem>>) target(%dma_start3A_109 : memref<128x128xf32, #tpu.memory_space<vmem_shared>>) target_semaphore(%run_scoped3A : memref<!tpu.dma_semaphore, #tpu.memory_space<semaphore_mem>>)
        %dma_wait3A = arith.constant 0 : i32
        %dma_wait3A_110 = tpu.memref_slice %arg10[%add3A_98, %dma_wait3A] : memref<10008x128xf32, #tpu.memory_space<vmem_shared>> -> memref<128x128xf32, #tpu.memory_space<vmem_shared>>
        %dma_wait3A_111 = arith.constant 0 : i32
        %dma_wait3A_112 = tpu.memref_slice %arg10[%add3A_98, %dma_wait3A_111] : memref<10008x128xf32, #tpu.memory_space<vmem_shared>> -> memref<128x128xf32, #tpu.memory_space<vmem_shared>>
        tpu.wait_dma2 semaphore(%run_scoped3A : memref<!tpu.dma_semaphore, #tpu.memory_space<semaphore_mem>>) src(%arg8 : memref<128x128xf32, #tpu.memory_space<vmem>>) dst(%dma_wait3A_112 : memref<128x128xf32, #tpu.memory_space<vmem_shared>>)
        tpu.yield
      }) : () -> ()
      %mul3A_99 = arith.constant 640 : i32
      %mul3A_100 = arith.muli %arg1, %mul3A_99 : i32
      %add3A_101 = arith.constant 384 : i32
      %add3A_102 = arith.addi %mul3A_100, %add3A_101 : i32
      "tpu.region"() ({
        %run_scoped3A = tpu.sem_alloc : memref<!tpu.dma_semaphore, #tpu.memory_space<semaphore_mem>>
        %dma_start3A = arith.constant 0 : i32
        %dma_start3A_107 = tpu.memref_slice %arg10[%add3A_102, %dma_start3A] : memref<10008x128xf32, #tpu.memory_space<vmem_shared>> -> memref<128x128xf32, #tpu.memory_space<vmem_shared>>
        %dma_start3A_108 = arith.constant 0 : i32
        %dma_start3A_109 = tpu.memref_slice %arg10[%add3A_102, %dma_start3A_108] : memref<10008x128xf32, #tpu.memory_space<vmem_shared>> -> memref<128x128xf32, #tpu.memory_space<vmem_shared>>
        tpu.enqueue_dma source(%arg8 : memref<128x128xf32, #tpu.memory_space<vmem>>) target(%dma_start3A_109 : memref<128x128xf32, #tpu.memory_space<vmem_shared>>) target_semaphore(%run_scoped3A : memref<!tpu.dma_semaphore, #tpu.memory_space<semaphore_mem>>)
        %dma_wait3A = arith.constant 0 : i32
        %dma_wait3A_110 = tpu.memref_slice %arg10[%add3A_102, %dma_wait3A] : memref<10008x128xf32, #tpu.memory_space<vmem_shared>> -> memref<128x128xf32, #tpu.memory_space<vmem_shared>>
        %dma_wait3A_111 = arith.constant 0 : i32
        %dma_wait3A_112 = tpu.memref_slice %arg10[%add3A_102, %dma_wait3A_111] : memref<10008x128xf32, #tpu.memory_space<vmem_shared>> -> memref<128x128xf32, #tpu.memory_space<vmem_shared>>
        tpu.wait_dma2 semaphore(%run_scoped3A : memref<!tpu.dma_semaphore, #tpu.memory_space<semaphore_mem>>) src(%arg8 : memref<128x128xf32, #tpu.memory_space<vmem>>) dst(%dma_wait3A_112 : memref<128x128xf32, #tpu.memory_space<vmem_shared>>)
        tpu.yield
      }) : () -> ()
      %mul3A_103 = arith.constant 640 : i32
      %mul3A_104 = arith.muli %arg1, %mul3A_103 : i32
      %add3A_105 = arith.constant 512 : i32
      %add3A_106 = arith.addi %mul3A_104, %add3A_105 : i32
      "tpu.region"() ({
        %run_scoped3A = tpu.sem_alloc : memref<!tpu.dma_semaphore, #tpu.memory_space<semaphore_mem>>
        %dma_start3A = arith.constant 0 : i32
        %dma_start3A_107 = tpu.memref_slice %arg10[%add3A_106, %dma_start3A] : memref<10008x128xf32, #tpu.memory_space<vmem_shared>> -> memref<128x128xf32, #tpu.memory_space<vmem_shared>>
        %dma_start3A_108 = arith.constant 0 : i32
        %dma_start3A_109 = tpu.memref_slice %arg10[%add3A_106, %dma_start3A_108] : memref<10008x128xf32, #tpu.memory_space<vmem_shared>> -> memref<128x128xf32, #tpu.memory_space<vmem_shared>>
        tpu.enqueue_dma source(%arg8 : memref<128x128xf32, #tpu.memory_space<vmem>>) target(%dma_start3A_109 : memref<128x128xf32, #tpu.memory_space<vmem_shared>>) target_semaphore(%run_scoped3A : memref<!tpu.dma_semaphore, #tpu.memory_space<semaphore_mem>>)
        %dma_wait3A = arith.constant 0 : i32
        %dma_wait3A_110 = tpu.memref_slice %arg10[%add3A_106, %dma_wait3A] : memref<10008x128xf32, #tpu.memory_space<vmem_shared>> -> memref<128x128xf32, #tpu.memory_space<vmem_shared>>
        %dma_wait3A_111 = arith.constant 0 : i32
        %dma_wait3A_112 = tpu.memref_slice %arg10[%add3A_106, %dma_wait3A_111] : memref<10008x128xf32, #tpu.memory_space<vmem_shared>> -> memref<128x128xf32, #tpu.memory_space<vmem_shared>>
        tpu.wait_dma2 semaphore(%run_scoped3A : memref<!tpu.dma_semaphore, #tpu.memory_space<semaphore_mem>>) src(%arg8 : memref<128x128xf32, #tpu.memory_space<vmem>>) dst(%dma_wait3A_112 : memref<128x128xf32, #tpu.memory_space<vmem_shared>>)
        tpu.yield
      }) : () -> ()
    } else {
    }
    %eq3A_54 = arith.constant 15 : i32
    %eq3A_55 = arith.cmpi eq, %arg1, %eq3A_54 : i32
    %convert_element_type3A_56 = arith.extui %eq3A_55 : i1 to i32
    %cond3A_57 = arith.constant 0 : i32
    %cond3A_58 = arith.cmpi ne, %convert_element_type3A_56, %cond3A_57 : i32
    scf.if %cond3A_58 {
      "tpu.region"() ({
        %run_scoped3A = tpu.sem_alloc : memref<!tpu.dma_semaphore, #tpu.memory_space<semaphore_mem>>
        %dma_start3A = arith.constant 9600 : i32
        %dma_start3A_87 = arith.constant 0 : i32
        %dma_start3A_88 = tpu.memref_slice %arg10[%dma_start3A, %dma_start3A_87] : memref<10008x128xf32, #tpu.memory_space<vmem_shared>> -> memref<128x128xf32, #tpu.memory_space<vmem_shared>>
        %dma_start3A_89 = arith.constant 9600 : i32
        %dma_start3A_90 = arith.constant 0 : i32
        %dma_start3A_91 = tpu.memref_slice %arg10[%dma_start3A_89, %dma_start3A_90] : memref<10008x128xf32, #tpu.memory_space<vmem_shared>> -> memref<128x128xf32, #tpu.memory_space<vmem_shared>>
        tpu.enqueue_dma source(%arg8 : memref<128x128xf32, #tpu.memory_space<vmem>>) target(%dma_start3A_91 : memref<128x128xf32, #tpu.memory_space<vmem_shared>>) target_semaphore(%run_scoped3A : memref<!tpu.dma_semaphore, #tpu.memory_space<semaphore_mem>>)
        %dma_wait3A = arith.constant 9600 : i32
        %dma_wait3A_92 = arith.constant 0 : i32
        %dma_wait3A_93 = tpu.memref_slice %arg10[%dma_wait3A, %dma_wait3A_92] : memref<10008x128xf32, #tpu.memory_space<vmem_shared>> -> memref<128x128xf32, #tpu.memory_space<vmem_shared>>
        %dma_wait3A_94 = arith.constant 9600 : i32
        %dma_wait3A_95 = arith.constant 0 : i32
        %dma_wait3A_96 = tpu.memref_slice %arg10[%dma_wait3A_94, %dma_wait3A_95] : memref<10008x128xf32, #tpu.memory_space<vmem_shared>> -> memref<128x128xf32, #tpu.memory_space<vmem_shared>>
        tpu.wait_dma2 semaphore(%run_scoped3A : memref<!tpu.dma_semaphore, #tpu.memory_space<semaphore_mem>>) src(%arg8 : memref<128x128xf32, #tpu.memory_space<vmem>>) dst(%dma_wait3A_96 : memref<128x128xf32, #tpu.memory_space<vmem_shared>>)
        tpu.yield
      }) : () -> ()
      "tpu.region"() ({
        %run_scoped3A = tpu.sem_alloc : memref<!tpu.dma_semaphore, #tpu.memory_space<semaphore_mem>>
        %dma_start3A = arith.constant 9728 : i32
        %dma_start3A_87 = arith.constant 0 : i32
        %dma_start3A_88 = tpu.memref_slice %arg10[%dma_start3A, %dma_start3A_87] : memref<10008x128xf32, #tpu.memory_space<vmem_shared>> -> memref<128x128xf32, #tpu.memory_space<vmem_shared>>
        %dma_start3A_89 = arith.constant 9728 : i32
        %dma_start3A_90 = arith.constant 0 : i32
        %dma_start3A_91 = tpu.memref_slice %arg10[%dma_start3A_89, %dma_start3A_90] : memref<10008x128xf32, #tpu.memory_space<vmem_shared>> -> memref<128x128xf32, #tpu.memory_space<vmem_shared>>
        tpu.enqueue_dma source(%arg8 : memref<128x128xf32, #tpu.memory_space<vmem>>) target(%dma_start3A_91 : memref<128x128xf32, #tpu.memory_space<vmem_shared>>) target_semaphore(%run_scoped3A : memref<!tpu.dma_semaphore, #tpu.memory_space<semaphore_mem>>)
        %dma_wait3A = arith.constant 9728 : i32
        %dma_wait3A_92 = arith.constant 0 : i32
        %dma_wait3A_93 = tpu.memref_slice %arg10[%dma_wait3A, %dma_wait3A_92] : memref<10008x128xf32, #tpu.memory_space<vmem_shared>> -> memref<128x128xf32, #tpu.memory_space<vmem_shared>>
        %dma_wait3A_94 = arith.constant 9728 : i32
        %dma_wait3A_95 = arith.constant 0 : i32
        %dma_wait3A_96 = tpu.memref_slice %arg10[%dma_wait3A_94, %dma_wait3A_95] : memref<10008x128xf32, #tpu.memory_space<vmem_shared>> -> memref<128x128xf32, #tpu.memory_space<vmem_shared>>
        tpu.wait_dma2 semaphore(%run_scoped3A : memref<!tpu.dma_semaphore, #tpu.memory_space<semaphore_mem>>) src(%arg8 : memref<128x128xf32, #tpu.memory_space<vmem>>) dst(%dma_wait3A_96 : memref<128x128xf32, #tpu.memory_space<vmem_shared>>)
        tpu.yield
      }) : () -> ()
      "tpu.region"() ({
        %run_scoped3A = tpu.sem_alloc : memref<!tpu.dma_semaphore, #tpu.memory_space<semaphore_mem>>
        %dma_start3A = arith.constant 9856 : i32
        %dma_start3A_87 = arith.constant 0 : i32
        %dma_start3A_88 = tpu.memref_slice %arg10[%dma_start3A, %dma_start3A_87] : memref<10008x128xf32, #tpu.memory_space<vmem_shared>> -> memref<128x128xf32, #tpu.memory_space<vmem_shared>>
        %dma_start3A_89 = arith.constant 9856 : i32
        %dma_start3A_90 = arith.constant 0 : i32
        %dma_start3A_91 = tpu.memref_slice %arg10[%dma_start3A_89, %dma_start3A_90] : memref<10008x128xf32, #tpu.memory_space<vmem_shared>> -> memref<128x128xf32, #tpu.memory_space<vmem_shared>>
        tpu.enqueue_dma source(%arg8 : memref<128x128xf32, #tpu.memory_space<vmem>>) target(%dma_start3A_91 : memref<128x128xf32, #tpu.memory_space<vmem_shared>>) target_semaphore(%run_scoped3A : memref<!tpu.dma_semaphore, #tpu.memory_space<semaphore_mem>>)
        %dma_wait3A = arith.constant 9856 : i32
        %dma_wait3A_92 = arith.constant 0 : i32
        %dma_wait3A_93 = tpu.memref_slice %arg10[%dma_wait3A, %dma_wait3A_92] : memref<10008x128xf32, #tpu.memory_space<vmem_shared>> -> memref<128x128xf32, #tpu.memory_space<vmem_shared>>
        %dma_wait3A_94 = arith.constant 9856 : i32
        %dma_wait3A_95 = arith.constant 0 : i32
        %dma_wait3A_96 = tpu.memref_slice %arg10[%dma_wait3A_94, %dma_wait3A_95] : memref<10008x128xf32, #tpu.memory_space<vmem_shared>> -> memref<128x128xf32, #tpu.memory_space<vmem_shared>>
        tpu.wait_dma2 semaphore(%run_scoped3A : memref<!tpu.dma_semaphore, #tpu.memory_space<semaphore_mem>>) src(%arg8 : memref<128x128xf32, #tpu.memory_space<vmem>>) dst(%dma_wait3A_96 : memref<128x128xf32, #tpu.memory_space<vmem_shared>>)
        tpu.yield
      }) : () -> ()
      "tpu.region"() ({
        %run_scoped3A = tpu.sem_alloc : memref<!tpu.dma_semaphore, #tpu.memory_space<semaphore_mem>>
        %dma_start3A = arith.constant 0 : i32
        %dma_start3A_87 = arith.constant 0 : i32
        %dma_start3A_88 = tpu.memref_slice %arg8[%dma_start3A, %dma_start3A_87] : memref<128x128xf32, #tpu.memory_space<vmem>> -> memref<24x128xf32, #tpu.memory_space<vmem>>
        %dma_start3A_89 = arith.constant 9984 : i32
        %dma_start3A_90 = arith.constant 0 : i32
        %dma_start3A_91 = tpu.memref_slice %arg10[%dma_start3A_89, %dma_start3A_90] : memref<10008x128xf32, #tpu.memory_space<vmem_shared>> -> memref<24x128xf32, #tpu.memory_space<vmem_shared>>
        %dma_start3A_92 = arith.constant 9984 : i32
        %dma_start3A_93 = arith.constant 0 : i32
        %dma_start3A_94 = tpu.memref_slice %arg10[%dma_start3A_92, %dma_start3A_93] : memref<10008x128xf32, #tpu.memory_space<vmem_shared>> -> memref<24x128xf32, #tpu.memory_space<vmem_shared>>
        %dma_start3A_95 = arith.constant 0 : i32
        %dma_start3A_96 = arith.constant 0 : i32
        %dma_start3A_97 = tpu.memref_slice %arg8[%dma_start3A_95, %dma_start3A_96] : memref<128x128xf32, #tpu.memory_space<vmem>> -> memref<24x128xf32, #tpu.memory_space<vmem>>
        tpu.enqueue_dma source(%dma_start3A_97 : memref<24x128xf32, #tpu.memory_space<vmem>>) target(%dma_start3A_94 : memref<24x128xf32, #tpu.memory_space<vmem_shared>>) target_semaphore(%run_scoped3A : memref<!tpu.dma_semaphore, #tpu.memory_space<semaphore_mem>>)
        %dma_wait3A = arith.constant 0 : i32
        %dma_wait3A_98 = arith.constant 0 : i32
        %dma_wait3A_99 = tpu.memref_slice %arg8[%dma_wait3A, %dma_wait3A_98] : memref<128x128xf32, #tpu.memory_space<vmem>> -> memref<24x128xf32, #tpu.memory_space<vmem>>
        %dma_wait3A_100 = arith.constant 9984 : i32
        %dma_wait3A_101 = arith.constant 0 : i32
        %dma_wait3A_102 = tpu.memref_slice %arg10[%dma_wait3A_100, %dma_wait3A_101] : memref<10008x128xf32, #tpu.memory_space<vmem_shared>> -> memref<24x128xf32, #tpu.memory_space<vmem_shared>>
        %dma_wait3A_103 = arith.constant 9984 : i32
        %dma_wait3A_104 = arith.constant 0 : i32
        %dma_wait3A_105 = tpu.memref_slice %arg10[%dma_wait3A_103, %dma_wait3A_104] : memref<10008x128xf32, #tpu.memory_space<vmem_shared>> -> memref<24x128xf32, #tpu.memory_space<vmem_shared>>
        %dma_wait3A_106 = arith.constant 0 : i32
        %dma_wait3A_107 = arith.constant 0 : i32
        %dma_wait3A_108 = tpu.memref_slice %arg8[%dma_wait3A_106, %dma_wait3A_107] : memref<128x128xf32, #tpu.memory_space<vmem>> -> memref<24x128xf32, #tpu.memory_space<vmem>>
        tpu.wait_dma2 semaphore(%run_scoped3A : memref<!tpu.dma_semaphore, #tpu.memory_space<semaphore_mem>>) src(%dma_wait3A_108 : memref<24x128xf32, #tpu.memory_space<vmem>>) dst(%dma_wait3A_105 : memref<24x128xf32, #tpu.memory_space<vmem_shared>>)
        tpu.yield
      }) : () -> ()
    } else {
    }
    %barrier3A_59 = arith.constant 0 : index
    tpu.barrier barrier_id(%barrier3A_59)
    %broadcast_in_dim3A_60 = arith.constant 0 : i32
    %broadcast_in_dim3A_61 = vector.broadcast %broadcast_in_dim3A_60 : i32 to vector<16xi32>
    %mul3A_62 = arith.constant 10000 : i32
    %mul3A_63 = arith.muli %add3A_41, %mul3A_62 : i32
    %add3A_64 = vector.broadcast %mul3A_63 : i32 to vector<16xi32>
    %add3A_65 = arith.addi %broadcast_in_dim3A_61, %add3A_64 : vector<16xi32>
    %scan3A_66 = arith.constant 0 : i32
    %scan3A_67 = arith.constant 0 : i32
    %scan3A_68 = arith.constant 10 : i32
    %scan3A_69 = arith.addi %scan3A_67, %scan3A_68 : i32
    %scan3A_70 = arith.constant 1 : i32
    %scan3A_71 = scf.for %scan3A_87 = %scan3A_67 to %scan3A_69 step %scan3A_70 iter_args(%scan3A_88 = %scan3A_66) -> (i32)  : i32 {
      %mul3A_89 = arith.constant 20480 : i32
      %mul3A_90 = arith.muli %arg1, %mul3A_89 : i32
      %mul3A_91 = arith.constant 2048 : i32
      %mul3A_92 = arith.muli %scan3A_87, %mul3A_91 : i32
      %add3A_93 = arith.addi %mul3A_90, %mul3A_92 : i32
      "tpu.region"() ({
        %run_scoped3A = tpu.sem_alloc : memref<!tpu.dma_semaphore, #tpu.memory_space<semaphore_mem>>
        %dma_start3A_420 = tpu.memref_slice %arg2[%add3A_93] : memref<327680xi32, #tpu.memory_space<hbm>> -> memref<2048xi32, #tpu.memory_space<hbm>>
        %dma_start3A_421 = tpu.memref_slice %arg2[%add3A_93] : memref<327680xi32, #tpu.memory_space<hbm>> -> memref<2048xi32, #tpu.memory_space<hbm>>
        tpu.enqueue_dma source(%dma_start3A_421 : memref<2048xi32, #tpu.memory_space<hbm>>) target(%arg6 : memref<2048xi32, #tpu.memory_space<vmem>>) target_semaphore(%run_scoped3A : memref<!tpu.dma_semaphore, #tpu.memory_space<semaphore_mem>>)
        %dma_wait3A_422 = tpu.memref_slice %arg2[%add3A_93] : memref<327680xi32, #tpu.memory_space<hbm>> -> memref<2048xi32, #tpu.memory_space<hbm>>
        %dma_wait3A_423 = tpu.memref_slice %arg2[%add3A_93] : memref<327680xi32, #tpu.memory_space<hbm>> -> memref<2048xi32, #tpu.memory_space<hbm>>
        tpu.wait_dma2 semaphore(%run_scoped3A : memref<!tpu.dma_semaphore, #tpu.memory_space<semaphore_mem>>) src(%dma_wait3A_423 : memref<2048xi32, #tpu.memory_space<hbm>>) dst(%arg6 : memref<2048xi32, #tpu.memory_space<vmem>>)
        tpu.yield
      }) : () -> ()
      "tpu.region"() ({
        %run_scoped3A = tpu.sem_alloc : memref<!tpu.dma_semaphore, #tpu.memory_space<semaphore_mem>>
        %dma_start3A_420 = tpu.memref_slice %arg3[%add3A_93] : memref<327680xi32, #tpu.memory_space<hbm>> -> memref<2048xi32, #tpu.memory_space<hbm>>
        %dma_start3A_421 = tpu.memref_slice %arg3[%add3A_93] : memref<327680xi32, #tpu.memory_space<hbm>> -> memref<2048xi32, #tpu.memory_space<hbm>>
        tpu.enqueue_dma source(%dma_start3A_421 : memref<2048xi32, #tpu.memory_space<hbm>>) target(%arg7 : memref<2048xi32, #tpu.memory_space<vmem>>) target_semaphore(%run_scoped3A : memref<!tpu.dma_semaphore, #tpu.memory_space<semaphore_mem>>)
        %dma_wait3A_422 = tpu.memref_slice %arg3[%add3A_93] : memref<327680xi32, #tpu.memory_space<hbm>> -> memref<2048xi32, #tpu.memory_space<hbm>>
        %dma_wait3A_423 = tpu.memref_slice %arg3[%add3A_93] : memref<327680xi32, #tpu.memory_space<hbm>> -> memref<2048xi32, #tpu.memory_space<hbm>>
        tpu.wait_dma2 semaphore(%run_scoped3A : memref<!tpu.dma_semaphore, #tpu.memory_space<semaphore_mem>>) src(%dma_wait3A_423 : memref<2048xi32, #tpu.memory_space<hbm>>) dst(%arg7 : memref<2048xi32, #tpu.memory_space<vmem>>)
        tpu.yield
      }) : () -> ()
      %scan3A_94 = arith.constant 0 : i32
      %scan3A_95 = arith.constant 0 : i32
      %scan3A_96 = arith.constant 128 : i32
      %scan3A_97 = arith.addi %scan3A_95, %scan3A_96 : i32
      %scan3A_98 = arith.constant 1 : i32
      %scan3A_99 = scf.for %scan3A_420 = %scan3A_95 to %scan3A_97 step %scan3A_98 iter_args(%scan3A_421 = %scan3A_94) -> (i32)  : i32 {
        %mul3A_422 = arith.constant 16 : i32
        %mul3A_423 = arith.muli %scan3A_420, %mul3A_422 : i32
        %get3A = arith.index_cast %mul3A_423 : i32 to index
        %get3A_424 = tpu.vector_load %arg6[%get3A] {strides = array<i32>} : memref<2048xi32, #tpu.memory_space<vmem>>, vector<16xi32>,
        %add3A_425 = arith.addi %get3A_424, %add3A_65 : vector<16xi32>
        %mul3A_426 = arith.constant 16 : i32
        %mul3A_427 = arith.muli %scan3A_420, %mul3A_426 : i32
        %swap3A = arith.index_cast %mul3A_427 : i32 to index
        %swap3A_428 = tpu.vector_load %arg6[%swap3A] {strides = array<i32>} : memref<2048xi32, #tpu.memory_space<vmem>>, vector<16xi32>,
        tpu.vector_store %arg6[%swap3A], %add3A_425 {strides = array<i32>} : memref<2048xi32, #tpu.memory_space<vmem>>, vector<16xi32>,
        %scan3A_429 = arith.constant 0 : i32
        scf.yield %scan3A_429 : i32
      }
      %scan3A_100 = arith.constant 128 : i32
      %dma_start3A = arith.constant 0 : i32
      %dma_start3A_101 = tpu.memref_slice %arg6[%dma_start3A] : memref<2048xi32, #tpu.memory_space<vmem>> -> memref<128xi32, #tpu.memory_space<vmem>>
      %dma_start3A_102 = arith.constant 0 : i32
      %dma_start3A_103 = arith.constant 0 : i32
      %dma_start3A_104 = tpu.memref_slice %arg4[%dma_start3A_102, %dma_start3A_103] : memref<40000x128xf32, #tpu.memory_space<hbm>> -> memref<40000x128xf32, #tpu.memory_space<hbm>>
      tpu.enqueue_indirect_dma source(%dma_start3A_104 : memref<40000x128xf32, #tpu.memory_space<hbm>>) target(%arg8 : memref<128x128xf32, #tpu.memory_space<vmem>>) offsets(%dma_start3A_101 : memref<128xi32, #tpu.memory_space<vmem>>) semaphore(%arg11 : memref<!tpu.dma_semaphore, #tpu.memory_space<semaphore_mem>>)
      %dma_wait3A = arith.constant 0 : i32
      %dma_wait3A_105 = tpu.memref_slice %arg6[%dma_wait3A] : memref<2048xi32, #tpu.memory_space<vmem>> -> memref<128xi32, #tpu.memory_space<vmem>>
      %dma_wait3A_106 = arith.constant 0 : i32
      %dma_wait3A_107 = arith.constant 0 : i32
      %dma_wait3A_108 = tpu.memref_slice %arg4[%dma_wait3A_106, %dma_wait3A_107] : memref<40000x128xf32, #tpu.memory_space<hbm>> -> memref<40000x128xf32, #tpu.memory_space<hbm>>
      tpu.wait_indirect_dma semaphore(%arg11 : memref<!tpu.dma_semaphore, #tpu.memory_space<semaphore_mem>>) src(%dma_wait3A_108 : memref<40000x128xf32, #tpu.memory_space<hbm>>) dst(%arg8 : memref<128x128xf32, #tpu.memory_space<vmem>>)
      %dma_start3A_109 = arith.constant 0 : i32
      %dma_start3A_110 = tpu.memref_slice %arg7[%dma_start3A_109] : memref<2048xi32, #tpu.memory_space<vmem>> -> memref<128xi32, #tpu.memory_space<vmem>>
      %dma_start3A_111 = arith.constant 0 : i32
      %dma_start3A_112 = arith.constant 0 : i32
      %dma_start3A_113 = tpu.memref_slice %arg10[%dma_start3A_111, %dma_start3A_112] : memref<10008x128xf32, #tpu.memory_space<vmem_shared>> -> memref<10008x128xf32, #tpu.memory_space<vmem_shared>>
      tpu.enqueue_indirect_dma source(%arg8 : memref<128x128xf32, #tpu.memory_space<vmem>>) target(%dma_start3A_113 : memref<10008x128xf32, #tpu.memory_space<vmem_shared>>) offsets(%dma_start3A_110 : memref<128xi32, #tpu.memory_space<vmem>>) semaphore(%arg13 : memref<!tpu.dma_semaphore, #tpu.memory_space<semaphore_mem>>) {add = true}
      %dma_start3A_114 = arith.constant 128 : i32
      %dma_start3A_115 = tpu.memref_slice %arg6[%dma_start3A_114] : memref<2048xi32, #tpu.memory_space<vmem>> -> memref<128xi32, #tpu.memory_space<vmem>>
      %dma_start3A_116 = arith.constant 0 : i32
      %dma_start3A_117 = arith.constant 0 : i32
      %dma_start3A_118 = tpu.memref_slice %arg4[%dma_start3A_116, %dma_start3A_117] : memref<40000x128xf32, #tpu.memory_space<hbm>> -> memref<40000x128xf32, #tpu.memory_space<hbm>>
      tpu.enqueue_indirect_dma source(%dma_start3A_118 : memref<40000x128xf32, #tpu.memory_space<hbm>>) target(%arg9 : memref<128x128xf32, #tpu.memory_space<vmem>>) offsets(%dma_start3A_115 : memref<128xi32, #tpu.memory_space<vmem>>) semaphore(%arg12 : memref<!tpu.dma_semaphore, #tpu.memory_space<semaphore_mem>>)
      %dma_wait3A_119 = arith.constant 128 : i32
      %dma_wait3A_120 = tpu.memref_slice %arg6[%dma_wait3A_119] : memref<2048xi32, #tpu.memory_space<vmem>> -> memref<128xi32, #tpu.memory_space<vmem>>
      %dma_wait3A_121 = arith.constant 0 : i32
      %dma_wait3A_122 = arith.constant 0 : i32
      %dma_wait3A_123 = tpu.memref_slice %arg4[%dma_wait3A_121, %dma_wait3A_122] : memref<40000x128xf32, #tpu.memory_space<hbm>> -> memref<40000x128xf32, #tpu.memory_space<hbm>>
      tpu.wait_indirect_dma semaphore(%arg12 : memref<!tpu.dma_semaphore, #tpu.memory_space<semaphore_mem>>) src(%dma_wait3A_123 : memref<40000x128xf32, #tpu.memory_space<hbm>>) dst(%arg9 : memref<128x128xf32, #tpu.memory_space<vmem>>)
      %dma_start3A_124 = arith.constant 128 : i32
      %dma_start3A_125 = tpu.memref_slice %arg7[%dma_start3A_124] : memref<2048xi32, #tpu.memory_space<vmem>> -> memref<128xi32, #tpu.memory_space<vmem>>
      %dma_start3A_126 = arith.constant 0 : i32
      %dma_start3A_127 = arith.constant 0 : i32
      %dma_start3A_128 = tpu.memref_slice %arg10[%dma_start3A_126, %dma_start3A_127] : memref<10008x128xf32, #tpu.memory_space<vmem_shared>> -> memref<10008x128xf32, #tpu.memory_space<vmem_shared>>
      tpu.enqueue_indirect_dma source(%arg9 : memref<128x128xf32, #tpu.memory_space<vmem>>) target(%dma_start3A_128 : memref<10008x128xf32, #tpu.memory_space<vmem_shared>>) offsets(%dma_start3A_125 : memref<128xi32, #tpu.memory_space<vmem>>) semaphore(%arg14 : memref<!tpu.dma_semaphore, #tpu.memory_space<semaphore_mem>>) {add = true}
      %dma_wait3A_129 = arith.constant 0 : i32
      %dma_wait3A_130 = tpu.memref_slice %arg7[%dma_wait3A_129] : memref<2048xi32, #tpu.memory_space<vmem>> -> memref<128xi32, #tpu.memory_space<vmem>>
      %dma_wait3A_131 = arith.constant 0 : i32
      %dma_wait3A_132 = arith.constant 0 : i32
      %dma_wait3A_133 = tpu.memref_slice %arg10[%dma_wait3A_131, %dma_wait3A_132] : memref<10008x128xf32, #tpu.memory_space<vmem_shared>> -> memref<10008x128xf32, #tpu.memory_space<vmem_shared>>
      tpu.wait_indirect_dma semaphore(%arg13 : memref<!tpu.dma_semaphore, #tpu.memory_space<semaphore_mem>>) src(%arg8 : memref<128x128xf32, #tpu.memory_space<vmem>>) dst(%dma_wait3A_133 : memref<10008x128xf32, #tpu.memory_space<vmem_shared>>)
      %dma_start3A_134 = arith.constant 256 : i32
      %dma_start3A_135 = tpu.memref_slice %arg6[%dma_start3A_134] : memref<2048xi32, #tpu.memory_space<vmem>> -> memref<128xi32, #tpu.memory_space<vmem>>
      %dma_start3A_136 = arith.constant 0 : i32
      %dma_start3A_137 = arith.constant 0 : i32
      %dma_start3A_138 = tpu.memref_slice %arg4[%dma_start3A_136, %dma_start3A_137] : memref<40000x128xf32, #tpu.memory_space<hbm>> -> memref<40000x128xf32, #tpu.memory_space<hbm>>
      tpu.enqueue_indirect_dma source(%dma_start3A_138 : memref<40000x128xf32, #tpu.memory_space<hbm>>) target(%arg8 : memref<128x128xf32, #tpu.memory_space<vmem>>) offsets(%dma_start3A_135 : memref<128xi32, #tpu.memory_space<vmem>>) semaphore(%arg11 : memref<!tpu.dma_semaphore, #tpu.memory_space<semaphore_mem>>)
      %dma_wait3A_139 = arith.constant 256 : i32
      %dma_wait3A_140 = tpu.memref_slice %arg6[%dma_wait3A_139] : memref<2048xi32, #tpu.memory_space<vmem>> -> memref<128xi32, #tpu.memory_space<vmem>>
      %dma_wait3A_141 = arith.constant 0 : i32
      %dma_wait3A_142 = arith.constant 0 : i32
      %dma_wait3A_143 = tpu.memref_slice %arg4[%dma_wait3A_141, %dma_wait3A_142] : memref<40000x128xf32, #tpu.memory_space<hbm>> -> memref<40000x128xf32, #tpu.memory_space<hbm>>
      tpu.wait_indirect_dma semaphore(%arg11 : memref<!tpu.dma_semaphore, #tpu.memory_space<semaphore_mem>>) src(%dma_wait3A_143 : memref<40000x128xf32, #tpu.memory_space<hbm>>) dst(%arg8 : memref<128x128xf32, #tpu.memory_space<vmem>>)
      %dma_start3A_144 = arith.constant 256 : i32
      %dma_start3A_145 = tpu.memref_slice %arg7[%dma_start3A_144] : memref<2048xi32, #tpu.memory_space<vmem>> -> memref<128xi32, #tpu.memory_space<vmem>>
      %dma_start3A_146 = arith.constant 0 : i32
      %dma_start3A_147 = arith.constant 0 : i32
      %dma_start3A_148 = tpu.memref_slice %arg10[%dma_start3A_146, %dma_start3A_147] : memref<10008x128xf32, #tpu.memory_space<vmem_shared>> -> memref<10008x128xf32, #tpu.memory_space<vmem_shared>>
      tpu.enqueue_indirect_dma source(%arg8 : memref<128x128xf32, #tpu.memory_space<vmem>>) target(%dma_start3A_148 : memref<10008x128xf32, #tpu.memory_space<vmem_shared>>) offsets(%dma_start3A_145 : memref<128xi32, #tpu.memory_space<vmem>>) semaphore(%arg13 : memref<!tpu.dma_semaphore, #tpu.memory_space<semaphore_mem>>) {add = true}
      %dma_wait3A_149 = arith.constant 128 : i32
      %dma_wait3A_150 = tpu.memref_slice %arg7[%dma_wait3A_149] : memref<2048xi32, #tpu.memory_space<vmem>> -> memref<128xi32, #tpu.memory_space<vmem>>
      %dma_wait3A_151 = arith.constant 0 : i32
      %dma_wait3A_152 = arith.constant 0 : i32
      %dma_wait3A_153 = tpu.memref_slice %arg10[%dma_wait3A_151, %dma_wait3A_152] : memref<10008x128xf32, #tpu.memory_space<vmem_shared>> -> memref<10008x128xf32, #tpu.memory_space<vmem_shared>>
      tpu.wait_indirect_dma semaphore(%arg14 : memref<!tpu.dma_semaphore, #tpu.memory_space<semaphore_mem>>) src(%arg9 : memref<128x128xf32, #tpu.memory_space<vmem>>) dst(%dma_wait3A_153 : memref<10008x128xf32, #tpu.memory_space<vmem_shared>>)
      %dma_start3A_154 = arith.constant 384 : i32
      %dma_start3A_155 = tpu.memref_slice %arg6[%dma_start3A_154] : memref<2048xi32, #tpu.memory_space<vmem>> -> memref<128xi32, #tpu.memory_space<vmem>>
      %dma_start3A_156 = arith.constant 0 : i32
      %dma_start3A_157 = arith.constant 0 : i32
      %dma_start3A_158 = tpu.memref_slice %arg4[%dma_start3A_156, %dma_start3A_157] : memref<40000x128xf32, #tpu.memory_space<hbm>> -> memref<40000x128xf32, #tpu.memory_space<hbm>>
      tpu.enqueue_indirect_dma source(%dma_start3A_158 : memref<40000x128xf32, #tpu.memory_space<hbm>>) target(%arg9 : memref<128x128xf32, #tpu.memory_space<vmem>>) offsets(%dma_start3A_155 : memref<128xi32, #tpu.memory_space<vmem>>) semaphore(%arg12 : memref<!tpu.dma_semaphore, #tpu.memory_space<semaphore_mem>>)
      %dma_wait3A_159 = arith.constant 384 : i32
      %dma_wait3A_160 = tpu.memref_slice %arg6[%dma_wait3A_159] : memref<2048xi32, #tpu.memory_space<vmem>> -> memref<128xi32, #tpu.memory_space<vmem>>
      %dma_wait3A_161 = arith.constant 0 : i32
      %dma_wait3A_162 = arith.constant 0 : i32
      %dma_wait3A_163 = tpu.memref_slice %arg4[%dma_wait3A_161, %dma_wait3A_162] : memref<40000x128xf32, #tpu.memory_space<hbm>> -> memref<40000x128xf32, #tpu.memory_space<hbm>>
      tpu.wait_indirect_dma semaphore(%arg12 : memref<!tpu.dma_semaphore, #tpu.memory_space<semaphore_mem>>) src(%dma_wait3A_163 : memref<40000x128xf32, #tpu.memory_space<hbm>>) dst(%arg9 : memref<128x128xf32, #tpu.memory_space<vmem>>)
      %dma_start3A_164 = arith.constant 384 : i32
      %dma_start3A_165 = tpu.memref_slice %arg7[%dma_start3A_164] : memref<2048xi32, #tpu.memory_space<vmem>> -> memref<128xi32, #tpu.memory_space<vmem>>
      %dma_start3A_166 = arith.constant 0 : i32
      %dma_start3A_167 = arith.constant 0 : i32
      %dma_start3A_168 = tpu.memref_slice %arg10[%dma_start3A_166, %dma_start3A_167] : memref<10008x128xf32, #tpu.memory_space<vmem_shared>> -> memref<10008x128xf32, #tpu.memory_space<vmem_shared>>
      tpu.enqueue_indirect_dma source(%arg9 : memref<128x128xf32, #tpu.memory_space<vmem>>) target(%dma_start3A_168 : memref<10008x128xf32, #tpu.memory_space<vmem_shared>>) offsets(%dma_start3A_165 : memref<128xi32, #tpu.memory_space<vmem>>) semaphore(%arg14 : memref<!tpu.dma_semaphore, #tpu.memory_space<semaphore_mem>>) {add = true}
      %dma_wait3A_169 = arith.constant 256 : i32
      %dma_wait3A_170 = tpu.memref_slice %arg7[%dma_wait3A_169] : memref<2048xi32, #tpu.memory_space<vmem>> -> memref<128xi32, #tpu.memory_space<vmem>>
      %dma_wait3A_171 = arith.constant 0 : i32
      %dma_wait3A_172 = arith.constant 0 : i32
      %dma_wait3A_173 = tpu.memref_slice %arg10[%dma_wait3A_171, %dma_wait3A_172] : memref<10008x128xf32, #tpu.memory_space<vmem_shared>> -> memref<10008x128xf32, #tpu.memory_space<vmem_shared>>
      tpu.wait_indirect_dma semaphore(%arg13 : memref<!tpu.dma_semaphore, #tpu.memory_space<semaphore_mem>>) src(%arg8 : memref<128x128xf32, #tpu.memory_space<vmem>>) dst(%dma_wait3A_173 : memref<10008x128xf32, #tpu.memory_space<vmem_shared>>)
      %dma_start3A_174 = arith.constant 512 : i32
      %dma_start3A_175 = tpu.memref_slice %arg6[%dma_start3A_174] : memref<2048xi32, #tpu.memory_space<vmem>> -> memref<128xi32, #tpu.memory_space<vmem>>
      %dma_start3A_176 = arith.constant 0 : i32
      %dma_start3A_177 = arith.constant 0 : i32
      %dma_start3A_178 = tpu.memref_slice %arg4[%dma_start3A_176, %dma_start3A_177] : memref<40000x128xf32, #tpu.memory_space<hbm>> -> memref<40000x128xf32, #tpu.memory_space<hbm>>
      tpu.enqueue_indirect_dma source(%dma_start3A_178 : memref<40000x128xf32, #tpu.memory_space<hbm>>) target(%arg8 : memref<128x128xf32, #tpu.memory_space<vmem>>) offsets(%dma_start3A_175 : memref<128xi32, #tpu.memory_space<vmem>>) semaphore(%arg11 : memref<!tpu.dma_semaphore, #tpu.memory_space<semaphore_mem>>)
      %dma_wait3A_179 = arith.constant 512 : i32
      %dma_wait3A_180 = tpu.memref_slice %arg6[%dma_wait3A_179] : memref<2048xi32, #tpu.memory_space<vmem>> -> memref<128xi32, #tpu.memory_space<vmem>>
      %dma_wait3A_181 = arith.constant 0 : i32
      %dma_wait3A_182 = arith.constant 0 : i32
      %dma_wait3A_183 = tpu.memref_slice %arg4[%dma_wait3A_181, %dma_wait3A_182] : memref<40000x128xf32, #tpu.memory_space<hbm>> -> memref<40000x128xf32, #tpu.memory_space<hbm>>
      tpu.wait_indirect_dma semaphore(%arg11 : memref<!tpu.dma_semaphore, #tpu.memory_space<semaphore_mem>>) src(%dma_wait3A_183 : memref<40000x128xf32, #tpu.memory_space<hbm>>) dst(%arg8 : memref<128x128xf32, #tpu.memory_space<vmem>>)
      %dma_start3A_184 = arith.constant 512 : i32
      %dma_start3A_185 = tpu.memref_slice %arg7[%dma_start3A_184] : memref<2048xi32, #tpu.memory_space<vmem>> -> memref<128xi32, #tpu.memory_space<vmem>>
      %dma_start3A_186 = arith.constant 0 : i32
      %dma_start3A_187 = arith.constant 0 : i32
      %dma_start3A_188 = tpu.memref_slice %arg10[%dma_start3A_186, %dma_start3A_187] : memref<10008x128xf32, #tpu.memory_space<vmem_shared>> -> memref<10008x128xf32, #tpu.memory_space<vmem_shared>>
      tpu.enqueue_indirect_dma source(%arg8 : memref<128x128xf32, #tpu.memory_space<vmem>>) target(%dma_start3A_188 : memref<10008x128xf32, #tpu.memory_space<vmem_shared>>) offsets(%dma_start3A_185 : memref<128xi32, #tpu.memory_space<vmem>>) semaphore(%arg13 : memref<!tpu.dma_semaphore, #tpu.memory_space<semaphore_mem>>) {add = true}
      %dma_wait3A_189 = arith.constant 384 : i32
      %dma_wait3A_190 = tpu.memref_slice %arg7[%dma_wait3A_189] : memref<2048xi32, #tpu.memory_space<vmem>> -> memref<128xi32, #tpu.memory_space<vmem>>
      %dma_wait3A_191 = arith.constant 0 : i32
      %dma_wait3A_192 = arith.constant 0 : i32
      %dma_wait3A_193 = tpu.memref_slice %arg10[%dma_wait3A_191, %dma_wait3A_192] : memref<10008x128xf32, #tpu.memory_space<vmem_shared>> -> memref<10008x128xf32, #tpu.memory_space<vmem_shared>>
      tpu.wait_indirect_dma semaphore(%arg14 : memref<!tpu.dma_semaphore, #tpu.memory_space<semaphore_mem>>) src(%arg9 : memref<128x128xf32, #tpu.memory_space<vmem>>) dst(%dma_wait3A_193 : memref<10008x128xf32, #tpu.memory_space<vmem_shared>>)
      %dma_start3A_194 = arith.constant 640 : i32
      %dma_start3A_195 = tpu.memref_slice %arg6[%dma_start3A_194] : memref<2048xi32, #tpu.memory_space<vmem>> -> memref<128xi32, #tpu.memory_space<vmem>>
      %dma_start3A_196 = arith.constant 0 : i32
      %dma_start3A_197 = arith.constant 0 : i32
      %dma_start3A_198 = tpu.memref_slice %arg4[%dma_start3A_196, %dma_start3A_197] : memref<40000x128xf32, #tpu.memory_space<hbm>> -> memref<40000x128xf32, #tpu.memory_space<hbm>>
      tpu.enqueue_indirect_dma source(%dma_start3A_198 : memref<40000x128xf32, #tpu.memory_space<hbm>>) target(%arg9 : memref<128x128xf32, #tpu.memory_space<vmem>>) offsets(%dma_start3A_195 : memref<128xi32, #tpu.memory_space<vmem>>) semaphore(%arg12 : memref<!tpu.dma_semaphore, #tpu.memory_space<semaphore_mem>>)
      %dma_wait3A_199 = arith.constant 640 : i32
      %dma_wait3A_200 = tpu.memref_slice %arg6[%dma_wait3A_199] : memref<2048xi32, #tpu.memory_space<vmem>> -> memref<128xi32, #tpu.memory_space<vmem>>
      %dma_wait3A_201 = arith.constant 0 : i32
      %dma_wait3A_202 = arith.constant 0 : i32
      %dma_wait3A_203 = tpu.memref_slice %arg4[%dma_wait3A_201, %dma_wait3A_202] : memref<40000x128xf32, #tpu.memory_space<hbm>> -> memref<40000x128xf32, #tpu.memory_space<hbm>>
      tpu.wait_indirect_dma semaphore(%arg12 : memref<!tpu.dma_semaphore, #tpu.memory_space<semaphore_mem>>) src(%dma_wait3A_203 : memref<40000x128xf32, #tpu.memory_space<hbm>>) dst(%arg9 : memref<128x128xf32, #tpu.memory_space<vmem>>)
      %dma_start3A_204 = arith.constant 640 : i32
      %dma_start3A_205 = tpu.memref_slice %arg7[%dma_start3A_204] : memref<2048xi32, #tpu.memory_space<vmem>> -> memref<128xi32, #tpu.memory_space<vmem>>
      %dma_start3A_206 = arith.constant 0 : i32
      %dma_start3A_207 = arith.constant 0 : i32
      %dma_start3A_208 = tpu.memref_slice %arg10[%dma_start3A_206, %dma_start3A_207] : memref<10008x128xf32, #tpu.memory_space<vmem_shared>> -> memref<10008x128xf32, #tpu.memory_space<vmem_shared>>
      tpu.enqueue_indirect_dma source(%arg9 : memref<128x128xf32, #tpu.memory_space<vmem>>) target(%dma_start3A_208 : memref<10008x128xf32, #tpu.memory_space<vmem_shared>>) offsets(%dma_start3A_205 : memref<128xi32, #tpu.memory_space<vmem>>) semaphore(%arg14 : memref<!tpu.dma_semaphore, #tpu.memory_space<semaphore_mem>>) {add = true}
      %dma_wait3A_209 = arith.constant 512 : i32
      %dma_wait3A_210 = tpu.memref_slice %arg7[%dma_wait3A_209] : memref<2048xi32, #tpu.memory_space<vmem>> -> memref<128xi32, #tpu.memory_space<vmem>>
      %dma_wait3A_211 = arith.constant 0 : i32
      %dma_wait3A_212 = arith.constant 0 : i32
      %dma_wait3A_213 = tpu.memref_slice %arg10[%dma_wait3A_211, %dma_wait3A_212] : memref<10008x128xf32, #tpu.memory_space<vmem_shared>> -> memref<10008x128xf32, #tpu.memory_space<vmem_shared>>
      tpu.wait_indirect_dma semaphore(%arg13 : memref<!tpu.dma_semaphore, #tpu.memory_space<semaphore_mem>>) src(%arg8 : memref<128x128xf32, #tpu.memory_space<vmem>>) dst(%dma_wait3A_213 : memref<10008x128xf32, #tpu.memory_space<vmem_shared>>)
      %dma_start3A_214 = arith.constant 768 : i32
      %dma_start3A_215 = tpu.memref_slice %arg6[%dma_start3A_214] : memref<2048xi32, #tpu.memory_space<vmem>> -> memref<128xi32, #tpu.memory_space<vmem>>
      %dma_start3A_216 = arith.constant 0 : i32
      %dma_start3A_217 = arith.constant 0 : i32
      %dma_start3A_218 = tpu.memref_slice %arg4[%dma_start3A_216, %dma_start3A_217] : memref<40000x128xf32, #tpu.memory_space<hbm>> -> memref<40000x128xf32, #tpu.memory_space<hbm>>
      tpu.enqueue_indirect_dma source(%dma_start3A_218 : memref<40000x128xf32, #tpu.memory_space<hbm>>) target(%arg8 : memref<128x128xf32, #tpu.memory_space<vmem>>) offsets(%dma_start3A_215 : memref<128xi32, #tpu.memory_space<vmem>>) semaphore(%arg11 : memref<!tpu.dma_semaphore, #tpu.memory_space<semaphore_mem>>)
      %dma_wait3A_219 = arith.constant 768 : i32
      %dma_wait3A_220 = tpu.memref_slice %arg6[%dma_wait3A_219] : memref<2048xi32, #tpu.memory_space<vmem>> -> memref<128xi32, #tpu.memory_space<vmem>>
      %dma_wait3A_221 = arith.constant 0 : i32
      %dma_wait3A_222 = arith.constant 0 : i32
      %dma_wait3A_223 = tpu.memref_slice %arg4[%dma_wait3A_221, %dma_wait3A_222] : memref<40000x128xf32, #tpu.memory_space<hbm>> -> memref<40000x128xf32, #tpu.memory_space<hbm>>
      tpu.wait_indirect_dma semaphore(%arg11 : memref<!tpu.dma_semaphore, #tpu.memory_space<semaphore_mem>>) src(%dma_wait3A_223 : memref<40000x128xf32, #tpu.memory_space<hbm>>) dst(%arg8 : memref<128x128xf32, #tpu.memory_space<vmem>>)
      %dma_start3A_224 = arith.constant 768 : i32
      %dma_start3A_225 = tpu.memref_slice %arg7[%dma_start3A_224] : memref<2048xi32, #tpu.memory_space<vmem>> -> memref<128xi32, #tpu.memory_space<vmem>>
      %dma_start3A_226 = arith.constant 0 : i32
      %dma_start3A_227 = arith.constant 0 : i32
      %dma_start3A_228 = tpu.memref_slice %arg10[%dma_start3A_226, %dma_start3A_227] : memref<10008x128xf32, #tpu.memory_space<vmem_shared>> -> memref<10008x128xf32, #tpu.memory_space<vmem_shared>>
      tpu.enqueue_indirect_dma source(%arg8 : memref<128x128xf32, #tpu.memory_space<vmem>>) target(%dma_start3A_228 : memref<10008x128xf32, #tpu.memory_space<vmem_shared>>) offsets(%dma_start3A_225 : memref<128xi32, #tpu.memory_space<vmem>>) semaphore(%arg13 : memref<!tpu.dma_semaphore, #tpu.memory_space<semaphore_mem>>) {add = true}
      %dma_wait3A_229 = arith.constant 640 : i32
      %dma_wait3A_230 = tpu.memref_slice %arg7[%dma_wait3A_229] : memref<2048xi32, #tpu.memory_space<vmem>> -> memref<128xi32, #tpu.memory_space<vmem>>
      %dma_wait3A_231 = arith.constant 0 : i32
      %dma_wait3A_232 = arith.constant 0 : i32
      %dma_wait3A_233 = tpu.memref_slice %arg10[%dma_wait3A_231, %dma_wait3A_232] : memref<10008x128xf32, #tpu.memory_space<vmem_shared>> -> memref<10008x128xf32, #tpu.memory_space<vmem_shared>>
      tpu.wait_indirect_dma semaphore(%arg14 : memref<!tpu.dma_semaphore, #tpu.memory_space<semaphore_mem>>) src(%arg9 : memref<128x128xf32, #tpu.memory_space<vmem>>) dst(%dma_wait3A_233 : memref<10008x128xf32, #tpu.memory_space<vmem_shared>>)
      %dma_start3A_234 = arith.constant 896 : i32
      %dma_start3A_235 = tpu.memref_slice %arg6[%dma_start3A_234] : memref<2048xi32, #tpu.memory_space<vmem>> -> memref<128xi32, #tpu.memory_space<vmem>>
      %dma_start3A_236 = arith.constant 0 : i32
      %dma_start3A_237 = arith.constant 0 : i32
      %dma_start3A_238 = tpu.memref_slice %arg4[%dma_start3A_236, %dma_start3A_237] : memref<40000x128xf32, #tpu.memory_space<hbm>> -> memref<40000x128xf32, #tpu.memory_space<hbm>>
      tpu.enqueue_indirect_dma source(%dma_start3A_238 : memref<40000x128xf32, #tpu.memory_space<hbm>>) target(%arg9 : memref<128x128xf32, #tpu.memory_space<vmem>>) offsets(%dma_start3A_235 : memref<128xi32, #tpu.memory_space<vmem>>) semaphore(%arg12 : memref<!tpu.dma_semaphore, #tpu.memory_space<semaphore_mem>>)
      %dma_wait3A_239 = arith.constant 896 : i32
      %dma_wait3A_240 = tpu.memref_slice %arg6[%dma_wait3A_239] : memref<2048xi32, #tpu.memory_space<vmem>> -> memref<128xi32, #tpu.memory_space<vmem>>
      %dma_wait3A_241 = arith.constant 0 : i32
      %dma_wait3A_242 = arith.constant 0 : i32
      %dma_wait3A_243 = tpu.memref_slice %arg4[%dma_wait3A_241, %dma_wait3A_242] : memref<40000x128xf32, #tpu.memory_space<hbm>> -> memref<40000x128xf32, #tpu.memory_space<hbm>>
      tpu.wait_indirect_dma semaphore(%arg12 : memref<!tpu.dma_semaphore, #tpu.memory_space<semaphore_mem>>) src(%dma_wait3A_243 : memref<40000x128xf32, #tpu.memory_space<hbm>>) dst(%arg9 : memref<128x128xf32, #tpu.memory_space<vmem>>)
      %dma_start3A_244 = arith.constant 896 : i32
      %dma_start3A_245 = tpu.memref_slice %arg7[%dma_start3A_244] : memref<2048xi32, #tpu.memory_space<vmem>> -> memref<128xi32, #tpu.memory_space<vmem>>
      %dma_start3A_246 = arith.constant 0 : i32
      %dma_start3A_247 = arith.constant 0 : i32
      %dma_start3A_248 = tpu.memref_slice %arg10[%dma_start3A_246, %dma_start3A_247] : memref<10008x128xf32, #tpu.memory_space<vmem_shared>> -> memref<10008x128xf32, #tpu.memory_space<vmem_shared>>
      tpu.enqueue_indirect_dma source(%arg9 : memref<128x128xf32, #tpu.memory_space<vmem>>) target(%dma_start3A_248 : memref<10008x128xf32, #tpu.memory_space<vmem_shared>>) offsets(%dma_start3A_245 : memref<128xi32, #tpu.memory_space<vmem>>) semaphore(%arg14 : memref<!tpu.dma_semaphore, #tpu.memory_space<semaphore_mem>>) {add = true}
      %dma_wait3A_249 = arith.constant 768 : i32
      %dma_wait3A_250 = tpu.memref_slice %arg7[%dma_wait3A_249] : memref<2048xi32, #tpu.memory_space<vmem>> -> memref<128xi32, #tpu.memory_space<vmem>>
      %dma_wait3A_251 = arith.constant 0 : i32
      %dma_wait3A_252 = arith.constant 0 : i32
      %dma_wait3A_253 = tpu.memref_slice %arg10[%dma_wait3A_251, %dma_wait3A_252] : memref<10008x128xf32, #tpu.memory_space<vmem_shared>> -> memref<10008x128xf32, #tpu.memory_space<vmem_shared>>
      tpu.wait_indirect_dma semaphore(%arg13 : memref<!tpu.dma_semaphore, #tpu.memory_space<semaphore_mem>>) src(%arg8 : memref<128x128xf32, #tpu.memory_space<vmem>>) dst(%dma_wait3A_253 : memref<10008x128xf32, #tpu.memory_space<vmem_shared>>)
      %dma_start3A_254 = arith.constant 1024 : i32
      %dma_start3A_255 = tpu.memref_slice %arg6[%dma_start3A_254] : memref<2048xi32, #tpu.memory_space<vmem>> -> memref<128xi32, #tpu.memory_space<vmem>>
      %dma_start3A_256 = arith.constant 0 : i32
      %dma_start3A_257 = arith.constant 0 : i32
      %dma_start3A_258 = tpu.memref_slice %arg4[%dma_start3A_256, %dma_start3A_257] : memref<40000x128xf32, #tpu.memory_space<hbm>> -> memref<40000x128xf32, #tpu.memory_space<hbm>>
      tpu.enqueue_indirect_dma source(%dma_start3A_258 : memref<40000x128xf32, #tpu.memory_space<hbm>>) target(%arg8 : memref<128x128xf32, #tpu.memory_space<vmem>>) offsets(%dma_start3A_255 : memref<128xi32, #tpu.memory_space<vmem>>) semaphore(%arg11 : memref<!tpu.dma_semaphore, #tpu.memory_space<semaphore_mem>>)
      %dma_wait3A_259 = arith.constant 1024 : i32
      %dma_wait3A_260 = tpu.memref_slice %arg6[%dma_wait3A_259] : memref<2048xi32, #tpu.memory_space<vmem>> -> memref<128xi32, #tpu.memory_space<vmem>>
      %dma_wait3A_261 = arith.constant 0 : i32
      %dma_wait3A_262 = arith.constant 0 : i32
      %dma_wait3A_263 = tpu.memref_slice %arg4[%dma_wait3A_261, %dma_wait3A_262] : memref<40000x128xf32, #tpu.memory_space<hbm>> -> memref<40000x128xf32, #tpu.memory_space<hbm>>
      tpu.wait_indirect_dma semaphore(%arg11 : memref<!tpu.dma_semaphore, #tpu.memory_space<semaphore_mem>>) src(%dma_wait3A_263 : memref<40000x128xf32, #tpu.memory_space<hbm>>) dst(%arg8 : memref<128x128xf32, #tpu.memory_space<vmem>>)
      %dma_start3A_264 = arith.constant 1024 : i32
      %dma_start3A_265 = tpu.memref_slice %arg7[%dma_start3A_264] : memref<2048xi32, #tpu.memory_space<vmem>> -> memref<128xi32, #tpu.memory_space<vmem>>
      %dma_start3A_266 = arith.constant 0 : i32
      %dma_start3A_267 = arith.constant 0 : i32
      %dma_start3A_268 = tpu.memref_slice %arg10[%dma_start3A_266, %dma_start3A_267] : memref<10008x128xf32, #tpu.memory_space<vmem_shared>> -> memref<10008x128xf32, #tpu.memory_space<vmem_shared>>
      tpu.enqueue_indirect_dma source(%arg8 : memref<128x128xf32, #tpu.memory_space<vmem>>) target(%dma_start3A_268 : memref<10008x128xf32, #tpu.memory_space<vmem_shared>>) offsets(%dma_start3A_265 : memref<128xi32, #tpu.memory_space<vmem>>) semaphore(%arg13 : memref<!tpu.dma_semaphore, #tpu.memory_space<semaphore_mem>>) {add = true}
      %dma_wait3A_269 = arith.constant 896 : i32
      %dma_wait3A_270 = tpu.memref_slice %arg7[%dma_wait3A_269] : memref<2048xi32, #tpu.memory_space<vmem>> -> memref<128xi32, #tpu.memory_space<vmem>>
      %dma_wait3A_271 = arith.constant 0 : i32
      %dma_wait3A_272 = arith.constant 0 : i32
      %dma_wait3A_273 = tpu.memref_slice %arg10[%dma_wait3A_271, %dma_wait3A_272] : memref<10008x128xf32, #tpu.memory_space<vmem_shared>> -> memref<10008x128xf32, #tpu.memory_space<vmem_shared>>
      tpu.wait_indirect_dma semaphore(%arg14 : memref<!tpu.dma_semaphore, #tpu.memory_space<semaphore_mem>>) src(%arg9 : memref<128x128xf32, #tpu.memory_space<vmem>>) dst(%dma_wait3A_273 : memref<10008x128xf32, #tpu.memory_space<vmem_shared>>)
      %dma_start3A_274 = arith.constant 1152 : i32
      %dma_start3A_275 = tpu.memref_slice %arg6[%dma_start3A_274] : memref<2048xi32, #tpu.memory_space<vmem>> -> memref<128xi32, #tpu.memory_space<vmem>>
      %dma_start3A_276 = arith.constant 0 : i32
      %dma_start3A_277 = arith.constant 0 : i32
      %dma_start3A_278 = tpu.memref_slice %arg4[%dma_start3A_276, %dma_start3A_277] : memref<40000x128xf32, #tpu.memory_space<hbm>> -> memref<40000x128xf32, #tpu.memory_space<hbm>>
      tpu.enqueue_indirect_dma source(%dma_start3A_278 : memref<40000x128xf32, #tpu.memory_space<hbm>>) target(%arg9 : memref<128x128xf32, #tpu.memory_space<vmem>>) offsets(%dma_start3A_275 : memref<128xi32, #tpu.memory_space<vmem>>) semaphore(%arg12 : memref<!tpu.dma_semaphore, #tpu.memory_space<semaphore_mem>>)
      %dma_wait3A_279 = arith.constant 1152 : i32
      %dma_wait3A_280 = tpu.memref_slice %arg6[%dma_wait3A_279] : memref<2048xi32, #tpu.memory_space<vmem>> -> memref<128xi32, #tpu.memory_space<vmem>>
      %dma_wait3A_281 = arith.constant 0 : i32
      %dma_wait3A_282 = arith.constant 0 : i32
      %dma_wait3A_283 = tpu.memref_slice %arg4[%dma_wait3A_281, %dma_wait3A_282] : memref<40000x128xf32, #tpu.memory_space<hbm>> -> memref<40000x128xf32, #tpu.memory_space<hbm>>
      tpu.wait_indirect_dma semaphore(%arg12 : memref<!tpu.dma_semaphore, #tpu.memory_space<semaphore_mem>>) src(%dma_wait3A_283 : memref<40000x128xf32, #tpu.memory_space<hbm>>) dst(%arg9 : memref<128x128xf32, #tpu.memory_space<vmem>>)
      %dma_start3A_284 = arith.constant 1152 : i32
      %dma_start3A_285 = tpu.memref_slice %arg7[%dma_start3A_284] : memref<2048xi32, #tpu.memory_space<vmem>> -> memref<128xi32, #tpu.memory_space<vmem>>
      %dma_start3A_286 = arith.constant 0 : i32
      %dma_start3A_287 = arith.constant 0 : i32
      %dma_start3A_288 = tpu.memref_slice %arg10[%dma_start3A_286, %dma_start3A_287] : memref<10008x128xf32, #tpu.memory_space<vmem_shared>> -> memref<10008x128xf32, #tpu.memory_space<vmem_shared>>
      tpu.enqueue_indirect_dma source(%arg9 : memref<128x128xf32, #tpu.memory_space<vmem>>) target(%dma_start3A_288 : memref<10008x128xf32, #tpu.memory_space<vmem_shared>>) offsets(%dma_start3A_285 : memref<128xi32, #tpu.memory_space<vmem>>) semaphore(%arg14 : memref<!tpu.dma_semaphore, #tpu.memory_space<semaphore_mem>>) {add = true}
      %dma_wait3A_289 = arith.constant 1024 : i32
      %dma_wait3A_290 = tpu.memref_slice %arg7[%dma_wait3A_289] : memref<2048xi32, #tpu.memory_space<vmem>> -> memref<128xi32, #tpu.memory_space<vmem>>
      %dma_wait3A_291 = arith.constant 0 : i32
      %dma_wait3A_292 = arith.constant 0 : i32
      %dma_wait3A_293 = tpu.memref_slice %arg10[%dma_wait3A_291, %dma_wait3A_292] : memref<10008x128xf32, #tpu.memory_space<vmem_shared>> -> memref<10008x128xf32, #tpu.memory_space<vmem_shared>>
      tpu.wait_indirect_dma semaphore(%arg13 : memref<!tpu.dma_semaphore, #tpu.memory_space<semaphore_mem>>) src(%arg8 : memref<128x128xf32, #tpu.memory_space<vmem>>) dst(%dma_wait3A_293 : memref<10008x128xf32, #tpu.memory_space<vmem_shared>>)
      %dma_start3A_294 = arith.constant 1280 : i32
      %dma_start3A_295 = tpu.memref_slice %arg6[%dma_start3A_294] : memref<2048xi32, #tpu.memory_space<vmem>> -> memref<128xi32, #tpu.memory_space<vmem>>
      %dma_start3A_296 = arith.constant 0 : i32
      %dma_start3A_297 = arith.constant 0 : i32
      %dma_start3A_298 = tpu.memref_slice %arg4[%dma_start3A_296, %dma_start3A_297] : memref<40000x128xf32, #tpu.memory_space<hbm>> -> memref<40000x128xf32, #tpu.memory_space<hbm>>
      tpu.enqueue_indirect_dma source(%dma_start3A_298 : memref<40000x128xf32, #tpu.memory_space<hbm>>) target(%arg8 : memref<128x128xf32, #tpu.memory_space<vmem>>) offsets(%dma_start3A_295 : memref<128xi32, #tpu.memory_space<vmem>>) semaphore(%arg11 : memref<!tpu.dma_semaphore, #tpu.memory_space<semaphore_mem>>)
      %dma_wait3A_299 = arith.constant 1280 : i32
      %dma_wait3A_300 = tpu.memref_slice %arg6[%dma_wait3A_299] : memref<2048xi32, #tpu.memory_space<vmem>> -> memref<128xi32, #tpu.memory_space<vmem>>
      %dma_wait3A_301 = arith.constant 0 : i32
      %dma_wait3A_302 = arith.constant 0 : i32
      %dma_wait3A_303 = tpu.memref_slice %arg4[%dma_wait3A_301, %dma_wait3A_302] : memref<40000x128xf32, #tpu.memory_space<hbm>> -> memref<40000x128xf32, #tpu.memory_space<hbm>>
      tpu.wait_indirect_dma semaphore(%arg11 : memref<!tpu.dma_semaphore, #tpu.memory_space<semaphore_mem>>) src(%dma_wait3A_303 : memref<40000x128xf32, #tpu.memory_space<hbm>>) dst(%arg8 : memref<128x128xf32, #tpu.memory_space<vmem>>)
      %dma_start3A_304 = arith.constant 1280 : i32
      %dma_start3A_305 = tpu.memref_slice %arg7[%dma_start3A_304] : memref<2048xi32, #tpu.memory_space<vmem>> -> memref<128xi32, #tpu.memory_space<vmem>>
      %dma_start3A_306 = arith.constant 0 : i32
      %dma_start3A_307 = arith.constant 0 : i32
      %dma_start3A_308 = tpu.memref_slice %arg10[%dma_start3A_306, %dma_start3A_307] : memref<10008x128xf32, #tpu.memory_space<vmem_shared>> -> memref<10008x128xf32, #tpu.memory_space<vmem_shared>>
      tpu.enqueue_indirect_dma source(%arg8 : memref<128x128xf32, #tpu.memory_space<vmem>>) target(%dma_start3A_308 : memref<10008x128xf32, #tpu.memory_space<vmem_shared>>) offsets(%dma_start3A_305 : memref<128xi32, #tpu.memory_space<vmem>>) semaphore(%arg13 : memref<!tpu.dma_semaphore, #tpu.memory_space<semaphore_mem>>) {add = true}
      %dma_wait3A_309 = arith.constant 1152 : i32
      %dma_wait3A_310 = tpu.memref_slice %arg7[%dma_wait3A_309] : memref<2048xi32, #tpu.memory_space<vmem>> -> memref<128xi32, #tpu.memory_space<vmem>>
      %dma_wait3A_311 = arith.constant 0 : i32
      %dma_wait3A_312 = arith.constant 0 : i32
      %dma_wait3A_313 = tpu.memref_slice %arg10[%dma_wait3A_311, %dma_wait3A_312] : memref<10008x128xf32, #tpu.memory_space<vmem_shared>> -> memref<10008x128xf32, #tpu.memory_space<vmem_shared>>
      tpu.wait_indirect_dma semaphore(%arg14 : memref<!tpu.dma_semaphore, #tpu.memory_space<semaphore_mem>>) src(%arg9 : memref<128x128xf32, #tpu.memory_space<vmem>>) dst(%dma_wait3A_313 : memref<10008x128xf32, #tpu.memory_space<vmem_shared>>)
      %dma_start3A_314 = arith.constant 1408 : i32
      %dma_start3A_315 = tpu.memref_slice %arg6[%dma_start3A_314] : memref<2048xi32, #tpu.memory_space<vmem>> -> memref<128xi32, #tpu.memory_space<vmem>>
      %dma_start3A_316 = arith.constant 0 : i32
      %dma_start3A_317 = arith.constant 0 : i32
      %dma_start3A_318 = tpu.memref_slice %arg4[%dma_start3A_316, %dma_start3A_317] : memref<40000x128xf32, #tpu.memory_space<hbm>> -> memref<40000x128xf32, #tpu.memory_space<hbm>>
      tpu.enqueue_indirect_dma source(%dma_start3A_318 : memref<40000x128xf32, #tpu.memory_space<hbm>>) target(%arg9 : memref<128x128xf32, #tpu.memory_space<vmem>>) offsets(%dma_start3A_315 : memref<128xi32, #tpu.memory_space<vmem>>) semaphore(%arg12 : memref<!tpu.dma_semaphore, #tpu.memory_space<semaphore_mem>>)
      %dma_wait3A_319 = arith.constant 1408 : i32
      %dma_wait3A_320 = tpu.memref_slice %arg6[%dma_wait3A_319] : memref<2048xi32, #tpu.memory_space<vmem>> -> memref<128xi32, #tpu.memory_space<vmem>>
      %dma_wait3A_321 = arith.constant 0 : i32
      %dma_wait3A_322 = arith.constant 0 : i32
      %dma_wait3A_323 = tpu.memref_slice %arg4[%dma_wait3A_321, %dma_wait3A_322] : memref<40000x128xf32, #tpu.memory_space<hbm>> -> memref<40000x128xf32, #tpu.memory_space<hbm>>
      tpu.wait_indirect_dma semaphore(%arg12 : memref<!tpu.dma_semaphore, #tpu.memory_space<semaphore_mem>>) src(%dma_wait3A_323 : memref<40000x128xf32, #tpu.memory_space<hbm>>) dst(%arg9 : memref<128x128xf32, #tpu.memory_space<vmem>>)
      %dma_start3A_324 = arith.constant 1408 : i32
      %dma_start3A_325 = tpu.memref_slice %arg7[%dma_start3A_324] : memref<2048xi32, #tpu.memory_space<vmem>> -> memref<128xi32, #tpu.memory_space<vmem>>
      %dma_start3A_326 = arith.constant 0 : i32
      %dma_start3A_327 = arith.constant 0 : i32
      %dma_start3A_328 = tpu.memref_slice %arg10[%dma_start3A_326, %dma_start3A_327] : memref<10008x128xf32, #tpu.memory_space<vmem_shared>> -> memref<10008x128xf32, #tpu.memory_space<vmem_shared>>
      tpu.enqueue_indirect_dma source(%arg9 : memref<128x128xf32, #tpu.memory_space<vmem>>) target(%dma_start3A_328 : memref<10008x128xf32, #tpu.memory_space<vmem_shared>>) offsets(%dma_start3A_325 : memref<128xi32, #tpu.memory_space<vmem>>) semaphore(%arg14 : memref<!tpu.dma_semaphore, #tpu.memory_space<semaphore_mem>>) {add = true}
      %dma_wait3A_329 = arith.constant 1280 : i32
      %dma_wait3A_330 = tpu.memref_slice %arg7[%dma_wait3A_329] : memref<2048xi32, #tpu.memory_space<vmem>> -> memref<128xi32, #tpu.memory_space<vmem>>
      %dma_wait3A_331 = arith.constant 0 : i32
      %dma_wait3A_332 = arith.constant 0 : i32
      %dma_wait3A_333 = tpu.memref_slice %arg10[%dma_wait3A_331, %dma_wait3A_332] : memref<10008x128xf32, #tpu.memory_space<vmem_shared>> -> memref<10008x128xf32, #tpu.memory_space<vmem_shared>>
      tpu.wait_indirect_dma semaphore(%arg13 : memref<!tpu.dma_semaphore, #tpu.memory_space<semaphore_mem>>) src(%arg8 : memref<128x128xf32, #tpu.memory_space<vmem>>) dst(%dma_wait3A_333 : memref<10008x128xf32, #tpu.memory_space<vmem_shared>>)
      %dma_start3A_334 = arith.constant 1536 : i32
      %dma_start3A_335 = tpu.memref_slice %arg6[%dma_start3A_334] : memref<2048xi32, #tpu.memory_space<vmem>> -> memref<128xi32, #tpu.memory_space<vmem>>
      %dma_start3A_336 = arith.constant 0 : i32
      %dma_start3A_337 = arith.constant 0 : i32
      %dma_start3A_338 = tpu.memref_slice %arg4[%dma_start3A_336, %dma_start3A_337] : memref<40000x128xf32, #tpu.memory_space<hbm>> -> memref<40000x128xf32, #tpu.memory_space<hbm>>
      tpu.enqueue_indirect_dma source(%dma_start3A_338 : memref<40000x128xf32, #tpu.memory_space<hbm>>) target(%arg8 : memref<128x128xf32, #tpu.memory_space<vmem>>) offsets(%dma_start3A_335 : memref<128xi32, #tpu.memory_space<vmem>>) semaphore(%arg11 : memref<!tpu.dma_semaphore, #tpu.memory_space<semaphore_mem>>)
      %dma_wait3A_339 = arith.constant 1536 : i32
      %dma_wait3A_340 = tpu.memref_slice %arg6[%dma_wait3A_339] : memref<2048xi32, #tpu.memory_space<vmem>> -> memref<128xi32, #tpu.memory_space<vmem>>
      %dma_wait3A_341 = arith.constant 0 : i32
      %dma_wait3A_342 = arith.constant 0 : i32
      %dma_wait3A_343 = tpu.memref_slice %arg4[%dma_wait3A_341, %dma_wait3A_342] : memref<40000x128xf32, #tpu.memory_space<hbm>> -> memref<40000x128xf32, #tpu.memory_space<hbm>>
      tpu.wait_indirect_dma semaphore(%arg11 : memref<!tpu.dma_semaphore, #tpu.memory_space<semaphore_mem>>) src(%dma_wait3A_343 : memref<40000x128xf32, #tpu.memory_space<hbm>>) dst(%arg8 : memref<128x128xf32, #tpu.memory_space<vmem>>)
      %dma_start3A_344 = arith.constant 1536 : i32
      %dma_start3A_345 = tpu.memref_slice %arg7[%dma_start3A_344] : memref<2048xi32, #tpu.memory_space<vmem>> -> memref<128xi32, #tpu.memory_space<vmem>>
      %dma_start3A_346 = arith.constant 0 : i32
      %dma_start3A_347 = arith.constant 0 : i32
      %dma_start3A_348 = tpu.memref_slice %arg10[%dma_start3A_346, %dma_start3A_347] : memref<10008x128xf32, #tpu.memory_space<vmem_shared>> -> memref<10008x128xf32, #tpu.memory_space<vmem_shared>>
      tpu.enqueue_indirect_dma source(%arg8 : memref<128x128xf32, #tpu.memory_space<vmem>>) target(%dma_start3A_348 : memref<10008x128xf32, #tpu.memory_space<vmem_shared>>) offsets(%dma_start3A_345 : memref<128xi32, #tpu.memory_space<vmem>>) semaphore(%arg13 : memref<!tpu.dma_semaphore, #tpu.memory_space<semaphore_mem>>) {add = true}
      %dma_wait3A_349 = arith.constant 1408 : i32
      %dma_wait3A_350 = tpu.memref_slice %arg7[%dma_wait3A_349] : memref<2048xi32, #tpu.memory_space<vmem>> -> memref<128xi32, #tpu.memory_space<vmem>>
      %dma_wait3A_351 = arith.constant 0 : i32
      %dma_wait3A_352 = arith.constant 0 : i32
      %dma_wait3A_353 = tpu.memref_slice %arg10[%dma_wait3A_351, %dma_wait3A_352] : memref<10008x128xf32, #tpu.memory_space<vmem_shared>> -> memref<10008x128xf32, #tpu.memory_space<vmem_shared>>
      tpu.wait_indirect_dma semaphore(%arg14 : memref<!tpu.dma_semaphore, #tpu.memory_space<semaphore_mem>>) src(%arg9 : memref<128x128xf32, #tpu.memory_space<vmem>>) dst(%dma_wait3A_353 : memref<10008x128xf32, #tpu.memory_space<vmem_shared>>)
      %dma_start3A_354 = arith.constant 1664 : i32
      %dma_start3A_355 = tpu.memref_slice %arg6[%dma_start3A_354] : memref<2048xi32, #tpu.memory_space<vmem>> -> memref<128xi32, #tpu.memory_space<vmem>>
      %dma_start3A_356 = arith.constant 0 : i32
      %dma_start3A_357 = arith.constant 0 : i32
      %dma_start3A_358 = tpu.memref_slice %arg4[%dma_start3A_356, %dma_start3A_357] : memref<40000x128xf32, #tpu.memory_space<hbm>> -> memref<40000x128xf32, #tpu.memory_space<hbm>>
      tpu.enqueue_indirect_dma source(%dma_start3A_358 : memref<40000x128xf32, #tpu.memory_space<hbm>>) target(%arg9 : memref<128x128xf32, #tpu.memory_space<vmem>>) offsets(%dma_start3A_355 : memref<128xi32, #tpu.memory_space<vmem>>) semaphore(%arg12 : memref<!tpu.dma_semaphore, #tpu.memory_space<semaphore_mem>>)
      %dma_wait3A_359 = arith.constant 1664 : i32
      %dma_wait3A_360 = tpu.memref_slice %arg6[%dma_wait3A_359] : memref<2048xi32, #tpu.memory_space<vmem>> -> memref<128xi32, #tpu.memory_space<vmem>>
      %dma_wait3A_361 = arith.constant 0 : i32
      %dma_wait3A_362 = arith.constant 0 : i32
      %dma_wait3A_363 = tpu.memref_slice %arg4[%dma_wait3A_361, %dma_wait3A_362] : memref<40000x128xf32, #tpu.memory_space<hbm>> -> memref<40000x128xf32, #tpu.memory_space<hbm>>
      tpu.wait_indirect_dma semaphore(%arg12 : memref<!tpu.dma_semaphore, #tpu.memory_space<semaphore_mem>>) src(%dma_wait3A_363 : memref<40000x128xf32, #tpu.memory_space<hbm>>) dst(%arg9 : memref<128x128xf32, #tpu.memory_space<vmem>>)
      %dma_start3A_364 = arith.constant 1664 : i32
      %dma_start3A_365 = tpu.memref_slice %arg7[%dma_start3A_364] : memref<2048xi32, #tpu.memory_space<vmem>> -> memref<128xi32, #tpu.memory_space<vmem>>
      %dma_start3A_366 = arith.constant 0 : i32
      %dma_start3A_367 = arith.constant 0 : i32
      %dma_start3A_368 = tpu.memref_slice %arg10[%dma_start3A_366, %dma_start3A_367] : memref<10008x128xf32, #tpu.memory_space<vmem_shared>> -> memref<10008x128xf32, #tpu.memory_space<vmem_shared>>
      tpu.enqueue_indirect_dma source(%arg9 : memref<128x128xf32, #tpu.memory_space<vmem>>) target(%dma_start3A_368 : memref<10008x128xf32, #tpu.memory_space<vmem_shared>>) offsets(%dma_start3A_365 : memref<128xi32, #tpu.memory_space<vmem>>) semaphore(%arg14 : memref<!tpu.dma_semaphore, #tpu.memory_space<semaphore_mem>>) {add = true}
      %dma_wait3A_369 = arith.constant 1536 : i32
      %dma_wait3A_370 = tpu.memref_slice %arg7[%dma_wait3A_369] : memref<2048xi32, #tpu.memory_space<vmem>> -> memref<128xi32, #tpu.memory_space<vmem>>
      %dma_wait3A_371 = arith.constant 0 : i32
      %dma_wait3A_372 = arith.constant 0 : i32
      %dma_wait3A_373 = tpu.memref_slice %arg10[%dma_wait3A_371, %dma_wait3A_372] : memref<10008x128xf32, #tpu.memory_space<vmem_shared>> -> memref<10008x128xf32, #tpu.memory_space<vmem_shared>>
      tpu.wait_indirect_dma semaphore(%arg13 : memref<!tpu.dma_semaphore, #tpu.memory_space<semaphore_mem>>) src(%arg8 : memref<128x128xf32, #tpu.memory_space<vmem>>) dst(%dma_wait3A_373 : memref<10008x128xf32, #tpu.memory_space<vmem_shared>>)
      %dma_start3A_374 = arith.constant 1792 : i32
      %dma_start3A_375 = tpu.memref_slice %arg6[%dma_start3A_374] : memref<2048xi32, #tpu.memory_space<vmem>> -> memref<128xi32, #tpu.memory_space<vmem>>
      %dma_start3A_376 = arith.constant 0 : i32
      %dma_start3A_377 = arith.constant 0 : i32
      %dma_start3A_378 = tpu.memref_slice %arg4[%dma_start3A_376, %dma_start3A_377] : memref<40000x128xf32, #tpu.memory_space<hbm>> -> memref<40000x128xf32, #tpu.memory_space<hbm>>
      tpu.enqueue_indirect_dma source(%dma_start3A_378 : memref<40000x128xf32, #tpu.memory_space<hbm>>) target(%arg8 : memref<128x128xf32, #tpu.memory_space<vmem>>) offsets(%dma_start3A_375 : memref<128xi32, #tpu.memory_space<vmem>>) semaphore(%arg11 : memref<!tpu.dma_semaphore, #tpu.memory_space<semaphore_mem>>)
      %dma_wait3A_379 = arith.constant 1792 : i32
      %dma_wait3A_380 = tpu.memref_slice %arg6[%dma_wait3A_379] : memref<2048xi32, #tpu.memory_space<vmem>> -> memref<128xi32, #tpu.memory_space<vmem>>
      %dma_wait3A_381 = arith.constant 0 : i32
      %dma_wait3A_382 = arith.constant 0 : i32
      %dma_wait3A_383 = tpu.memref_slice %arg4[%dma_wait3A_381, %dma_wait3A_382] : memref<40000x128xf32, #tpu.memory_space<hbm>> -> memref<40000x128xf32, #tpu.memory_space<hbm>>
      tpu.wait_indirect_dma semaphore(%arg11 : memref<!tpu.dma_semaphore, #tpu.memory_space<semaphore_mem>>) src(%dma_wait3A_383 : memref<40000x128xf32, #tpu.memory_space<hbm>>) dst(%arg8 : memref<128x128xf32, #tpu.memory_space<vmem>>)
      %dma_start3A_384 = arith.constant 1792 : i32
      %dma_start3A_385 = tpu.memref_slice %arg7[%dma_start3A_384] : memref<2048xi32, #tpu.memory_space<vmem>> -> memref<128xi32, #tpu.memory_space<vmem>>
      %dma_start3A_386 = arith.constant 0 : i32
      %dma_start3A_387 = arith.constant 0 : i32
      %dma_start3A_388 = tpu.memref_slice %arg10[%dma_start3A_386, %dma_start3A_387] : memref<10008x128xf32, #tpu.memory_space<vmem_shared>> -> memref<10008x128xf32, #tpu.memory_space<vmem_shared>>
      tpu.enqueue_indirect_dma source(%arg8 : memref<128x128xf32, #tpu.memory_space<vmem>>) target(%dma_start3A_388 : memref<10008x128xf32, #tpu.memory_space<vmem_shared>>) offsets(%dma_start3A_385 : memref<128xi32, #tpu.memory_space<vmem>>) semaphore(%arg13 : memref<!tpu.dma_semaphore, #tpu.memory_space<semaphore_mem>>) {add = true}
      %dma_wait3A_389 = arith.constant 1664 : i32
      %dma_wait3A_390 = tpu.memref_slice %arg7[%dma_wait3A_389] : memref<2048xi32, #tpu.memory_space<vmem>> -> memref<128xi32, #tpu.memory_space<vmem>>
      %dma_wait3A_391 = arith.constant 0 : i32
      %dma_wait3A_392 = arith.constant 0 : i32
      %dma_wait3A_393 = tpu.memref_slice %arg10[%dma_wait3A_391, %dma_wait3A_392] : memref<10008x128xf32, #tpu.memory_space<vmem_shared>> -> memref<10008x128xf32, #tpu.memory_space<vmem_shared>>
      tpu.wait_indirect_dma semaphore(%arg14 : memref<!tpu.dma_semaphore, #tpu.memory_space<semaphore_mem>>) src(%arg9 : memref<128x128xf32, #tpu.memory_space<vmem>>) dst(%dma_wait3A_393 : memref<10008x128xf32, #tpu.memory_space<vmem_shared>>)
      %dma_start3A_394 = arith.constant 1920 : i32
      %dma_start3A_395 = tpu.memref_slice %arg6[%dma_start3A_394] : memref<2048xi32, #tpu.memory_space<vmem>> -> memref<128xi32, #tpu.memory_space<vmem>>
      %dma_start3A_396 = arith.constant 0 : i32
      %dma_start3A_397 = arith.constant 0 : i32
      %dma_start3A_398 = tpu.memref_slice %arg4[%dma_start3A_396, %dma_start3A_397] : memref<40000x128xf32, #tpu.memory_space<hbm>> -> memref<40000x128xf32, #tpu.memory_space<hbm>>
      tpu.enqueue_indirect_dma source(%dma_start3A_398 : memref<40000x128xf32, #tpu.memory_space<hbm>>) target(%arg9 : memref<128x128xf32, #tpu.memory_space<vmem>>) offsets(%dma_start3A_395 : memref<128xi32, #tpu.memory_space<vmem>>) semaphore(%arg12 : memref<!tpu.dma_semaphore, #tpu.memory_space<semaphore_mem>>)
      %dma_wait3A_399 = arith.constant 1920 : i32
      %dma_wait3A_400 = tpu.memref_slice %arg6[%dma_wait3A_399] : memref<2048xi32, #tpu.memory_space<vmem>> -> memref<128xi32, #tpu.memory_space<vmem>>
      %dma_wait3A_401 = arith.constant 0 : i32
      %dma_wait3A_402 = arith.constant 0 : i32
      %dma_wait3A_403 = tpu.memref_slice %arg4[%dma_wait3A_401, %dma_wait3A_402] : memref<40000x128xf32, #tpu.memory_space<hbm>> -> memref<40000x128xf32, #tpu.memory_space<hbm>>
      tpu.wait_indirect_dma semaphore(%arg12 : memref<!tpu.dma_semaphore, #tpu.memory_space<semaphore_mem>>) src(%dma_wait3A_403 : memref<40000x128xf32, #tpu.memory_space<hbm>>) dst(%arg9 : memref<128x128xf32, #tpu.memory_space<vmem>>)
      %dma_start3A_404 = arith.constant 1920 : i32
      %dma_start3A_405 = tpu.memref_slice %arg7[%dma_start3A_404] : memref<2048xi32, #tpu.memory_space<vmem>> -> memref<128xi32, #tpu.memory_space<vmem>>
      %dma_start3A_406 = arith.constant 0 : i32
      %dma_start3A_407 = arith.constant 0 : i32
      %dma_start3A_408 = tpu.memref_slice %arg10[%dma_start3A_406, %dma_start3A_407] : memref<10008x128xf32, #tpu.memory_space<vmem_shared>> -> memref<10008x128xf32, #tpu.memory_space<vmem_shared>>
      tpu.enqueue_indirect_dma source(%arg9 : memref<128x128xf32, #tpu.memory_space<vmem>>) target(%dma_start3A_408 : memref<10008x128xf32, #tpu.memory_space<vmem_shared>>) offsets(%dma_start3A_405 : memref<128xi32, #tpu.memory_space<vmem>>) semaphore(%arg14 : memref<!tpu.dma_semaphore, #tpu.memory_space<semaphore_mem>>) {add = true}
      %dma_wait3A_409 = arith.constant 1920 : i32
      %dma_wait3A_410 = tpu.memref_slice %arg7[%dma_wait3A_409] : memref<2048xi32, #tpu.memory_space<vmem>> -> memref<128xi32, #tpu.memory_space<vmem>>
      %dma_wait3A_411 = arith.constant 0 : i32
      %dma_wait3A_412 = arith.constant 0 : i32
      %dma_wait3A_413 = tpu.memref_slice %arg10[%dma_wait3A_411, %dma_wait3A_412] : memref<10008x128xf32, #tpu.memory_space<vmem_shared>> -> memref<10008x128xf32, #tpu.memory_space<vmem_shared>>
      tpu.wait_indirect_dma semaphore(%arg14 : memref<!tpu.dma_semaphore, #tpu.memory_space<semaphore_mem>>) src(%arg9 : memref<128x128xf32, #tpu.memory_space<vmem>>) dst(%dma_wait3A_413 : memref<10008x128xf32, #tpu.memory_space<vmem_shared>>)
      %dma_wait3A_414 = arith.constant 1792 : i32
      %dma_wait3A_415 = tpu.memref_slice %arg7[%dma_wait3A_414] : memref<2048xi32, #tpu.memory_space<vmem>> -> memref<128xi32, #tpu.memory_space<vmem>>
      %dma_wait3A_416 = arith.constant 0 : i32
      %dma_wait3A_417 = arith.constant 0 : i32
      %dma_wait3A_418 = tpu.memref_slice %arg10[%dma_wait3A_416, %dma_wait3A_417] : memref<10008x128xf32, #tpu.memory_space<vmem_shared>> -> memref<10008x128xf32, #tpu.memory_space<vmem_shared>>
      tpu.wait_indirect_dma semaphore(%arg13 : memref<!tpu.dma_semaphore, #tpu.memory_space<semaphore_mem>>) src(%arg8 : memref<128x128xf32, #tpu.memory_space<vmem>>) dst(%dma_wait3A_418 : memref<10008x128xf32, #tpu.memory_space<vmem_shared>>)
      %scan3A_419 = arith.constant 0 : i32
      scf.yield %scan3A_419 : i32
    }
    %scan3A_72 = arith.constant 10 : i32
    %barrier3A_73 = arith.constant 0 : index
    tpu.barrier barrier_id(%barrier3A_73)
    %mul3A_74 = arith.constant 10000 : i32
    %mul3A_75 = arith.muli %add3A_41, %mul3A_74 : i32
    %lt3A_76 = arith.constant 15 : i32
    %lt3A_77 = arith.cmpi slt, %arg1, %lt3A_76 : i32
    %convert_element_type3A_78 = arith.extui %lt3A_77 : i1 to i32
    %cond3A_79 = arith.constant 0 : i32
    %cond3A_80 = arith.cmpi ne, %convert_element_type3A_78, %cond3A_79 : i32
    scf.if %cond3A_80 {
      %mul3A_87 = arith.constant 640 : i32
      %mul3A_88 = arith.muli %arg1, %mul3A_87 : i32
      %mul3A_89 = arith.constant 640 : i32
      %mul3A_90 = arith.muli %arg1, %mul3A_89 : i32
      %add3A_91 = arith.addi %mul3A_75, %mul3A_90 : i32
      "tpu.region"() ({
        %run_scoped3A = tpu.sem_alloc : memref<!tpu.dma_semaphore, #tpu.memory_space<semaphore_mem>>
        %dma_start3A = arith.constant 0 : i32
        %dma_start3A_92 = tpu.memref_slice %arg5[%add3A_91, %dma_start3A] : memref<40000x128xf32, #tpu.memory_space<hbm>> -> memref<640x128xf32, #tpu.memory_space<hbm>>
        %dma_start3A_93 = arith.constant 0 : i32
        %dma_start3A_94 = tpu.memref_slice %arg10[%mul3A_88, %dma_start3A_93] : memref<10008x128xf32, #tpu.memory_space<vmem_shared>> -> memref<640x128xf32, #tpu.memory_space<vmem_shared>>
        tpu.enqueue_dma source(%dma_start3A_94 : memref<640x128xf32, #tpu.memory_space<vmem_shared>>) target(%dma_start3A_92 : memref<640x128xf32, #tpu.memory_space<hbm>>) target_semaphore(%run_scoped3A : memref<!tpu.dma_semaphore, #tpu.memory_space<semaphore_mem>>)
        %dma_wait3A = arith.constant 0 : i32
        %dma_wait3A_95 = tpu.memref_slice %arg5[%add3A_91, %dma_wait3A] : memref<40000x128xf32, #tpu.memory_space<hbm>> -> memref<640x128xf32, #tpu.memory_space<hbm>>
        %dma_wait3A_96 = arith.constant 0 : i32
        %dma_wait3A_97 = tpu.memref_slice %arg10[%mul3A_88, %dma_wait3A_96] : memref<10008x128xf32, #tpu.memory_space<vmem_shared>> -> memref<640x128xf32, #tpu.memory_space<vmem_shared>>
        tpu.wait_dma2 semaphore(%run_scoped3A : memref<!tpu.dma_semaphore, #tpu.memory_space<semaphore_mem>>) src(%dma_wait3A_97 : memref<640x128xf32, #tpu.memory_space<vmem_shared>>) dst(%dma_wait3A_95 : memref<640x128xf32, #tpu.memory_space<hbm>>)
        tpu.yield
      }) : () -> ()
    } else {
    }
    %eq3A_81 = arith.constant 15 : i32
    %eq3A_82 = arith.cmpi eq, %arg1, %eq3A_81 : i32
    %convert_element_type3A_83 = arith.extui %eq3A_82 : i1 to i32
    %cond3A_84 = arith.constant 0 : i32
    %cond3A_85 = arith.cmpi ne, %convert_element_type3A_83, %cond3A_84 : i32
    scf.if %cond3A_85 {
      %add3A_87 = arith.constant 9600 : i32
      %add3A_88 = arith.addi %mul3A_75, %add3A_87 : i32
      "tpu.region"() ({
        %run_scoped3A = tpu.sem_alloc : memref<!tpu.dma_semaphore, #tpu.memory_space<semaphore_mem>>
        %dma_start3A = arith.constant 0 : i32
        %dma_start3A_89 = tpu.memref_slice %arg5[%add3A_88, %dma_start3A] : memref<40000x128xf32, #tpu.memory_space<hbm>> -> memref<400x128xf32, #tpu.memory_space<hbm>>
        %dma_start3A_90 = arith.constant 9600 : i32
        %dma_start3A_91 = arith.constant 0 : i32
        %dma_start3A_92 = tpu.memref_slice %arg10[%dma_start3A_90, %dma_start3A_91] : memref<10008x128xf32, #tpu.memory_space<vmem_shared>> -> memref<400x128xf32, #tpu.memory_space<vmem_shared>>
        tpu.enqueue_dma source(%dma_start3A_92 : memref<400x128xf32, #tpu.memory_space<vmem_shared>>) target(%dma_start3A_89 : memref<400x128xf32, #tpu.memory_space<hbm>>) target_semaphore(%run_scoped3A : memref<!tpu.dma_semaphore, #tpu.memory_space<semaphore_mem>>)
        %dma_wait3A = arith.constant 0 : i32
        %dma_wait3A_93 = tpu.memref_slice %arg5[%add3A_88, %dma_wait3A] : memref<40000x128xf32, #tpu.memory_space<hbm>> -> memref<400x128xf32, #tpu.memory_space<hbm>>
        %dma_wait3A_94 = arith.constant 9600 : i32
        %dma_wait3A_95 = arith.constant 0 : i32
        %dma_wait3A_96 = tpu.memref_slice %arg10[%dma_wait3A_94, %dma_wait3A_95] : memref<10008x128xf32, #tpu.memory_space<vmem_shared>> -> memref<400x128xf32, #tpu.memory_space<vmem_shared>>
        tpu.wait_dma2 semaphore(%run_scoped3A : memref<!tpu.dma_semaphore, #tpu.memory_space<semaphore_mem>>) src(%dma_wait3A_96 : memref<400x128xf32, #tpu.memory_space<vmem_shared>>) dst(%dma_wait3A_93 : memref<400x128xf32, #tpu.memory_space<hbm>>)
        tpu.yield
      }) : () -> ()
    } else {
    }
    %barrier3A_86 = arith.constant 0 : index
    tpu.barrier barrier_id(%barrier3A_86)
    return
  }
}

module attributes {stable_mosaic.version = 14 : i64} {
  func.func @body(%arg0: i32, %arg1: i32, %arg2: memref<1000x128xf32, #tpu.memory_space<vmem>>, %arg3: memref<128x128xf32, #tpu.memory_space<vmem>>, %arg4: memref<1000x2xf32, #tpu.memory_space<vmem>>, %arg5: memref<1000x128xf32, #tpu.memory_space<vmem>>, %arg6: memref<1000x1xf32, #tpu.memory_space<vmem>>) attributes {dimension_semantics = [#tpu.dimension_semantics<arbitrary>, #tpu.dimension_semantics<arbitrary>], iteration_bounds = array<i64: 10, 4>, scalar_prefetch = 0 : i64, scratch_operands = 0 : i64, tpu.core_type = #tpu.core_type<tc>, window_params = [{transform_indices = @transform_0, window_bounds = array<i64: 1000, 128>}, {transform_indices = @transform_1, window_bounds = array<i64: 128, 128>}, {transform_indices = @transform_2, window_bounds = array<i64: 1000, 2>}, {transform_indices = @transform_3, window_bounds = array<i64: 1000, 128>}, {transform_indices = @transform_4, window_bounds = array<i64: 1000, 1>}]} {
    %get3A = arith.constant 0 : index
    %get3A_0 = arith.constant 0 : index
    %get3A_1 = vector.load %arg4[%get3A, %get3A_0] : memref<1000x2xf32, #tpu.memory_space<vmem>>, vector<1000x2xf32>
    %slice3A = vector.extract_strided_slice %get3A_1 {offsets = [0, 0], sizes = [1000, 1], strides = [1, 1]} : vector<1000x2xf32> to vector<1000x1xf32>
    %slice3A_2 = vector.extract_strided_slice %get3A_1 {offsets = [0, 1], sizes = [1000, 1], strides = [1, 1]} : vector<1000x2xf32> to vector<1000x1xf32>
    %add3A = arith.addf %slice3A, %slice3A_2 : vector<1000x1xf32>
    %add3A_3 = arith.constant 1.000000e+00 : f32
    %add3A_4 = vector.broadcast %add3A_3 : f32 to vector<1000x1xf32>
    %add3A_5 = arith.addf %add3A, %add3A_4 : vector<1000x1xf32>
    %rsqrt3A = math.rsqrt %add3A_5 : vector<1000x1xf32>
    %get3A_6 = arith.constant 0 : index
    %get3A_7 = arith.constant 0 : index
    %get3A_8 = vector.load %arg2[%get3A_6, %get3A_7] : memref<1000x128xf32, #tpu.memory_space<vmem>>, vector<1000x128xf32>
    %get3A_9 = arith.constant 0 : index
    %get3A_10 = arith.constant 0 : index
    %get3A_11 = vector.load %arg3[%get3A_9, %get3A_10] : memref<128x128xf32, #tpu.memory_space<vmem>>, vector<128x128xf32>
    %dot_general3A = arith.constant dense<0.000000e+00> : vector<1000x128xf32>
    %dot_general3A_12 = tpu.matmul %get3A_8, %get3A_11, %dot_general3A {dimension_numbers = #tpu.dot_dimension_numbers<[1], [0], [0], [1], [0, 0, 1, 1], [], []>, transpose_lhs_hint = false} : vector<1000x128xf32>, vector<128x128xf32>, vector<1000x128xf32> -> vector<1000x128xf32>
    %mul3A = vector.broadcast %rsqrt3A : vector<1000x1xf32> to vector<1000x128xf32>
    %mul3A_13 = arith.mulf %dot_general3A_12, %mul3A : vector<1000x128xf32>
    %swap3A = arith.constant 0 : index
    %swap3A_14 = arith.constant 0 : index
    %swap3A_15 = vector.load %arg5[%swap3A, %swap3A_14] : memref<1000x128xf32, #tpu.memory_space<vmem>>, vector<1000x128xf32>
    tpu.vector_store %arg5[%swap3A, %swap3A_14], %mul3A_13 {strides = array<i32>} : memref<1000x128xf32, #tpu.memory_space<vmem>>, vector<1000x128xf32>,
    %swap3A_16 = arith.constant 0 : index
    %swap3A_17 = arith.constant 0 : index
    %swap3A_18 = vector.load %arg6[%swap3A_16, %swap3A_17] : memref<1000x1xf32, #tpu.memory_space<vmem>>, vector<1000x1xf32>
    tpu.vector_store %arg6[%swap3A_16, %swap3A_17], %rsqrt3A {strides = array<i32>} : memref<1000x1xf32, #tpu.memory_space<vmem>>, vector<1000x1xf32>,
    return
  }
  func.func @transform_0(%arg0: i32, %arg1: i32) -> (i32, i32) {
    %c0_i32 = arith.constant 0 : i32
    %c0_i32_0 = arith.constant 0 : i32
    return %arg0, %c0_i32 : i32, i32
  }
  func.func @transform_1(%arg0: i32, %arg1: i32) -> (i32, i32) {
    %c0_i32 = arith.constant 0 : i32
    %c0_i32_0 = arith.constant 0 : i32
    return %c0_i32, %arg1 : i32, i32
  }
  func.func @transform_2(%arg0: i32, %arg1: i32) -> (i32, i32) {
    %c0_i32 = arith.constant 0 : i32
    %c0_i32_0 = arith.constant 0 : i32
    return %arg0, %c0_i32 : i32, i32
  }
  func.func @transform_3(%arg0: i32, %arg1: i32) -> (i32, i32) {
    %mul3A = arith.constant 10 : i32
    %mul3A_0 = arith.muli %arg1, %mul3A : i32
    %add3A = arith.addi %mul3A_0, %arg0 : i32
    %c0_i32 = arith.constant 0 : i32
    %c0_i32_1 = arith.constant 0 : i32
    return %add3A, %c0_i32 : i32, i32
  }
  func.func @transform_4(%arg0: i32, %arg1: i32) -> (i32, i32) {
    %c0_i32 = arith.constant 0 : i32
    %c0_i32_0 = arith.constant 0 : i32
    return %arg0, %c0_i32 : i32, i32
  }
}

module attributes {stable_mosaic.version = 14 : i64} {
  func.func @body(%arg0: i32, %arg1: memref<1000x128xf32, #tpu.memory_space<vmem>>, %arg2: memref<1000x128xf32, #tpu.memory_space<vmem>>, %arg3: memref<1000x128xf32, #tpu.memory_space<vmem>>, %arg4: memref<1000x128xf32, #tpu.memory_space<vmem>>, %arg5: memref<1000x128xf32, #tpu.memory_space<vmem>>, %arg6: memref<1000x128xf32, #tpu.memory_space<vmem>>, %arg7: memref<1000x128xf32, #tpu.memory_space<vmem>>, %arg8: memref<1000x128xf32, #tpu.memory_space<vmem>>, %arg9: memref<1000x1xf32, #tpu.memory_space<vmem>>, %arg10: memref<1x512xf32, #tpu.memory_space<vmem>>, %arg11: memref<512x256xf32, #tpu.memory_space<vmem>>, %arg12: memref<1x256xf32, #tpu.memory_space<vmem>>, %arg13: memref<256x256xf32, #tpu.memory_space<vmem>>, %arg14: memref<1x256xf32, #tpu.memory_space<vmem>>, %arg15: memref<256x256xf32, #tpu.memory_space<vmem>>, %arg16: memref<1x256xf32, #tpu.memory_space<vmem>>, %arg17: memref<256x1xf32, #tpu.memory_space<vmem>>, %arg18: memref<1x1xf32, #tpu.memory_space<vmem>>, %arg19: memref<1000x1xf32, #tpu.memory_space<vmem>>) attributes {dimension_semantics = [#tpu.dimension_semantics<arbitrary>], iteration_bounds = array<i64: 10>, scalar_prefetch = 0 : i64, scratch_operands = 0 : i64, tpu.core_type = #tpu.core_type<tc>, window_params = [{transform_indices = @transform_0, window_bounds = array<i64: 1000, 128>}, {transform_indices = @transform_1, window_bounds = array<i64: 1000, 128>}, {transform_indices = @transform_2, window_bounds = array<i64: 1000, 128>}, {transform_indices = @transform_3, window_bounds = array<i64: 1000, 128>}, {transform_indices = @transform_4, window_bounds = array<i64: 1000, 128>}, {transform_indices = @transform_5, window_bounds = array<i64: 1000, 128>}, {transform_indices = @transform_6, window_bounds = array<i64: 1000, 128>}, {transform_indices = @transform_7, window_bounds = array<i64: 1000, 128>}, {transform_indices = @transform_8, window_bounds = array<i64: 1000, 1>}, {pipeline_mode = #tpu.pipeline_mode<synchronous>, transform_indices = @transform_9, window_bounds = array<i64: 1, 512>}, {pipeline_mode = #tpu.pipeline_mode<synchronous>, transform_indices = @transform_10, window_bounds = array<i64: 512, 256>}, {pipeline_mode = #tpu.pipeline_mode<synchronous>, transform_indices = @transform_11, window_bounds = array<i64: 1, 256>}, {pipeline_mode = #tpu.pipeline_mode<synchronous>, transform_indices = @transform_12, window_bounds = array<i64: 256, 256>}, {pipeline_mode = #tpu.pipeline_mode<synchronous>, transform_indices = @transform_13, window_bounds = array<i64: 1, 256>}, {pipeline_mode = #tpu.pipeline_mode<synchronous>, transform_indices = @transform_14, window_bounds = array<i64: 256, 256>}, {pipeline_mode = #tpu.pipeline_mode<synchronous>, transform_indices = @transform_15, window_bounds = array<i64: 1, 256>}, {pipeline_mode = #tpu.pipeline_mode<synchronous>, transform_indices = @transform_16, window_bounds = array<i64: 256, 1>}, {pipeline_mode = #tpu.pipeline_mode<synchronous>, transform_indices = @transform_17, window_bounds = array<i64: 1, 1>}, {transform_indices = @transform_18, window_bounds = array<i64: 1000, 1>}]} {
    %get3A = arith.constant 0 : index
    %get3A_0 = arith.constant 0 : index
    %get3A_1 = vector.load %arg9[%get3A, %get3A_0] : memref<1000x1xf32, #tpu.memory_space<vmem>>, vector<1000x1xf32>
    %get3A_2 = arith.constant 0 : index
    %get3A_3 = arith.constant 0 : index
    %get3A_4 = vector.load %arg1[%get3A_2, %get3A_3] : memref<1000x128xf32, #tpu.memory_space<vmem>>, vector<1000x128xf32>
    %get3A_5 = arith.constant 0 : index
    %get3A_6 = arith.constant 0 : index
    %get3A_7 = vector.load %arg2[%get3A_5, %get3A_6] : memref<1000x128xf32, #tpu.memory_space<vmem>>, vector<1000x128xf32>
    %get3A_8 = arith.constant 0 : index
    %get3A_9 = arith.constant 0 : index
    %get3A_10 = vector.load %arg3[%get3A_8, %get3A_9] : memref<1000x128xf32, #tpu.memory_space<vmem>>, vector<1000x128xf32>
    %get3A_11 = arith.constant 0 : index
    %get3A_12 = arith.constant 0 : index
    %get3A_13 = vector.load %arg4[%get3A_11, %get3A_12] : memref<1000x128xf32, #tpu.memory_space<vmem>>, vector<1000x128xf32>
    %concatenate3A = tpu.concatenate %get3A_4, %get3A_7, %get3A_10, %get3A_13 in 1 : vector<1000x128xf32>, vector<1000x128xf32>, vector<1000x128xf32>, vector<1000x128xf32> -> vector<1000x512xf32>
    %get3A_14 = arith.constant 0 : index
    %get3A_15 = arith.constant 0 : index
    %get3A_16 = vector.load %arg5[%get3A_14, %get3A_15] : memref<1000x128xf32, #tpu.memory_space<vmem>>, vector<1000x128xf32>
    %get3A_17 = arith.constant 0 : index
    %get3A_18 = arith.constant 0 : index
    %get3A_19 = vector.load %arg6[%get3A_17, %get3A_18] : memref<1000x128xf32, #tpu.memory_space<vmem>>, vector<1000x128xf32>
    %get3A_20 = arith.constant 0 : index
    %get3A_21 = arith.constant 0 : index
    %get3A_22 = vector.load %arg7[%get3A_20, %get3A_21] : memref<1000x128xf32, #tpu.memory_space<vmem>>, vector<1000x128xf32>
    %get3A_23 = arith.constant 0 : index
    %get3A_24 = arith.constant 0 : index
    %get3A_25 = vector.load %arg8[%get3A_23, %get3A_24] : memref<1000x128xf32, #tpu.memory_space<vmem>>, vector<1000x128xf32>
    %concatenate3A_26 = tpu.concatenate %get3A_16, %get3A_19, %get3A_22, %get3A_25 in 1 : vector<1000x128xf32>, vector<1000x128xf32>, vector<1000x128xf32>, vector<1000x128xf32> -> vector<1000x512xf32>
    %add3A = arith.addf %concatenate3A, %concatenate3A_26 : vector<1000x512xf32>
    %mul3A = vector.broadcast %get3A_1 : vector<1000x1xf32> to vector<1000x512xf32>
    %mul3A_27 = arith.mulf %mul3A, %add3A : vector<1000x512xf32>
    %get3A_28 = arith.constant 0 : index
    %get3A_29 = arith.constant 0 : index
    %get3A_30 = vector.load %arg10[%get3A_28, %get3A_29] : memref<1x512xf32, #tpu.memory_space<vmem>>, vector<1x512xf32>
    %add3A_31 = vector.broadcast %get3A_30 : vector<1x512xf32> to vector<1000x512xf32>
    %add3A_32 = arith.addf %mul3A_27, %add3A_31 : vector<1000x512xf32>
    %get3A_33 = arith.constant 0 : index
    %get3A_34 = arith.constant 0 : index
    %get3A_35 = vector.load %arg11[%get3A_33, %get3A_34] : memref<512x256xf32, #tpu.memory_space<vmem>>, vector<512x256xf32>
    %dot_general3A = arith.constant dense<0.000000e+00> : vector<1000x256xf32>
    %dot_general3A_36 = tpu.matmul %add3A_32, %get3A_35, %dot_general3A {dimension_numbers = #tpu.dot_dimension_numbers<[1], [0], [0], [1], [0, 0, 1, 1], [], []>, transpose_lhs_hint = false} : vector<1000x512xf32>, vector<512x256xf32>, vector<1000x256xf32> -> vector<1000x256xf32>
    %get3A_37 = arith.constant 0 : index
    %get3A_38 = arith.constant 0 : index
    %get3A_39 = vector.load %arg12[%get3A_37, %get3A_38] : memref<1x256xf32, #tpu.memory_space<vmem>>, vector<1x256xf32>
    %add3A_40 = vector.broadcast %get3A_39 : vector<1x256xf32> to vector<1000x256xf32>
    %add3A_41 = arith.addf %dot_general3A_36, %add3A_40 : vector<1000x256xf32>
    %ge3A = arith.constant 0.000000e+00 : f32
    %ge3A_42 = vector.broadcast %ge3A : f32 to vector<1000x256xf32>
    %ge3A_43 = arith.cmpf oge, %add3A_41, %ge3A_42 : vector<1000x256xf32>
    %mul3A_44 = arith.constant 1.000000e-01 : f32
    %mul3A_45 = vector.broadcast %mul3A_44 : f32 to vector<1000x256xf32>
    %mul3A_46 = arith.mulf %mul3A_45, %add3A_41 : vector<1000x256xf32>
    %select_n3A = arith.select %ge3A_43, %add3A_41, %mul3A_46 : vector<1000x256xi1>, vector<1000x256xf32>
    %get3A_47 = arith.constant 0 : index
    %get3A_48 = arith.constant 0 : index
    %get3A_49 = vector.load %arg13[%get3A_47, %get3A_48] : memref<256x256xf32, #tpu.memory_space<vmem>>, vector<256x256xf32>
    %dot_general3A_50 = arith.constant dense<0.000000e+00> : vector<1000x256xf32>
    %dot_general3A_51 = tpu.matmul %select_n3A, %get3A_49, %dot_general3A_50 {dimension_numbers = #tpu.dot_dimension_numbers<[1], [0], [0], [1], [0, 0, 1, 1], [], []>, transpose_lhs_hint = false} : vector<1000x256xf32>, vector<256x256xf32>, vector<1000x256xf32> -> vector<1000x256xf32>
    %get3A_52 = arith.constant 0 : index
    %get3A_53 = arith.constant 0 : index
    %get3A_54 = vector.load %arg14[%get3A_52, %get3A_53] : memref<1x256xf32, #tpu.memory_space<vmem>>, vector<1x256xf32>
    %add3A_55 = vector.broadcast %get3A_54 : vector<1x256xf32> to vector<1000x256xf32>
    %add3A_56 = arith.addf %dot_general3A_51, %add3A_55 : vector<1000x256xf32>
    %ge3A_57 = arith.constant 0.000000e+00 : f32
    %ge3A_58 = vector.broadcast %ge3A_57 : f32 to vector<1000x256xf32>
    %ge3A_59 = arith.cmpf oge, %add3A_56, %ge3A_58 : vector<1000x256xf32>
    %mul3A_60 = arith.constant 1.000000e-01 : f32
    %mul3A_61 = vector.broadcast %mul3A_60 : f32 to vector<1000x256xf32>
    %mul3A_62 = arith.mulf %mul3A_61, %add3A_56 : vector<1000x256xf32>
    %select_n3A_63 = arith.select %ge3A_59, %add3A_56, %mul3A_62 : vector<1000x256xi1>, vector<1000x256xf32>
    %get3A_64 = arith.constant 0 : index
    %get3A_65 = arith.constant 0 : index
    %get3A_66 = vector.load %arg15[%get3A_64, %get3A_65] : memref<256x256xf32, #tpu.memory_space<vmem>>, vector<256x256xf32>
    %dot_general3A_67 = arith.constant dense<0.000000e+00> : vector<1000x256xf32>
    %dot_general3A_68 = tpu.matmul %select_n3A_63, %get3A_66, %dot_general3A_67 {dimension_numbers = #tpu.dot_dimension_numbers<[1], [0], [0], [1], [0, 0, 1, 1], [], []>, transpose_lhs_hint = false} : vector<1000x256xf32>, vector<256x256xf32>, vector<1000x256xf32> -> vector<1000x256xf32>
    %get3A_69 = arith.constant 0 : index
    %get3A_70 = arith.constant 0 : index
    %get3A_71 = vector.load %arg16[%get3A_69, %get3A_70] : memref<1x256xf32, #tpu.memory_space<vmem>>, vector<1x256xf32>
    %add3A_72 = vector.broadcast %get3A_71 : vector<1x256xf32> to vector<1000x256xf32>
    %add3A_73 = arith.addf %dot_general3A_68, %add3A_72 : vector<1000x256xf32>
    %ge3A_74 = arith.constant 0.000000e+00 : f32
    %ge3A_75 = vector.broadcast %ge3A_74 : f32 to vector<1000x256xf32>
    %ge3A_76 = arith.cmpf oge, %add3A_73, %ge3A_75 : vector<1000x256xf32>
    %mul3A_77 = arith.constant 1.000000e-01 : f32
    %mul3A_78 = vector.broadcast %mul3A_77 : f32 to vector<1000x256xf32>
    %mul3A_79 = arith.mulf %mul3A_78, %add3A_73 : vector<1000x256xf32>
    %select_n3A_80 = arith.select %ge3A_76, %add3A_73, %mul3A_79 : vector<1000x256xi1>, vector<1000x256xf32>
    %get3A_81 = arith.constant 0 : index
    %get3A_82 = arith.constant 0 : index
    %get3A_83 = vector.load %arg17[%get3A_81, %get3A_82] : memref<256x1xf32, #tpu.memory_space<vmem>>, vector<256x1xf32>
    %dot_general3A_84 = arith.constant dense<0.000000e+00> : vector<1000x1xf32>
    %dot_general3A_85 = tpu.matmul %select_n3A_80, %get3A_83, %dot_general3A_84 {dimension_numbers = #tpu.dot_dimension_numbers<[1], [0], [0], [1], [0, 0, 1, 1], [], []>, transpose_lhs_hint = false} : vector<1000x256xf32>, vector<256x1xf32>, vector<1000x1xf32> -> vector<1000x1xf32>
    %get3A_86 = arith.constant 0 : index
    %get3A_87 = arith.constant 0 : index
    %get3A_88 = vector.load %arg18[%get3A_86, %get3A_87] : memref<1x1xf32, #tpu.memory_space<vmem>>, vector<1x1xf32>
    %add3A_89 = vector.broadcast %get3A_88 : vector<1x1xf32> to vector<1000x1xf32>
    %add3A_90 = arith.addf %dot_general3A_85, %add3A_89 : vector<1000x1xf32>
    %swap3A = arith.constant 0 : index
    %swap3A_91 = arith.constant 0 : index
    %swap3A_92 = vector.load %arg19[%swap3A, %swap3A_91] : memref<1000x1xf32, #tpu.memory_space<vmem>>, vector<1000x1xf32>
    tpu.vector_store %arg19[%swap3A, %swap3A_91], %add3A_90 {strides = array<i32>} : memref<1000x1xf32, #tpu.memory_space<vmem>>, vector<1000x1xf32>,
    return
  }
  func.func @transform_0(%arg0: i32) -> (i32, i32) {
    %add3A = arith.constant 0 : i32
    %add3A_0 = arith.addi %add3A, %arg0 : i32
    %c0_i32 = arith.constant 0 : i32
    %c0_i32_1 = arith.constant 0 : i32
    return %add3A_0, %c0_i32 : i32, i32
  }
  func.func @transform_1(%arg0: i32) -> (i32, i32) {
    %add3A = arith.constant 10 : i32
    %add3A_0 = arith.addi %add3A, %arg0 : i32
    %c0_i32 = arith.constant 0 : i32
    %c0_i32_1 = arith.constant 0 : i32
    return %add3A_0, %c0_i32 : i32, i32
  }
  func.func @transform_2(%arg0: i32) -> (i32, i32) {
    %add3A = arith.constant 20 : i32
    %add3A_0 = arith.addi %add3A, %arg0 : i32
    %c0_i32 = arith.constant 0 : i32
    %c0_i32_1 = arith.constant 0 : i32
    return %add3A_0, %c0_i32 : i32, i32
  }
  func.func @transform_3(%arg0: i32) -> (i32, i32) {
    %add3A = arith.constant 30 : i32
    %add3A_0 = arith.addi %add3A, %arg0 : i32
    %c0_i32 = arith.constant 0 : i32
    %c0_i32_1 = arith.constant 0 : i32
    return %add3A_0, %c0_i32 : i32, i32
  }
  func.func @transform_4(%arg0: i32) -> (i32, i32) {
    %add3A = arith.constant 0 : i32
    %add3A_0 = arith.addi %add3A, %arg0 : i32
    %c0_i32 = arith.constant 0 : i32
    %c0_i32_1 = arith.constant 0 : i32
    return %add3A_0, %c0_i32 : i32, i32
  }
  func.func @transform_5(%arg0: i32) -> (i32, i32) {
    %add3A = arith.constant 10 : i32
    %add3A_0 = arith.addi %add3A, %arg0 : i32
    %c0_i32 = arith.constant 0 : i32
    %c0_i32_1 = arith.constant 0 : i32
    return %add3A_0, %c0_i32 : i32, i32
  }
  func.func @transform_6(%arg0: i32) -> (i32, i32) {
    %add3A = arith.constant 20 : i32
    %add3A_0 = arith.addi %add3A, %arg0 : i32
    %c0_i32 = arith.constant 0 : i32
    %c0_i32_1 = arith.constant 0 : i32
    return %add3A_0, %c0_i32 : i32, i32
  }
  func.func @transform_7(%arg0: i32) -> (i32, i32) {
    %add3A = arith.constant 30 : i32
    %add3A_0 = arith.addi %add3A, %arg0 : i32
    %c0_i32 = arith.constant 0 : i32
    %c0_i32_1 = arith.constant 0 : i32
    return %add3A_0, %c0_i32 : i32, i32
  }
  func.func @transform_8(%arg0: i32) -> (i32, i32) {
    %c0_i32 = arith.constant 0 : i32
    %c0_i32_0 = arith.constant 0 : i32
    return %arg0, %c0_i32 : i32, i32
  }
  func.func @transform_9(%arg0: i32) -> (i32, i32) {
    %c0_i32 = arith.constant 0 : i32
    %c0_i32_0 = arith.constant 0 : i32
    %c0_i32_1 = arith.constant 0 : i32
    return %c0_i32, %c0_i32_0 : i32, i32
  }
  func.func @transform_10(%arg0: i32) -> (i32, i32) {
    %c0_i32 = arith.constant 0 : i32
    %c0_i32_0 = arith.constant 0 : i32
    %c0_i32_1 = arith.constant 0 : i32
    return %c0_i32, %c0_i32_0 : i32, i32
  }
  func.func @transform_11(%arg0: i32) -> (i32, i32) {
    %c0_i32 = arith.constant 0 : i32
    %c0_i32_0 = arith.constant 0 : i32
    %c0_i32_1 = arith.constant 0 : i32
    return %c0_i32, %c0_i32_0 : i32, i32
  }
  func.func @transform_12(%arg0: i32) -> (i32, i32) {
    %c0_i32 = arith.constant 0 : i32
    %c0_i32_0 = arith.constant 0 : i32
    %c0_i32_1 = arith.constant 0 : i32
    return %c0_i32, %c0_i32_0 : i32, i32
  }
  func.func @transform_13(%arg0: i32) -> (i32, i32) {
    %c0_i32 = arith.constant 0 : i32
    %c0_i32_0 = arith.constant 0 : i32
    %c0_i32_1 = arith.constant 0 : i32
    return %c0_i32, %c0_i32_0 : i32, i32
  }
  func.func @transform_14(%arg0: i32) -> (i32, i32) {
    %c0_i32 = arith.constant 0 : i32
    %c0_i32_0 = arith.constant 0 : i32
    %c0_i32_1 = arith.constant 0 : i32
    return %c0_i32, %c0_i32_0 : i32, i32
  }
  func.func @transform_15(%arg0: i32) -> (i32, i32) {
    %c0_i32 = arith.constant 0 : i32
    %c0_i32_0 = arith.constant 0 : i32
    %c0_i32_1 = arith.constant 0 : i32
    return %c0_i32, %c0_i32_0 : i32, i32
  }
  func.func @transform_16(%arg0: i32) -> (i32, i32) {
    %c0_i32 = arith.constant 0 : i32
    %c0_i32_0 = arith.constant 0 : i32
    %c0_i32_1 = arith.constant 0 : i32
    return %c0_i32, %c0_i32_0 : i32, i32
  }
  func.func @transform_17(%arg0: i32) -> (i32, i32) {
    %c0_i32 = arith.constant 0 : i32
    %c0_i32_0 = arith.constant 0 : i32
    %c0_i32_1 = arith.constant 0 : i32
    return %c0_i32, %c0_i32_0 : i32, i32
  }
  func.func @transform_18(%arg0: i32) -> (i32, i32) {
    %c0_i32 = arith.constant 0 : i32
    %c0_i32_0 = arith.constant 0 : i32
    return %arg0, %c0_i32 : i32, i32
  }
}

</mosaic_0001>

<sc_bundles>
// kernel: kernel.6.cloned.1.call-start
scs
__scs_entry_jumppad:
0x0: {  	(pc) =	sbr.rel $0x88, $3  }
0x1: {  	(tag) =	ssettag $0x0;
	lr =	simm.s32 $0x1  }
0x2: {  	[smem:$0x3F95] =	sst lr;
	_ =	strace $0xD0000000  }
0x3: {  	_ = 	snop  }
0x4: {  	_ = 	snop  }
0x5: {  	_ = 	snop  }
0x6: {  	_ = 	snop  }
0x7: {  	_ = 	snop  }
__scs_overlays_trampoline_lowered:
0x8: {  	[smem:$0x3FA4] =	sst s0  }
0x9: {  	[smem:$0x3FA5] =	sst s1  }
0xa: {  	[smem:$0x3FA6] =	sst s2  }
0xb: {  	[smem:$0x3FA7] =	sst s3  }
0xc: {  	[smem:$0x3FA8] =	sst s4  }
0xd: {  	[smem:$0x3FA9] =	sst s5  }
0xe: {  	[smem:$0x3FAA] =	sst s6  }
0xf: {  	[smem:$0x3FAB] =	sst s7  }
0x10: {  	[smem:$0x3FAC] =	sst s8  }
0x11: {  	[smem:$0x3FAD] =	sst s9;
	s0 =	simm.s32 @!p0 $0x0  }
0x12: {  	s1 =	sld [smem:$0x3F93];
	s0 =	simm.s32 @p0 $0x1  }
0x13: {  	[smem:$0x3FAE] =	sst s0;
	s0 =	simm.s32 @!p1 $0x0  }
0x14: {  	s2 =	sld [smem:$0x3F92];
	s0 =	simm.s32 @p1 $0x1  }
0x15: {  	[smem:$0x3FAF] =	sst s0;
	s0 =	simm.s32 @!p2 $0x0  }
0x16: {  	s3 =	sld [smem:$0x3FDB];
	s0 =	simm.s32 @p2 $0x1  }
0x17: {  	s4 =	simm.s32 $0x1BF5;
	[smem:$0x3FB1] =	sst s0  }
0x18: {  	s0 =	sld [smem:$0x3F94];
	_ =	swait.ge [sflag:s4], $0x0  }
0x19: {  	s7 =	sld [smem:$0x3F95]  }
0x1a: {  	s8 =	sadd.s32 $0xFFFFE003, lr  }
0x1b: {  	s9 =	sadd.s32 $0xFFFFFEF7, lr;
	s5 =	simm.s32 $0xFFFFFFFF;
	p2 =	slt.u32 s8, $0xFFFFF086  }
0x1c: {  	p1 =	slt.u32 s9, $0xF7A;
	s5 =	simm.s32 @!p2 $0x0  }
0x1d: {  	s5 =	simm.s32 @p1 $0x1;
	p0 =	seq.s32 s7, s2  }
0x1e: {  	s7 =	smul.u32 @!p0 $0xF7A, s2;
	p2 =	seq.s32 @!p0 s5, $0x0  }
0x1f: {  	s9 =	smul.u32 $0xF7A, s1;
	s8 =	simm.s32 @!p0 $0x1BF5;
	p2 =	por !p2, p0  }
0x20: {  	[sflag:s8] =	ssyncset.s32 @!p0 $0xFFFFF086;
	s6 =	sadd.s32 @!p0 s3, s7;
	s7 =	simm.s32 @!p0 $0x108  }
0x21: {  	s3 =	sadd.s32 s3, s9;
	s6 =	sadd.s32 @!p0 $0x88, s6;
	s7 =	simm.s32 @p2 $0x1082  }
0x22: {  	[simem:s7], [sflag:s8] =	dma.local @!p0 [hbm:s6], $0xF7A  }
0x23: {  	s9 =	sor.u32 $0xD0000000, s2;
	s6 =	simm.s32 $0x108;
	_ =	swait.ge @!p0 [sflag:s8], $0x0  }
0x24: {  	s3 =	sadd.s32 $0x88, s3;
	s6 =	simm.s32 @!p1 $0x1082;
	[sflag:s4] =	ssyncset.s32 $0xFFFFF086  }
0x25: {  	[simem:s6], [sflag:s4] =	dma.local [hbm:s3], $0xF7A  }
0x26: {  	[smem:$0x3F95] =	sst s1;
	(tag) =	ssettag s2;
	_ =	strace s9  }
0x27: {  	s1 =	sld [smem:$0x3FA5]  }
0x28: {  	s2 =	sld [smem:$0x3FA6]  }
0x29: {  	s4 =	sld [smem:$0x3FA8]  }
0x2a: {  	p0 =	seq.s32 s5, $0x0;
	s5 =	sld [smem:$0x3FA9]  }
0x2b: {  	s6 =	sld [smem:$0x3FAA]  }
0x2c: {  	s7 =	sld [smem:$0x3FAB]  }
0x2d: {  	s3 =	simm.s32 $0x108;
	s8 =	sld [smem:$0x3FAC]  }
0x2e: {  	s3 =	simm.s32 @!p0 $0x1082;
	s9 =	sld [smem:$0x3FAD]  }
0x2f: {  	lr =	sadd.s32 s0, s3;
	s0 =	sld [smem:$0x3FA4]  }
0x30: {  	s3 =	sld [smem:$0x3FA7]  }
0x31: {  	[smem:$0x3FB0] =	sst s10  }
0x32: {  	s10 =	sld [smem:$0x3FAE];
	_ =	sdelay $0x3  }
0x33: {  	p0 =	seq.s32 s10, $0x1;
	s10 =	sld [smem:$0x3FB0];
	_ =	sdelay $0x3  }
0x34: {  	[smem:$0x3FB0] =	sst s10  }
0x35: {  	s10 =	sld [smem:$0x3FAF];
	_ =	sdelay $0x3  }
0x36: {  	p1 =	seq.s32 s10, $0x1;
	s10 =	sld [smem:$0x3FB0];
	_ =	sdelay $0x3  }
0x37: {  	[smem:$0x3FB0] =	sst s10  }
0x38: {  	s10 =	sld [smem:$0x3FB1]  }
0x39: {  	_ = 	snop;
	(pc) =	sbr.ind lr, $3  }
0x3a: {  	_ = 	snop  }
0x3b: {  	_ = 	snop  }
0x3c: {  	p2 =	seq.s32 s10, $0x1;
	s10 =	sld [smem:$0x3FB0]  }
0x3d: {  	_ =	shalt  }
0x3e: {  	_ =	shalt  }
0x3f: {  	_ =	shalt  }
0x40: {  	_ =	shalt  }
0x41: {  	_ =	shalt  }
0x42: {  	_ =	shalt  }
0x43: {  	_ =	shalt  }
0x44: {  	_ =	shalt  }
0x45: {  	_ =	shalt  }
0x46: {  	_ =	shalt  }
0x47: {  	_ =	shalt  }
0x48: {  	_ =	shalt  }
0x49: {  	_ =	shalt  }
0x4a: {  	_ =	shalt  }
0x4b: {  	_ =	shalt  }
0x4c: {  	_ =	shalt  }
0x4d: {  	_ =	shalt  }
0x4e: {  	_ =	shalt  }
0x4f: {  	_ =	shalt  }
0x50: {  	_ =	shalt  }
0x51: {  	_ =	shalt  }
0x52: {  	_ =	shalt  }
0x53: {  	_ =	shalt  }
0x54: {  	_ =	shalt  }
0x55: {  	_ =	shalt  }
0x56: {  	_ =	shalt  }
0x57: {  	_ =	shalt  }
0x58: {  	_ =	shalt  }
0x59: {  	_ =	shalt  }
0x5a: {  	_ =	shalt  }
0x5b: {  	_ =	shalt  }
0x5c: {  	_ =	shalt  }
0x5d: {  	_ =	shalt  }
0x5e: {  	_ =	shalt  }
0x5f: {  	_ =	shalt  }
0x60: {  	_ =	shalt  }
0x61: {  	_ =	shalt  }
0x62: {  	_ =	shalt  }
0x63: {  	_ =	shalt  }
0x64: {  	_ =	shalt  }
0x65: {  	_ =	shalt  }
0x66: {  	_ =	shalt  }
0x67: {  	_ =	shalt  }
0x68: {  	_ =	shalt  }
0x69: {  	_ =	shalt  }
0x6a: {  	_ =	shalt  }
0x6b: {  	_ =	shalt  }
0x6c: {  	_ =	shalt  }
0x6d: {  	_ =	shalt  }
0x6e: {  	_ =	shalt  }
0x6f: {  	_ =	shalt  }
0x70: {  	_ =	shalt  }
0x71: {  	_ =	shalt  }
0x72: {  	_ =	shalt  }
0x73: {  	_ =	shalt  }
0x74: {  	_ =	shalt  }
0x75: {  	_ =	shalt  }
0x76: {  	_ =	shalt  }
0x77: {  	_ =	shalt  }
0x78: {  	_ =	shalt  }
0x79: {  	_ =	shalt  }
0x7a: {  	_ =	shalt  }
0x7b: {  	_ =	shalt  }
0x7c: {  	_ =	shalt  }
0x7d: {  	_ =	shalt  }
0x7e: {  	_ =	shalt  }
0x7f: {  	_ =	shalt  }
0x80: {  	_ =	shalt  }
0x81: {  	_ =	shalt  }
0x82: {  	_ =	shalt  }
0x83: {  	_ =	shalt  }
0x84: {  	_ =	shalt  }
0x85: {  	_ =	shalt  }
0x86: {  	_ =	shalt  }
0x87: {  	_ =	shalt  }
.Lfunc_end0:
.L_simem_size_0:
called_computation_lowered:
.L_overlay_start_0:
0x88: {  	s2 =	sld [smem:$0x3FD9]  }
0x89: {  	s3 =	sld [smem:$0x3FFE];
	_ =	sdelay $0x1  }
0x8a: {  	s1 =	srdreg.scid  }
0x8b: {  	s0 =	sand.u32 $0x1, s1  }
0x8c: {  	s16 =	sshll.u32 s0, $0xA;
	s2 =	sadd.s32 s3, s2  }
0x8d: {  	s2 =	sadd.s32 s2, s16  }
0x8e: {  	[smem:$0x3FBC] =	sst s2  }
0x8f: {  	_ = 	snop  }
0x90: {  	(tm) =	ssettm $0x1  }
0x91: {  	s17 =	sld [smem:$0x3FFB];
	_ =	sdelay $0x3  }
0x92: {  	_ =	strace s17  }
0x93: {  	s2 =	sld [smem:$0x3FFC];
	_ =	sdelay $0x3  }
0x94: {  	_ =	strace s2  }
0x95: {  	s2 =	sld [smem:$0x3FFD];
	_ =	sdelay $0x3  }
0x96: {  	_ =	strace s2  }
0x97: {  	_ =	strace $0x8FFFFFFF  }
0x98: {  	s18 =	sld [smem:$0x3FDB];
	_ =	sdelay $0x1  }
0x99: {  	s19 =	simm.s32 $_scs_section_size  }
0x9a: {  	s4 =	simm.s32 $_size__tile_overlayer_lowered;
	s5 =	simm.s32 $_tile_overlayer_lowered  }
0x9b: {  	s22 =	simm.s32 $0x1BFF;
	s21 =	sshll.u32 s5, $0x1;
	s2 =	sadd.s32 s19, s18  }
0x9c: {  	s6 =	simm.s32 $0x0;
	s20 =	sshll.u32 s4, $0x1;
	s4 =	sadd.s32 s21, s2  }
0x9d: {  	[timem:s6], [sflag:s22] =	dma.local [hbm:s4], s20  }
0x9e: {  	_ =	swait.ge [sflag:s22], s20  }
0x9f: {  	s3 =	ssub.s32 $0x0, s20;
	[sflag:s22] =	ssyncset.done $0x0  }
0xa0: {  	[sflag:s22] =	ssyncadd.s32 s3;
	_ =	sdelay $0x1  }
0xa1: {  	s23 =	simm.s32 $0x1B8B  }
0xa2: {  	_ =	swait.ge [sflag:s23], $0x1  }
0xa3: {  	[sflag:s23] =	ssyncset.done $0x0  }
0xa4: {  	s25 =	simm.s32 $0x1B8E;
	s24 =	sld [smem:$0x3FFE];
	[sflag:s23] =	ssyncadd.s32 $0xFFFFFFFF  }
0xa5: {  	s26 =	simm.s32 $execute0_lowered;
	[smem:$0x3FD2] =	sst s25  }
0xa6: {  	s4 =	sshll.u32 s26, $0x1;
	_ =	strace $0x80000046;
	[dreg:$0x1] =	wrdreg $0xFFFFFFFF  }
0xa7: {  	s28 =	simm.s32 $_size_execute0_lowered;
	s2 =	sadd.s32 s2, s4;
	[dreg:$0x0] =	wrdreg $0x0  }
0xa8: {  	s4 =	sshll.u32 s28, $0x1;
	[dreg:$0x2] =	wrdreg s2  }
0xa9: {  	[dreg:$0x3] =	wrdreg s4  }
0xaa: {  	[dreg:$0x4] =	wrdreg $0xC0  }
0xab: {  	_ =	task [dreg:s6], $0x5FFFF  }
0xac: {  	[dreg:$0x1] =	wrdreg $0xFFFFFFFF  }
0xad: {  	[dreg:$0x0] =	wrdreg $0x60  }
0xae: {  	[dreg:$0x2] =	wrdreg s24  }
0xaf: {  	[dreg:$0x3] =	wrdreg $0x4F000  }
0xb0: {  	[dreg:$0x4] =	wrdreg $0x9  }
0xb1: {  	_ =	task.clear_ibuf [dreg:s6], $0x5FFFF;
	_ =	strace $0x90000046  }
0xb2: {  	s29 =	simm.s32 $0x9;
	_ =	strace $0x80000048  }
0xb3: {  	_ =	swait.ge [sflag:s29], $0x1  }
0xb4: {  	[sflag:s29] =	ssyncadd.s32 $0xFFFFFFFF  }
0xb5: {  	_ =	strace $0x90000048  }
0xb6: {  	_ =	sfence  }
0xb7: {  	s30 =	sld [smem:$0x0];
	_ =	sdelay $0x2  }
0xb8: {  	s31 =	sshll.u32 s1, $0xD;
	s1 =	sshrl.u32 s1, $0x2  }
0xb9: {  	s3 =	sand.u32 $0x4000, s31;
	s1 =	sadd.s32 s1, s30  }
0xba: {  	s0 =	sor.u32 s3, s0;
	s1 =	sshll.u32 s1, $0x11  }
0xbb: {  	s0 =	sor.u32 s1, s0  }
0xbc: {  	s0 =	sadd.s32 $0x8F2B, s0  }
0xbd: {  	[sflag:s0] =	ssyncadd.remote.s32 $0x1  }
0xbe: {  	_ =	sfence.sel $0xFFFF  }
0xbf: {  	[dreg:$0x0] =	wrdreg $0xFFFFFFFF;
	(pc) =	sbr.abs _section_cstart, $3  }
0xc0: {  	[dreg:$0x1] =	wrdreg $0xFFFFFFFF  }
0xc1: {  	_ =	task.clear_ibuf [dreg:s6], $0x2FFFF;
	_ =	strace $0x9FFFFFFF  }
0xc2: {  	(tm) =	ssettm $0x7FFFFFFF  }
0xc3: {  	_ =	shalt  }
tec
execute0_lowered:
.L_overlay_start_1:
0x0: {  	(tag) =	ssettag $0x1  }
0x1: {  	s0 =	srdreg.scid  }
0x2: {  	s15 =	sand.u32 $0x1, s0  }
0x3: {  	s7 =	stileid.u32;
	s18 =	sshll.u32 s15, $0x4  }
0x4: {  	s30 =	sor.u32 s7, s18  }
0x5: {  	s19 =	rddreg [dreg:$0x0];
	s3 =	smul.u32 $0x4E2, s30  }
0x6: {  	s1 =	rddreg [dreg:$0x1];
	s2 =	simm.s32 $0x0  }
0x7: {  	s4 =	simm.s32 $0x1;
	[smem:$0x7FF] =	sst s2;
	s3 =	sadd.s32 s3, s19  }
0x8: {  	s0 =	rddreg [dreg:$0x2];
	_ =	strace $0x80000047;
	s3 =	sadd.s32 $0x1E00, s3  }
0x9: {  	[tilespmem:s2], [sflag:$0x1] =	stream.linear.gather [hbm4b:s3+s2], $0x2710, $0x38;
	[tilespmem:$0x5178] =	vst v63  }
0xa: {  	_ =	swait.ge [sflag:s4], $0x2710  }
0xb: {  	[sflag:s4] =	ssyncset.done $0x0  }
0xc: {  	s6 =	simm.s32 $0x2780;
	s5 =	sadd.s32 $0xC200, s19;
	[sflag:s4] =	ssyncadd.s32 $0xFFFFD8F0  }
0xd: {  	[tilespmem:s6], [sflag:$0x1] =	stream.linear.gather [hbm4b:s5+s2], $0x2780, $0x38;
	[tilespmem:$0x5178] =	vst v63  }
0xe: {  	_ =	swait.ge [sflag:s4], $0x2780  }
0xf: {  	p0 =	sne.s32 s7, $0x0;
	[sflag:s4] =	ssyncset.done $0x0  }
0x10: {  	s8 =	simm.s32 @p0 $0x1;
	s9 =	simm.s32 @p0 $0x2710;
	[sflag:s4] =	ssyncadd.s32 $0xFFFFD880  }
0x11: {  	s10 =	simm.s32 @p0 $0x0;
	s7 =	simm.s32 @p0 $0x2780;
	[bflag:$0x0] =	sbarrier.arrive @p0 $0xFFFF  }
0x12: {  	[spmem:s1] =	stream.indirect.scatter.add.f32 @p0 [tilespmem:s7], [sflag:$0x1], $0x1, s10, s9, $0xb8;
	[tilespmem:$0x5178] =	vst v63  }
0x13: {  	_ =	swait.ge @p0 [sflag:s8], $0x2710  }
0x14: {  	[sflag:s8] =	ssyncset.done @p0 $0x0  }
0x15: {  	s11 =	sadd.s32 $0xBC00, s19;
	s13 =	sshrl.u32 @!p0 s1, $0x3;
	[sflag:s8] =	ssyncadd.s32 @p0 $0xFFFFD8F0  }
0x16: {  	s14 =	simm.s32 @!p0 $0x1C01;
	s12 =	simm.s32 @!p0 $0x1;
	[bflag:$0x0] =	sbarrier.arrive @p0 $0xFFFF  }
0x17: {  	[spmem:s13], [sflag:s14] =	dma.local @!p0 [hbm:s11], $0x4F0  }
0x18: {  	s20 =	ssub.s32 $0x2, s15;
	_ =	swait.ge @!p0 [sflag:s12], $0x4F0  }
0x19: {  	s15 =	simm.s32 @!p0 $0x2780;
	s21 =	sshrl.u32 s20, $0x1;
	[sflag:s12] =	ssyncset.done @!p0 $0x0  }
0x1a: {  	s16 =	simm.s32 @!p0 $0x2710;
	s20 =	ssub.s32 s20, s21;
	[sflag:s12] =	ssyncadd.s32 @!p0 $0xFFFFFB10  }
0x1b: {  	s17 =	simm.s32 @!p0 $0x0;
	s31 =	smax.u32 s20, $0x1;
	[bflag:$0x0] =	sbarrier.arrive @!p0 $0xFFFF  }
0x1c: {  	[spmem:s1] =	stream.indirect.scatter.add.f32 @!p0 [tilespmem:s15], [sflag:$0x1], $0x1, s17, s16, $0xb8;
	[tilespmem:$0x5178] =	vst v63  }
0x1d: {  	s18 =	sadd.s32 s18, s19;
	s19 =	sadd.s32 $0xFFFFFFFF, s31;
	_ =	swait.ge @!p0 [sflag:s12], $0x2710  }
0x1e: {  	p1 =	sne.s32 s19, $0x0;
	[sflag:s12] =	ssyncset.done @!p0 $0x0  }
.Ltmp0:
0x1f: {  	s18 =	sadd.s32 $0xC800, s18;
	[sflag:s12] =	ssyncadd.s32 @!p0 $0xFFFFD8F0;
	(pc) =	sbr.rel @!p1 .LBB2_2-.Ltmp0, $4  }
0x20: {  	s21 =	simm.s32 @!p0 $0x10;
	s20 =	simm.s32 @!p0 $0x20;
	[bflag:$0x0] =	sbarrier.arrive @!p0 $0xFFFF  }
0x21: {  	[hbm:s18@s20], [sflag:s14] =	dma.strided @!p0 [spmem:s13@s21], $0x4F0, s12, $0x10   }
0x22: {  	_ =	swait.ge @!p0 [sflag:s12], $0x4F0  }
0x23: {  	[sflag:s12] =	ssyncset.done @!p0 $0x0  }
.LBB2_1:
0x24: {  	s19 =	sadd.s32 $0xFFFFFFFF, s19;
	[sflag:s12] =	ssyncadd.s32 @!p0 $0xFFFFFB10  }
0x25: {  	[tilespmem:s2], [sflag:$0x1] =	stream.linear.gather [hbm4b:s3+s2], $0x2710, $0x38;
	[tilespmem:$0x5178] =	vst v63  }
0x26: {  	p1 =	sne.s32 s19, $0x0;
	_ =	swait.ge [sflag:s4], $0x2710  }
0x27: {  	[sflag:s4] =	ssyncset.done $0x0  }
0x28: {  	[sflag:s4] =	ssyncadd.s32 $0xFFFFD8F0  }
0x29: {  	[tilespmem:s6], [sflag:$0x1] =	stream.linear.gather [hbm4b:s5+s2], $0x2780, $0x38;
	[tilespmem:$0x5178] =	vst v63  }
0x2a: {  	_ =	swait.ge [sflag:s4], $0x2780  }
0x2b: {  	[sflag:s4] =	ssyncset.done $0x0  }
0x2c: {  	[sflag:s4] =	ssyncadd.s32 $0xFFFFD880  }
0x2d: {  	[bflag:$0x0] =	sbarrier.arrive @p0 $0xFFFF  }
0x2e: {  	[spmem:s1] =	stream.indirect.scatter.add.f32 @p0 [tilespmem:s7], [sflag:$0x1], $0x1, s10, s9, $0xb8;
	[tilespmem:$0x5178] =	vst v63  }
0x2f: {  	_ =	swait.ge @p0 [sflag:s8], $0x2710  }
0x30: {  	[sflag:s8] =	ssyncset.done @p0 $0x0  }
0x31: {  	[sflag:s8] =	ssyncadd.s32 @p0 $0xFFFFD8F0  }
0x32: {  	[bflag:$0x0] =	sbarrier.arrive @p0 $0xFFFF  }
0x33: {  	[spmem:s13], [sflag:s14] =	dma.local @!p0 [hbm:s11], $0x4F0  }
0x34: {  	_ =	swait.ge @!p0 [sflag:s12], $0x4F0  }
0x35: {  	[sflag:s12] =	ssyncset.done @!p0 $0x0  }
0x36: {  	[sflag:s12] =	ssyncadd.s32 @!p0 $0xFFFFFB10  }
0x37: {  	[bflag:$0x0] =	sbarrier.arrive @!p0 $0xFFFF  }
0x38: {  	[spmem:s1] =	stream.indirect.scatter.add.f32 @!p0 [tilespmem:s15], [sflag:$0x1], $0x1, s17, s16, $0xb8;
	[tilespmem:$0x5178] =	vst v63  }
0x39: {  	_ =	swait.ge @!p0 [sflag:s12], $0x2710  }
0x3a: {  	[sflag:s12] =	ssyncset.done @!p0 $0x0  }
.Ltmp1:
0x3b: {  	[sflag:s12] =	ssyncadd.s32 @!p0 $0xFFFFD8F0;
	(pc) =	sbr.rel @p1 .LBB2_1-.Ltmp1, $4  }
0x3c: {  	[bflag:$0x0] =	sbarrier.arrive @!p0 $0xFFFF  }
0x3d: {  	[hbm:s18@s20], [sflag:s14] =	dma.strided @!p0 [spmem:s13@s21], $0x4F0, s12, $0x10   }
0x3e: {  	_ =	swait.ge @!p0 [sflag:s12], $0x4F0  }
0x3f: {  	[sflag:s12] =	ssyncset.done @!p0 $0x0  }
.LBB2_2:
0x40: {  	[sflag:s12] =	ssyncadd.s32 @!p0 $0xFFFFFB10  }
0x41: {  	_ =	sfence.sel $0x180000  }
0x42: {  	[bflag:$0x0] =	sbarrier.arrive $0xFFFF  }
0x43: {  	_ =	strace $0x90000047  }
0x44: {  	s0 =	sadd.s32 @!p0 $0x100000, s0;
	[bflag:$0x2] =	sbarrier.arrive $0xFFFF  }
0x45: {  	[sflag:s0] =	ssyncadd.tile.s32 @!p0 $0x1;
	_ =	shalt  }
.Lfunc_end2:
_tile_overlayer_lowered:
.L_overlay_start_2:
0x46: {  	(tag) =	ssettag $0x2  }
0x47: {  	s0 =	rddreg [dreg:$0x0];
	s2 =	stileid.u32  }
0x48: {  	s1 =	rddreg [dreg:$0x1];
	p0 =	sne.s32 s2, $0x0  }
0x49: {  	s3 =	rddreg [dreg:$0x2];
	[bflag:$0x3] =	sbarrier.arrive $0xFFFF;
	s2 =	simm.s32 @!p0 $0x1C01  }
0x4a: {  	[timem:s3], [sflag:s2] =	dma.local @!p0 [hbm:s0], s1  }
0x4b: {  	s0 =	simm.s32 @!p0 $0x1  }
0x4c: {  	_ =	swait.ge @!p0 [sflag:s0], s1  }
0x4d: {  	s1 =	ssub.s32 @!p0 $0x0, s1;
	[sflag:s0] =	ssyncset.done @!p0 $0x0  }
0x4e: {  	[sflag:s0] =	ssyncadd.s32 @!p0 s1  }
0x4f: {  	[bflag:$0x3] =	sbarrier.arrive $0xFFFF  }
0x50: {  	_ =	shalt  }

// kernel: kernel.9.cloned.1.call-start
scs
__scs_entry_jumppad:
0x0: {  	(pc) =	sbr.rel $0x88, $3  }
0x1: {  	(tag) =	ssettag $0x0;
	lr =	simm.s32 $0x1  }
0x2: {  	[smem:$0x3F95] =	sst lr;
	_ =	strace $0xD0000000  }
0x3: {  	_ = 	snop  }
0x4: {  	_ = 	snop  }
0x5: {  	_ = 	snop  }
0x6: {  	_ = 	snop  }
0x7: {  	_ = 	snop  }
__scs_overlays_trampoline_lowered:
0x8: {  	[smem:$0x3FA4] =	sst s0  }
0x9: {  	[smem:$0x3FA5] =	sst s1  }
0xa: {  	[smem:$0x3FA6] =	sst s2  }
0xb: {  	[smem:$0x3FA7] =	sst s3  }
0xc: {  	[smem:$0x3FA8] =	sst s4  }
0xd: {  	[smem:$0x3FA9] =	sst s5  }
0xe: {  	[smem:$0x3FAA] =	sst s6  }
0xf: {  	[smem:$0x3FAB] =	sst s7  }
0x10: {  	[smem:$0x3FAC] =	sst s8  }
0x11: {  	[smem:$0x3FAD] =	sst s9;
	s0 =	simm.s32 @!p0 $0x0  }
0x12: {  	s1 =	sld [smem:$0x3F93];
	s0 =	simm.s32 @p0 $0x1  }
0x13: {  	[smem:$0x3FAE] =	sst s0;
	s0 =	simm.s32 @!p1 $0x0  }
0x14: {  	s2 =	sld [smem:$0x3F92];
	s0 =	simm.s32 @p1 $0x1  }
0x15: {  	[smem:$0x3FAF] =	sst s0;
	s0 =	simm.s32 @!p2 $0x0  }
0x16: {  	s3 =	sld [smem:$0x3FDB];
	s0 =	simm.s32 @p2 $0x1  }
0x17: {  	s4 =	simm.s32 $0x1BF5;
	[smem:$0x3FB1] =	sst s0  }
0x18: {  	s0 =	sld [smem:$0x3F94];
	_ =	swait.ge [sflag:s4], $0x0  }
0x19: {  	s7 =	sld [smem:$0x3F95]  }
0x1a: {  	s8 =	sadd.s32 $0xFFFFE003, lr  }
0x1b: {  	s9 =	sadd.s32 $0xFFFFFEF7, lr;
	s5 =	simm.s32 $0xFFFFFFFF;
	p2 =	slt.u32 s8, $0xFFFFF086  }
0x1c: {  	p1 =	slt.u32 s9, $0xF7A;
	s5 =	simm.s32 @!p2 $0x0  }
0x1d: {  	s5 =	simm.s32 @p1 $0x1;
	p0 =	seq.s32 s7, s2  }
0x1e: {  	s7 =	smul.u32 @!p0 $0xF7A, s2;
	p2 =	seq.s32 @!p0 s5, $0x0  }
0x1f: {  	s9 =	smul.u32 $0xF7A, s1;
	s8 =	simm.s32 @!p0 $0x1BF5;
	p2 =	por !p2, p0  }
0x20: {  	[sflag:s8] =	ssyncset.s32 @!p0 $0xFFFFF086;
	s6 =	sadd.s32 @!p0 s3, s7;
	s7 =	simm.s32 @!p0 $0x108  }
0x21: {  	s3 =	sadd.s32 s3, s9;
	s6 =	sadd.s32 @!p0 $0x88, s6;
	s7 =	simm.s32 @p2 $0x1082  }
0x22: {  	[simem:s7], [sflag:s8] =	dma.local @!p0 [hbm:s6], $0xF7A  }
0x23: {  	s9 =	sor.u32 $0xD0000000, s2;
	s6 =	simm.s32 $0x108;
	_ =	swait.ge @!p0 [sflag:s8], $0x0  }
0x24: {  	s3 =	sadd.s32 $0x88, s3;
	s6 =	simm.s32 @!p1 $0x1082;
	[sflag:s4] =	ssyncset.s32 $0xFFFFF086  }
0x25: {  	[simem:s6], [sflag:s4] =	dma.local [hbm:s3], $0xF7A  }
0x26: {  	[smem:$0x3F95] =	sst s1;
	(tag) =	ssettag s2;
	_ =	strace s9  }
0x27: {  	s1 =	sld [smem:$0x3FA5]  }
0x28: {  	s2 =	sld [smem:$0x3FA6]  }
0x29: {  	s4 =	sld [smem:$0x3FA8]  }
0x2a: {  	p0 =	seq.s32 s5, $0x0;
	s5 =	sld [smem:$0x3FA9]  }
0x2b: {  	s6 =	sld [smem:$0x3FAA]  }
0x2c: {  	s7 =	sld [smem:$0x3FAB]  }
0x2d: {  	s3 =	simm.s32 $0x108;
	s8 =	sld [smem:$0x3FAC]  }
0x2e: {  	s3 =	simm.s32 @!p0 $0x1082;
	s9 =	sld [smem:$0x3FAD]  }
0x2f: {  	lr =	sadd.s32 s0, s3;
	s0 =	sld [smem:$0x3FA4]  }
0x30: {  	s3 =	sld [smem:$0x3FA7]  }
0x31: {  	[smem:$0x3FB0] =	sst s10  }
0x32: {  	s10 =	sld [smem:$0x3FAE];
	_ =	sdelay $0x3  }
0x33: {  	p0 =	seq.s32 s10, $0x1;
	s10 =	sld [smem:$0x3FB0];
	_ =	sdelay $0x3  }
0x34: {  	[smem:$0x3FB0] =	sst s10  }
0x35: {  	s10 =	sld [smem:$0x3FAF];
	_ =	sdelay $0x3  }
0x36: {  	p1 =	seq.s32 s10, $0x1;
	s10 =	sld [smem:$0x3FB0];
	_ =	sdelay $0x3  }
0x37: {  	[smem:$0x3FB0] =	sst s10  }
0x38: {  	s10 =	sld [smem:$0x3FB1]  }
0x39: {  	_ = 	snop;
	(pc) =	sbr.ind lr, $3  }
0x3a: {  	_ = 	snop  }
0x3b: {  	_ = 	snop  }
0x3c: {  	p2 =	seq.s32 s10, $0x1;
	s10 =	sld [smem:$0x3FB0]  }
0x3d: {  	_ =	shalt  }
0x3e: {  	_ =	shalt  }
0x3f: {  	_ =	shalt  }
0x40: {  	_ =	shalt  }
0x41: {  	_ =	shalt  }
0x42: {  	_ =	shalt  }
0x43: {  	_ =	shalt  }
0x44: {  	_ =	shalt  }
0x45: {  	_ =	shalt  }
0x46: {  	_ =	shalt  }
0x47: {  	_ =	shalt  }
0x48: {  	_ =	shalt  }
0x49: {  	_ =	shalt  }
0x4a: {  	_ =	shalt  }
0x4b: {  	_ =	shalt  }
0x4c: {  	_ =	shalt  }
0x4d: {  	_ =	shalt  }
0x4e: {  	_ =	shalt  }
0x4f: {  	_ =	shalt  }
0x50: {  	_ =	shalt  }
0x51: {  	_ =	shalt  }
0x52: {  	_ =	shalt  }
0x53: {  	_ =	shalt  }
0x54: {  	_ =	shalt  }
0x55: {  	_ =	shalt  }
0x56: {  	_ =	shalt  }
0x57: {  	_ =	shalt  }
0x58: {  	_ =	shalt  }
0x59: {  	_ =	shalt  }
0x5a: {  	_ =	shalt  }
0x5b: {  	_ =	shalt  }
0x5c: {  	_ =	shalt  }
0x5d: {  	_ =	shalt  }
0x5e: {  	_ =	shalt  }
0x5f: {  	_ =	shalt  }
0x60: {  	_ =	shalt  }
0x61: {  	_ =	shalt  }
0x62: {  	_ =	shalt  }
0x63: {  	_ =	shalt  }
0x64: {  	_ =	shalt  }
0x65: {  	_ =	shalt  }
0x66: {  	_ =	shalt  }
0x67: {  	_ =	shalt  }
0x68: {  	_ =	shalt  }
0x69: {  	_ =	shalt  }
0x6a: {  	_ =	shalt  }
0x6b: {  	_ =	shalt  }
0x6c: {  	_ =	shalt  }
0x6d: {  	_ =	shalt  }
0x6e: {  	_ =	shalt  }
0x6f: {  	_ =	shalt  }
0x70: {  	_ =	shalt  }
0x71: {  	_ =	shalt  }
0x72: {  	_ =	shalt  }
0x73: {  	_ =	shalt  }
0x74: {  	_ =	shalt  }
0x75: {  	_ =	shalt  }
0x76: {  	_ =	shalt  }
0x77: {  	_ =	shalt  }
0x78: {  	_ =	shalt  }
0x79: {  	_ =	shalt  }
0x7a: {  	_ =	shalt  }
0x7b: {  	_ =	shalt  }
0x7c: {  	_ =	shalt  }
0x7d: {  	_ =	shalt  }
0x7e: {  	_ =	shalt  }
0x7f: {  	_ =	shalt  }
0x80: {  	_ =	shalt  }
0x81: {  	_ =	shalt  }
0x82: {  	_ =	shalt  }
0x83: {  	_ =	shalt  }
0x84: {  	_ =	shalt  }
0x85: {  	_ =	shalt  }
0x86: {  	_ =	shalt  }
0x87: {  	_ =	shalt  }
.Lfunc_end0:
.L_simem_size_0:
called_computation.1_lowered:
.L_overlay_start_0:
0x88: {  	s2 =	sld [smem:$0x3FD9]  }
0x89: {  	s3 =	sld [smem:$0x3FFE];
	_ =	sdelay $0x1  }
0x8a: {  	s1 =	srdreg.scid  }
0x8b: {  	s0 =	sand.u32 $0x1, s1  }
0x8c: {  	s16 =	sshll.u32 s0, $0xA;
	s2 =	sadd.s32 s3, s2  }
0x8d: {  	s2 =	sadd.s32 s2, s16  }
0x8e: {  	[smem:$0x3FBC] =	sst s2  }
0x8f: {  	_ = 	snop  }
0x90: {  	(tm) =	ssettm $0x1  }
0x91: {  	s17 =	sld [smem:$0x3FFB];
	_ =	sdelay $0x3  }
0x92: {  	_ =	strace s17  }
0x93: {  	s2 =	sld [smem:$0x3FFC];
	_ =	sdelay $0x3  }
0x94: {  	_ =	strace s2  }
0x95: {  	s2 =	sld [smem:$0x3FFD];
	_ =	sdelay $0x3  }
0x96: {  	_ =	strace s2  }
0x97: {  	_ =	strace $0x8FFFFFFF  }
0x98: {  	s18 =	sld [smem:$0x3FDB];
	_ =	sdelay $0x1  }
0x99: {  	s19 =	simm.s32 $_scs_section_size  }
0x9a: {  	s4 =	simm.s32 $_size__tile_overlayer_lowered;
	s5 =	simm.s32 $_tile_overlayer_lowered  }
0x9b: {  	s22 =	simm.s32 $0x1BFF;
	s21 =	sshll.u32 s5, $0x1;
	s2 =	sadd.s32 s19, s18  }
0x9c: {  	s6 =	simm.s32 $0x0;
	s20 =	sshll.u32 s4, $0x1;
	s4 =	sadd.s32 s21, s2  }
0x9d: {  	[timem:s6], [sflag:s22] =	dma.local [hbm:s4], s20  }
0x9e: {  	_ =	swait.ge [sflag:s22], s20  }
0x9f: {  	s3 =	ssub.s32 $0x0, s20;
	[sflag:s22] =	ssyncset.done $0x0  }
0xa0: {  	[sflag:s22] =	ssyncadd.s32 s3;
	_ =	sdelay $0x1  }
0xa1: {  	s23 =	simm.s32 $0x1B8B  }
0xa2: {  	_ =	swait.ge [sflag:s23], $0x1  }
0xa3: {  	[sflag:s23] =	ssyncset.done $0x0  }
0xa4: {  	s25 =	simm.s32 $0x1B8E;
	s24 =	sld [smem:$0x3FFE];
	[sflag:s23] =	ssyncadd.s32 $0xFFFFFFFF  }
0xa5: {  	s26 =	simm.s32 $execute0_lowered;
	[smem:$0x3FD2] =	sst s25  }
0xa6: {  	s4 =	sshll.u32 s26, $0x1;
	_ =	strace $0x80000049;
	[dreg:$0x1] =	wrdreg $0xFFFFFFFF  }
0xa7: {  	s28 =	simm.s32 $_size_execute0_lowered;
	s2 =	sadd.s32 s2, s4;
	[dreg:$0x0] =	wrdreg $0x0  }
0xa8: {  	s4 =	sshll.u32 s28, $0x1;
	[dreg:$0x2] =	wrdreg s2  }
0xa9: {  	[dreg:$0x3] =	wrdreg s4  }
0xaa: {  	[dreg:$0x4] =	wrdreg $0xC0  }
0xab: {  	_ =	task [dreg:s6], $0x5FFFF  }
0xac: {  	[dreg:$0x1] =	wrdreg $0xFFFFFFFF  }
0xad: {  	[dreg:$0x0] =	wrdreg $0x60  }
0xae: {  	[dreg:$0x2] =	wrdreg s24  }
0xaf: {  	[dreg:$0x3] =	wrdreg $0x90000  }
0xb0: {  	[dreg:$0x4] =	wrdreg $0x9  }
0xb1: {  	_ =	task.clear_ibuf [dreg:s6], $0x5FFFF;
	_ =	strace $0x90000049  }
0xb2: {  	s29 =	simm.s32 $0x9;
	_ =	strace $0x8000004B  }
0xb3: {  	_ =	swait.ge [sflag:s29], $0x1  }
0xb4: {  	[sflag:s29] =	ssyncadd.s32 $0xFFFFFFFF  }
0xb5: {  	_ =	strace $0x9000004B  }
0xb6: {  	_ =	sfence  }
0xb7: {  	s30 =	sld [smem:$0x0];
	_ =	sdelay $0x2  }
0xb8: {  	s31 =	sshll.u32 s1, $0xD;
	s1 =	sshrl.u32 s1, $0x2  }
0xb9: {  	s3 =	sand.u32 $0x4000, s31;
	s1 =	sadd.s32 s1, s30  }
0xba: {  	s0 =	sor.u32 s3, s0;
	s1 =	sshll.u32 s1, $0x11  }
0xbb: {  	s0 =	sor.u32 s1, s0  }
0xbc: {  	s0 =	sadd.s32 $0x8F2B, s0  }
0xbd: {  	[sflag:s0] =	ssyncadd.remote.s32 $0x1  }
0xbe: {  	_ =	sfence.sel $0xFFFF  }
0xbf: {  	[dreg:$0x0] =	wrdreg $0xFFFFFFFF;
	(pc) =	sbr.abs _section_cstart, $3  }
0xc0: {  	[dreg:$0x1] =	wrdreg $0xFFFFFFFF  }
0xc1: {  	_ =	task.clear_ibuf [dreg:s6], $0x2FFFF;
	_ =	strace $0x9FFFFFFF  }
0xc2: {  	(tm) =	ssettm $0x7FFFFFFF  }
0xc3: {  	_ =	shalt  }
tec
execute0_lowered:
.L_overlay_start_1:
0x0: {  	(tag) =	ssettag $0x1  }
0x1: {  	s0 =	rddreg [dreg:$0x0]  }
0x2: {  	s2 =	rddreg [dreg:$0x1]  }
0x3: {  	s1 =	simm.s32 $0x0;
	s10 =	stileid.u32;
	s25 =	srdreg.scid  }
0x4: {  	s28 =	simm.s32 $0x5000;
	s29 =	simm.s32 $0x2;
	s31 =	simm.s32 $0x3  }
0x5: {  	s30 =	simm.s32 $0x500;
	[smem:$0x7FF] =	sst s1;
	s3 =	smul.u32 $0x50000, s10  }
0x6: {  	s4 =	sadd.s32 $0x17200, s0;
	s1 =	sand.u32 $0x1, s25;
	s5 =	sadd.s32 $0xD200, s0  }
0x7: {  	s6 =	sadd.s32 $0x21200, s0;
	s0 =	sadd.s32 $0xBD600, s0;
	s18 =	sadd.s32 $0x12C000, s2  }
0x8: {  	s19 =	smul.u32 $0x280, s10;
	s20 =	sadd.s32 $0x130000, s2;
	s21 =	sadd.s32 $0x134000, s2  }
0x9: {  	s22 =	sadd.s32 $0x138000, s2;
	_ =	strace $0x8000004A;
	[dreg:$0x8] =	wrdreg s18  }
0xa: {  	s16 =	smul.u32 $0x5000, s10;
	p0 =	seq.s32 s10, $0xF;
	[dreg:$0x9] =	wrdreg s20  }
0xb: {  	s10 =	simm.s32 $0xF00;
	s15 =	smul.u32 $0x2710, s1;
	[dreg:$0xa] =	wrdreg s21  }
0xc: {  	s7 =	ssub.s32 $0x2, s1;
	s1 =	smul.u32 $0x138800, s1;
	[dreg:$0xb] =	wrdreg s22  }
0xd: {  	s22 =	simm.s32 $0x5;
	s18 =	simm.s32 $0xD80;
	s20 =	simm.s32 $0xE00  }
0xe: {  	s21 =	simm.s32 $0x680;
	s3 =	sshrl.u32 s3, $0x2;
	s8 =	sshrl.u32 s7, $0x1  }
0xf: {  	s9 =	sadd.s32 s3, s2;
	s26 =	ssub.s32 s7, s8;
	s11 =	sadd.s32 $0x4E20, s15  }
0x10: {  	s23 =	sadd.s32 s19, s15;
	s1 =	sshrl.u32 s1, $0x3;
	s3 =	simm.s32 $0xC80  }
0x11: {  	s12 =	sadd.s32 $0x4000, s9;
	s13 =	sadd.s32 $0x8000, s9;
	s14 =	sadd.s32 $0xC000, s9  }
0x12: {  	[dreg:$0x3] =	wrdreg s9;
	s17 =	sadd.s32 $0x10000, s9;
	s8 =	sadd.s32 s19, s11  }
0x13: {  	s9 =	sshll.u32 s23, $0x4;
	s1 =	sadd.s32 s0, s1;
	[dreg:$0x4] =	wrdreg s12  }
0x14: {  	s26 =	smax.u32 s26, $0x1;
	s23 =	simm.s32 $0x800;
	[dreg:$0x5] =	wrdreg s13  }
0x15: {  	s19 =	simm.s32 $0x600;
	v1 =	vmov s11;
	s11 =	simm.s32 $0x780;
	[dreg:$0x6] =	wrdreg s14  }
0x16: {  	[dreg:$0x7] =	wrdreg s17;
	s8 =	sshll.u32 s8, $0x4;
	s9 =	sadd.s32 s0, s9  }
0x17: {  	s24 =	sadd.s32 $0x25800, s1;
	s25 =	sadd.s32 $0x73A00, s1;
	[dreg:$0x10] =	wrdreg s26  }
0x18: {  	s26 =	simm.s32 $0x1;
	s17 =	simm.s32 $0x4;
	[dreg:$0xc] =	wrdreg s9  }
0x19: {  	s1 =	simm.s32 $0x580;
	s13 =	simm.s32 $0xF80;
	[dreg:$0xd] =	wrdreg s24  }
0x1a: {  	s12 =	simm.s32 $0x0;
	s0 =	sadd.s32 s0, s8;
	[dreg:$0xf] =	wrdreg s25  }
0x1b: {  	s24 =	simm.s32 $0x80;
	s25 =	simm.s32 $0x1000;
	s8 =	simm.s32 $0xE80  }
0x1c: {  	v2 =	vimm.f32 $0.0e+00;
	v0 =	vmov s15;
	s9 =	simm.s32 $0x700;
	[dreg:$0xe] =	wrdreg s0;
	s0 =	simm.s32 $0xD00  }
.LBB2_1:
0x1d: {  	[dreg:$0x11] =	wrdreg s12;
	s14 =	simm.s32 $0x0;
	s15 =	simm.s32 $0x200  }
.LBB2_2:
0x1e: {  	p1 =	sne.s32 s15, $0xFE00;
	[tilespmem:s14+$0x1070] =	vst v2  }
0x1f: {  	[tilespmem:s14+$0x1000] =	vst v2  }
0x20: {  	[tilespmem:s14+$0x1010] =	vst v2  }
.Ltmp0:
0x21: {  	[tilespmem:s14+$0x1020] =	vst v2;
	(pc) =	sbr.rel @p1 .LBB2_2-.Ltmp0, $4  }
0x22: {  	[tilespmem:s14+$0x1030] =	vst v2  }
0x23: {  	[tilespmem:s14+$0x1040] =	vst v2  }
0x24: {  	[tilespmem:s14+$0x1050] =	vst v2  }
0x25: {  	[tilespmem:s14+$0x1060] =	vst v2;
	s14 =	sshra.s32 s15, $0x2;
	s15 =	sadd.s32 $0x200, s15  }
0x26: {  	[tilespmem:s14+$0x1070] =	vst v2  }
0x27: {  	[tilespmem:s14+$0x1000] =	vst v2  }
0x28: {  	[tilespmem:s14+$0x1010] =	vst v2  }
0x29: {  	[tilespmem:s14+$0x1020] =	vst v2  }
0x2a: {  	[tilespmem:s14+$0x1030] =	vst v2  }
0x2b: {  	[tilespmem:s14+$0x1040] =	vst v2  }
0x2c: {  	[tilespmem:s14+$0x1050] =	vst v2  }
0x2d: {  	[tilespmem:s14+$0x1060] =	vst v2;
	s7 =	simm.s32 @p0 $0x1000;
	s12 =	rddreg [dreg:$0x8]  }
0x2e: {  	[spmem:s12] =	stream.linear.scatter @p0 [tilespmem:s7], [sflag:$0x5], $0x4000, $0x38;
	[tilespmem:$0x1C8C0] =	vst v63  }
0x2f: {  	s12 =	simm.s32 @p0 $0x5  }
0x30: {  	_ =	swait.ge @p0 [sflag:s12], $0x4000  }
0x31: {  	[sflag:s12] =	ssyncset.done @p0 $0x0  }
0x32: {  	s14 =	rddreg [dreg:$0x9];
	[sflag:s12] =	ssyncadd.s32 @p0 $0xFFFFC000  }
0x33: {  	[spmem:s14] =	stream.linear.scatter @p0 [tilespmem:s7], [sflag:$0x5], $0x4000, $0x38;
	[tilespmem:$0x1C8C0] =	vst v63  }
0x34: {  	_ =	swait.ge @p0 [sflag:s12], $0x4000  }
0x35: {  	[sflag:s12] =	ssyncset.done @p0 $0x0  }
0x36: {  	s14 =	rddreg [dreg:$0xa];
	[sflag:s12] =	ssyncadd.s32 @p0 $0xFFFFC000  }
0x37: {  	[spmem:s14] =	stream.linear.scatter @p0 [tilespmem:s7], [sflag:$0x5], $0x4000, $0x38;
	[tilespmem:$0x1C8C0] =	vst v63  }
0x38: {  	_ =	swait.ge @p0 [sflag:s12], $0x4000  }
0x39: {  	[sflag:s12] =	ssyncset.done @p0 $0x0  }
0x3a: {  	s14 =	rddreg [dreg:$0xb];
	[sflag:s12] =	ssyncadd.s32 @p0 $0xFFFFC000  }
0x3b: {  	[spmem:s14] =	stream.linear.scatter @p0 [tilespmem:s7], [sflag:$0x5], $0xC00, $0x38;
	[tilespmem:$0x1C8C0] =	vst v63  }
0x3c: {  	_ =	swait.ge @p0 [sflag:s12], $0xC00  }
0x3d: {  	[sflag:s12] =	ssyncset.done @p0 $0x0  }
0x3e: {  	s7 =	simm.s32 @!p0 $0x1000;
	[sflag:s12] =	ssyncadd.s32 @p0 $0xFFFFF400;
	s12 =	rddreg [dreg:$0x3]  }
0x3f: {  	[spmem:s12] =	stream.linear.scatter @!p0 [tilespmem:s7], [sflag:$0x5], $0x4000, $0x38;
	[tilespmem:$0x1C8C0] =	vst v63  }
0x40: {  	s12 =	simm.s32 @!p0 $0x5  }
0x41: {  	_ =	swait.ge @!p0 [sflag:s12], $0x4000  }
0x42: {  	[sflag:s12] =	ssyncset.done @!p0 $0x0  }
0x43: {  	s14 =	rddreg [dreg:$0x4];
	[sflag:s12] =	ssyncadd.s32 @!p0 $0xFFFFC000  }
0x44: {  	[spmem:s14] =	stream.linear.scatter @!p0 [tilespmem:s7], [sflag:$0x5], $0x4000, $0x38;
	[tilespmem:$0x1C8C0] =	vst v63  }
0x45: {  	_ =	swait.ge @!p0 [sflag:s12], $0x4000  }
0x46: {  	[sflag:s12] =	ssyncset.done @!p0 $0x0  }
0x47: {  	s14 =	rddreg [dreg:$0x5];
	[sflag:s12] =	ssyncadd.s32 @!p0 $0xFFFFC000  }
0x48: {  	[spmem:s14] =	stream.linear.scatter @!p0 [tilespmem:s7], [sflag:$0x5], $0x4000, $0x38;
	[tilespmem:$0x1C8C0] =	vst v63  }
0x49: {  	_ =	swait.ge @!p0 [sflag:s12], $0x4000  }
0x4a: {  	[sflag:s12] =	ssyncset.done @!p0 $0x0  }
0x4b: {  	s14 =	rddreg [dreg:$0x6];
	[sflag:s12] =	ssyncadd.s32 @!p0 $0xFFFFC000  }
0x4c: {  	[spmem:s14] =	stream.linear.scatter @!p0 [tilespmem:s7], [sflag:$0x5], $0x4000, $0x38;
	[tilespmem:$0x1C8C0] =	vst v63  }
0x4d: {  	_ =	swait.ge @!p0 [sflag:s12], $0x4000  }
0x4e: {  	[sflag:s12] =	ssyncset.done @!p0 $0x0  }
0x4f: {  	s14 =	rddreg [dreg:$0x7];
	[sflag:s12] =	ssyncadd.s32 @!p0 $0xFFFFC000  }
0x50: {  	[spmem:s14] =	stream.linear.scatter @!p0 [tilespmem:s7], [sflag:$0x5], $0x4000, $0x38;
	[tilespmem:$0x1C8C0] =	vst v63  }
0x51: {  	_ =	swait.ge @!p0 [sflag:s12], $0x4000  }
0x52: {  	[sflag:s12] =	ssyncset.done @!p0 $0x0  }
0x53: {  	[sflag:s12] =	ssyncadd.s32 @!p0 $0xFFFFC000  }
0x54: {  	s15 =	simm.s32 $0x0;
	s14 =	simm.s32 $0x0;
	[bflag:$0x0] =	sbarrier.arrive $0xFFFF  }
.LBB2_4:
0x55: {  	s7 =	sshll.u32 s15, $0xB  }
0x56: {  	s7 =	sadd.s32 s16, s7  }
0x57: {  	s7 =	sshrl.u32 s7, $0x3  }
0x58: {  	s12 =	sadd.s32 s4, s7  }
0x59: {  	[tilespmem:s14], [sflag:$0x5] =	stream.linear.gather [hbm4b:s12+s14], $0x800, $0x38;
	[tilespmem:$0x1C8C0] =	vst v63  }
0x5a: {  	_ =	swait.ge [sflag:s22], $0x800  }
0x5b: {  	[sflag:s22] =	ssyncset.done $0x0  }
0x5c: {  	s7 =	sadd.s32 s5, s7;
	[sflag:s22] =	ssyncadd.s32 $0xFFFFF800  }
0x5d: {  	[tilespmem:s23], [sflag:$0x5] =	stream.linear.gather [hbm4b:s7+s14], $0x800, $0x38;
	[tilespmem:$0x1C8C0] =	vst v63  }
0x5e: {  	_ =	swait.ge [sflag:s22], $0x800  }
0x5f: {  	[sflag:s22] =	ssyncset.done $0x0  }
0x60: {  	s12 =	simm.s32 $0x0;
	s7 =	simm.s32 $0x40;
	[sflag:s22] =	ssyncadd.s32 $0xFFFFF800  }
.LBB2_5:
0x61: {  	p1 =	sne.s32 s7, $0x1FC0;
	v3 =	vld [tilespmem:s12+$0x0];
	_ =	sdelay $0x1  }
.Ltmp1:
0x62: {  	(pc) =	sbr.rel @p1 .LBB2_5-.Ltmp1, $3  }
0x63: {  	_ =	sdelay $0x1  }
0x64: {  	v3 =	vadd.s32 v0, v3  }
0x65: {  	[tilespmem:s12+$0x0] =	vst v3;
	s12 =	sshra.s32 s7, $0x2;
	s7 =	sadd.s32 $0x40, s7  }
0x66: {  	v3 =	vld [tilespmem:s12+$0x0];
	_ =	sdelay $0x4  }
0x67: {  	v3 =	vadd.s32 v0, v3  }
0x68: {  	s7 =	simm.s32 $0x0;
	[tilespmem:s12+$0x0] =	vst v3  }
0x69: {  	[tilespmem:s25], [sflag:$0x1] =	stream.indirect.gather [hbm4b:s6+s24], $0x80, s7, s24, $0xb8;
	[tilespmem:$0x1C8C0] =	vst v63  }
0x6a: {  	_ =	swait.ge [sflag:s26], $0x4000  }
0x6b: {  	[sflag:s26] =	ssyncset.done $0x0  }
0x6c: {  	[sflag:s26] =	ssyncadd.s32 $0xFFFFC000  }
0x6d: {  	[spmem:s2] =	stream.indirect.scatter.add.f32 [tilespmem:s25], [sflag:$0x3], $0x80, s23, s24, $0xb8;
	[tilespmem:$0x1C8C0] =	vst v63  }
0x6e: {  	_ = 	snop  }
0x6f: {  	[tilespmem:s28], [sflag:$0x2] =	stream.indirect.gather [hbm4b:s6+s24], $0x80, s24, s24, $0xb8;
	[tilespmem:$0x1C8C0] =	vst v63  }
0x70: {  	_ =	swait.ge [sflag:s29], $0x4000  }
0x71: {  	[sflag:s29] =	ssyncset.done $0x0  }
0x72: {  	s12 =	simm.s32 $0x880;
	[sflag:s29] =	ssyncadd.s32 $0xFFFFC000  }
0x73: {  	[spmem:s2] =	stream.indirect.scatter.add.f32 [tilespmem:s28], [sflag:$0x4], $0x80, s12, s24, $0xb8;
	[tilespmem:$0x1C8C0] =	vst v63  }
0x74: {  	_ =	swait.ge [sflag:s31], $0x4000  }
0x75: {  	[sflag:s31] =	ssyncset.done $0x0  }
0x76: {  	s12 =	simm.s32 $0x100;
	[sflag:s31] =	ssyncadd.s32 $0xFFFFC000  }
0x77: {  	[tilespmem:s25], [sflag:$0x1] =	stream.indirect.gather [hbm4b:s6+s24], $0x80, s12, s24, $0xb8;
	[tilespmem:$0x1C8C0] =	vst v63  }
0x78: {  	_ =	swait.ge [sflag:s26], $0x4000  }
0x79: {  	[sflag:s26] =	ssyncset.done $0x0  }
0x7a: {  	s12 =	simm.s32 $0x900;
	[sflag:s26] =	ssyncadd.s32 $0xFFFFC000  }
0x7b: {  	[spmem:s2] =	stream.indirect.scatter.add.f32 [tilespmem:s25], [sflag:$0x3], $0x80, s12, s24, $0xb8;
	[tilespmem:$0x1C8C0] =	vst v63  }
0x7c: {  	_ =	swait.ge [sflag:s17], $0x4000  }
0x7d: {  	[sflag:s17] =	ssyncset.done $0x0  }
0x7e: {  	s12 =	simm.s32 $0x180;
	[sflag:s17] =	ssyncadd.s32 $0xFFFFC000  }
0x7f: {  	[tilespmem:s28], [sflag:$0x2] =	stream.indirect.gather [hbm4b:s6+s24], $0x80, s12, s24, $0xb8;
	[tilespmem:$0x1C8C0] =	vst v63  }
0x80: {  	_ =	swait.ge [sflag:s29], $0x4000  }
0x81: {  	[sflag:s29] =	ssyncset.done $0x0  }
0x82: {  	s12 =	simm.s32 $0x980;
	[sflag:s29] =	ssyncadd.s32 $0xFFFFC000  }
0x83: {  	[spmem:s2] =	stream.indirect.scatter.add.f32 [tilespmem:s28], [sflag:$0x4], $0x80, s12, s24, $0xb8;
	[tilespmem:$0x1C8C0] =	vst v63  }
0x84: {  	_ =	swait.ge [sflag:s31], $0x4000  }
0x85: {  	[sflag:s31] =	ssyncset.done $0x0  }
0x86: {  	s12 =	simm.s32 $0x200;
	[sflag:s31] =	ssyncadd.s32 $0xFFFFC000  }
0x87: {  	[tilespmem:s25], [sflag:$0x1] =	stream.indirect.gather [hbm4b:s6+s24], $0x80, s12, s24, $0xb8;
	[tilespmem:$0x1C8C0] =	vst v63  }
0x88: {  	_ =	swait.ge [sflag:s26], $0x4000  }
0x89: {  	[sflag:s26] =	ssyncset.done $0x0  }
0x8a: {  	s12 =	simm.s32 $0xA00;
	[sflag:s26] =	ssyncadd.s32 $0xFFFFC000  }
0x8b: {  	[spmem:s2] =	stream.indirect.scatter.add.f32 [tilespmem:s25], [sflag:$0x3], $0x80, s12, s24, $0xb8;
	[tilespmem:$0x1C8C0] =	vst v63  }
0x8c: {  	_ =	swait.ge [sflag:s17], $0x4000  }
0x8d: {  	[sflag:s17] =	ssyncset.done $0x0  }
0x8e: {  	s12 =	simm.s32 $0x280;
	[sflag:s17] =	ssyncadd.s32 $0xFFFFC000  }
0x8f: {  	[tilespmem:s28], [sflag:$0x2] =	stream.indirect.gather [hbm4b:s6+s24], $0x80, s12, s24, $0xb8;
	[tilespmem:$0x1C8C0] =	vst v63  }
0x90: {  	_ =	swait.ge [sflag:s29], $0x4000  }
0x91: {  	[sflag:s29] =	ssyncset.done $0x0  }
0x92: {  	s12 =	simm.s32 $0xA80;
	[sflag:s29] =	ssyncadd.s32 $0xFFFFC000  }
0x93: {  	[spmem:s2] =	stream.indirect.scatter.add.f32 [tilespmem:s28], [sflag:$0x4], $0x80, s12, s24, $0xb8;
	[tilespmem:$0x1C8C0] =	vst v63  }
0x94: {  	_ =	swait.ge [sflag:s31], $0x4000  }
0x95: {  	[sflag:s31] =	ssyncset.done $0x0  }
0x96: {  	s12 =	simm.s32 $0x300;
	[sflag:s31] =	ssyncadd.s32 $0xFFFFC000  }
0x97: {  	[tilespmem:s25], [sflag:$0x1] =	stream.indirect.gather [hbm4b:s6+s24], $0x80, s12, s24, $0xb8;
	[tilespmem:$0x1C8C0] =	vst v63  }
0x98: {  	_ =	swait.ge [sflag:s26], $0x4000  }
0x99: {  	[sflag:s26] =	ssyncset.done $0x0  }
0x9a: {  	s12 =	simm.s32 $0xB00;
	[sflag:s26] =	ssyncadd.s32 $0xFFFFC000  }
0x9b: {  	[spmem:s2] =	stream.indirect.scatter.add.f32 [tilespmem:s25], [sflag:$0x3], $0x80, s12, s24, $0xb8;
	[tilespmem:$0x1C8C0] =	vst v63  }
0x9c: {  	_ =	swait.ge [sflag:s17], $0x4000  }
0x9d: {  	[sflag:s17] =	ssyncset.done $0x0  }
0x9e: {  	s12 =	simm.s32 $0x380;
	[sflag:s17] =	ssyncadd.s32 $0xFFFFC000  }
0x9f: {  	[tilespmem:s28], [sflag:$0x2] =	stream.indirect.gather [hbm4b:s6+s24], $0x80, s12, s24, $0xb8;
	[tilespmem:$0x1C8C0] =	vst v63  }
0xa0: {  	_ =	swait.ge [sflag:s29], $0x4000  }
0xa1: {  	[sflag:s29] =	ssyncset.done $0x0  }
0xa2: {  	s12 =	simm.s32 $0xB80;
	[sflag:s29] =	ssyncadd.s32 $0xFFFFC000  }
0xa3: {  	[spmem:s2] =	stream.indirect.scatter.add.f32 [tilespmem:s28], [sflag:$0x4], $0x80, s12, s24, $0xb8;
	[tilespmem:$0x1C8C0] =	vst v63  }
0xa4: {  	_ =	swait.ge [sflag:s31], $0x4000  }
0xa5: {  	[sflag:s31] =	ssyncset.done $0x0  }
0xa6: {  	s12 =	simm.s32 $0x400;
	[sflag:s31] =	ssyncadd.s32 $0xFFFFC000  }
0xa7: {  	[tilespmem:s25], [sflag:$0x1] =	stream.indirect.gather [hbm4b:s6+s24], $0x80, s12, s24, $0xb8;
	[tilespmem:$0x1C8C0] =	vst v63  }
0xa8: {  	_ =	swait.ge [sflag:s26], $0x4000  }
0xa9: {  	[sflag:s26] =	ssyncset.done $0x0  }
0xaa: {  	s12 =	simm.s32 $0xC00;
	[sflag:s26] =	ssyncadd.s32 $0xFFFFC000  }
0xab: {  	[spmem:s2] =	stream.indirect.scatter.add.f32 [tilespmem:s25], [sflag:$0x3], $0x80, s12, s24, $0xb8;
	[tilespmem:$0x1C8C0] =	vst v63  }
0xac: {  	_ =	swait.ge [sflag:s17], $0x4000  }
0xad: {  	[sflag:s17] =	ssyncset.done $0x0  }
0xae: {  	s12 =	simm.s32 $0x480;
	[sflag:s17] =	ssyncadd.s32 $0xFFFFC000  }
0xaf: {  	[tilespmem:s28], [sflag:$0x2] =	stream.indirect.gather [hbm4b:s6+s24], $0x80, s12, s24, $0xb8;
	[tilespmem:$0x1C8C0] =	vst v63  }
0xb0: {  	_ =	swait.ge [sflag:s29], $0x4000  }
0xb1: {  	[sflag:s29] =	ssyncset.done $0x0  }
0xb2: {  	[sflag:s29] =	ssyncadd.s32 $0xFFFFC000  }
0xb3: {  	[spmem:s2] =	stream.indirect.scatter.add.f32 [tilespmem:s28], [sflag:$0x4], $0x80, s3, s24, $0xb8;
	[tilespmem:$0x1C8C0] =	vst v63  }
0xb4: {  	_ =	swait.ge [sflag:s31], $0x4000  }
0xb5: {  	[sflag:s31] =	ssyncset.done $0x0  }
0xb6: {  	[sflag:s31] =	ssyncadd.s32 $0xFFFFC000  }
0xb7: {  	[tilespmem:s25], [sflag:$0x1] =	stream.indirect.gather [hbm4b:s6+s24], $0x80, s30, s24, $0xb8;
	[tilespmem:$0x1C8C0] =	vst v63  }
0xb8: {  	_ =	swait.ge [sflag:s26], $0x4000  }
0xb9: {  	[sflag:s26] =	ssyncset.done $0x0  }
0xba: {  	[sflag:s26] =	ssyncadd.s32 $0xFFFFC000  }
0xbb: {  	[spmem:s2] =	stream.indirect.scatter.add.f32 [tilespmem:s25], [sflag:$0x3], $0x80, s0, s24, $0xb8;
	[tilespmem:$0x1C8C0] =	vst v63  }
0xbc: {  	_ =	swait.ge [sflag:s17], $0x4000  }
0xbd: {  	[sflag:s17] =	ssyncset.done $0x0  }
0xbe: {  	[sflag:s17] =	ssyncadd.s32 $0xFFFFC000  }
0xbf: {  	[tilespmem:s28], [sflag:$0x2] =	stream.indirect.gather [hbm4b:s6+s24], $0x80, s1, s24, $0xb8;
	[tilespmem:$0x1C8C0] =	vst v63  }
0xc0: {  	_ =	swait.ge [sflag:s29], $0x4000  }
0xc1: {  	[sflag:s29] =	ssyncset.done $0x0  }
0xc2: {  	[sflag:s29] =	ssyncadd.s32 $0xFFFFC000  }
0xc3: {  	[spmem:s2] =	stream.indirect.scatter.add.f32 [tilespmem:s28], [sflag:$0x4], $0x80, s18, s24, $0xb8;
	[tilespmem:$0x1C8C0] =	vst v63  }
0xc4: {  	_ =	swait.ge [sflag:s31], $0x4000  }
0xc5: {  	[sflag:s31] =	ssyncset.done $0x0  }
0xc6: {  	[sflag:s31] =	ssyncadd.s32 $0xFFFFC000  }
0xc7: {  	[tilespmem:s25], [sflag:$0x1] =	stream.indirect.gather [hbm4b:s6+s24], $0x80, s19, s24, $0xb8;
	[tilespmem:$0x1C8C0] =	vst v63  }
0xc8: {  	_ =	swait.ge [sflag:s26], $0x4000  }
0xc9: {  	[sflag:s26] =	ssyncset.done $0x0  }
0xca: {  	[sflag:s26] =	ssyncadd.s32 $0xFFFFC000  }
0xcb: {  	[spmem:s2] =	stream.indirect.scatter.add.f32 [tilespmem:s25], [sflag:$0x3], $0x80, s20, s24, $0xb8;
	[tilespmem:$0x1C8C0] =	vst v63  }
0xcc: {  	_ =	swait.ge [sflag:s17], $0x4000  }
0xcd: {  	[sflag:s17] =	ssyncset.done $0x0  }
0xce: {  	[sflag:s17] =	ssyncadd.s32 $0xFFFFC000  }
0xcf: {  	[tilespmem:s28], [sflag:$0x2] =	stream.indirect.gather [hbm4b:s6+s24], $0x80, s21, s24, $0xb8;
	[tilespmem:$0x1C8C0] =	vst v63  }
0xd0: {  	_ =	swait.ge [sflag:s29], $0x4000  }
0xd1: {  	[sflag:s29] =	ssyncset.done $0x0  }
0xd2: {  	[sflag:s29] =	ssyncadd.s32 $0xFFFFC000  }
0xd3: {  	[spmem:s2] =	stream.indirect.scatter.add.f32 [tilespmem:s28], [sflag:$0x4], $0x80, s8, s24, $0xb8;
	[tilespmem:$0x1C8C0] =	vst v63  }
0xd4: {  	_ =	swait.ge [sflag:s31], $0x4000  }
0xd5: {  	[sflag:s31] =	ssyncset.done $0x0  }
0xd6: {  	[sflag:s31] =	ssyncadd.s32 $0xFFFFC000  }
0xd7: {  	[tilespmem:s25], [sflag:$0x1] =	stream.indirect.gather [hbm4b:s6+s24], $0x80, s9, s24, $0xb8;
	[tilespmem:$0x1C8C0] =	vst v63  }
0xd8: {  	_ =	swait.ge [sflag:s26], $0x4000  }
0xd9: {  	[sflag:s26] =	ssyncset.done $0x0  }
0xda: {  	[sflag:s26] =	ssyncadd.s32 $0xFFFFC000  }
0xdb: {  	[spmem:s2] =	stream.indirect.scatter.add.f32 [tilespmem:s25], [sflag:$0x3], $0x80, s10, s24, $0xb8;
	[tilespmem:$0x1C8C0] =	vst v63  }
0xdc: {  	_ =	swait.ge [sflag:s17], $0x4000  }
0xdd: {  	[sflag:s17] =	ssyncset.done $0x0  }
0xde: {  	[sflag:s17] =	ssyncadd.s32 $0xFFFFC000  }
0xdf: {  	[tilespmem:s28], [sflag:$0x2] =	stream.indirect.gather [hbm4b:s6+s24], $0x80, s11, s24, $0xb8;
	[tilespmem:$0x1C8C0] =	vst v63  }
0xe0: {  	_ =	swait.ge [sflag:s29], $0x4000  }
0xe1: {  	[sflag:s29] =	ssyncset.done $0x0  }
0xe2: {  	s15 =	sadd.s32 $0x1, s15;
	[sflag:s29] =	ssyncadd.s32 $0xFFFFC000  }
0xe3: {  	[spmem:s2] =	stream.indirect.scatter.add.f32 [tilespmem:s28], [sflag:$0x4], $0x80, s13, s24, $0xb8;
	[tilespmem:$0x1C8C0] =	vst v63  }
0xe4: {  	p1 =	sne.s32 s15, $0xA;
	_ =	swait.ge [sflag:s17], $0x4000  }
.Ltmp2:
0xe5: {  	[sflag:s17] =	ssyncset.done $0x0;
	(pc) =	sbr.rel @p1 .LBB2_4-.Ltmp2, $4  }
0xe6: {  	[sflag:s17] =	ssyncadd.s32 $0xFFFFC000  }
0xe7: {  	_ =	swait.ge [sflag:s31], $0x4000  }
0xe8: {  	[sflag:s31] =	ssyncset.done $0x0  }
0xe9: {  	[sflag:s31] =	ssyncadd.s32 $0xFFFFC000  }
0xea: {  	[bflag:$0x0] =	sbarrier.arrive $0xFFFF  }
0xeb: {  	s7 =	rddreg [dreg:$0x8]  }
0xec: {  	s12 =	rddreg [dreg:$0xd];
	s14 =	sshrl.u32 @p0 s7, $0x3  }
0xed: {  	s7 =	simm.s32 @p0 $0x1FC5;
	[dreg:$0x12] =	wrdreg s14  }
0xee: {  	[hbm:s12], [sflag:s7] =	dma.local @p0 [spmem:s14], $0x1900  }
0xef: {  	s7 =	simm.s32 @p0 $0x5  }
0xf0: {  	s12 =	stileid.u32;
	_ =	swait.ge @p0 [sflag:s7], $0x1900  }
0xf1: {  	s12 =	sshll.u32 @!p0 s12, $0x6;
	[sflag:s7] =	ssyncset.done @p0 $0x0  }
0xf2: {  	s12 =	sor.u32 @!p0 $0x1C05, s12;
	[sflag:s7] =	ssyncadd.s32 @p0 $0xFFFFE700;
	s7 =	rddreg [dreg:$0x3]  }
0xf3: {  	[dreg:$0x13] =	wrdreg s12  }
0xf4: {  	s14 =	sshrl.u32 @!p0 s7, $0x3;
	s7 =	rddreg [dreg:$0xc]  }
0xf5: {  	[dreg:$0x14] =	wrdreg s14  }
0xf6: {  	[hbm:s7], [sflag:s12] =	dma.local @!p0 [spmem:s14], $0x2800  }
0xf7: {  	s7 =	simm.s32 @!p0 $0x5  }
0xf8: {  	_ =	swait.ge @!p0 [sflag:s7], $0x2800  }
0xf9: {  	[sflag:s7] =	ssyncset.done @!p0 $0x0  }
0xfa: {  	[sflag:s7] =	ssyncadd.s32 @!p0 $0xFFFFD800  }
0xfb: {  	s15 =	simm.s32 $0x200;
	s14 =	simm.s32 $0x0;
	[bflag:$0x0] =	sbarrier.arrive $0xFFFF  }
.LBB2_8:
0xfc: {  	p1 =	sne.s32 s15, $0xFE00;
	[tilespmem:s14+$0x1070] =	vst v2  }
0xfd: {  	[tilespmem:s14+$0x1000] =	vst v2  }
0xfe: {  	[tilespmem:s14+$0x1010] =	vst v2  }
.Ltmp3:
0xff: {  	[tilespmem:s14+$0x1020] =	vst v2;
	(pc) =	sbr.rel @p1 .LBB2_8-.Ltmp3, $4  }
0x100: {  	[tilespmem:s14+$0x1030] =	vst v2  }
0x101: {  	[tilespmem:s14+$0x1040] =	vst v2  }
0x102: {  	[tilespmem:s14+$0x1050] =	vst v2  }
0x103: {  	[tilespmem:s14+$0x1060] =	vst v2;
	s14 =	sshra.s32 s15, $0x2;
	s15 =	sadd.s32 $0x200, s15  }
0x104: {  	[tilespmem:s14+$0x1070] =	vst v2  }
0x105: {  	[tilespmem:s14+$0x1000] =	vst v2  }
0x106: {  	[tilespmem:s14+$0x1010] =	vst v2  }
0x107: {  	[tilespmem:s14+$0x1020] =	vst v2  }
0x108: {  	[tilespmem:s14+$0x1030] =	vst v2  }
0x109: {  	[tilespmem:s14+$0x1040] =	vst v2  }
0x10a: {  	[tilespmem:s14+$0x1050] =	vst v2  }
0x10b: {  	[tilespmem:s14+$0x1060] =	vst v2;
	s7 =	simm.s32 @p0 $0x1000;
	s12 =	rddreg [dreg:$0x8]  }
0x10c: {  	[spmem:s12] =	stream.linear.scatter @p0 [tilespmem:s7], [sflag:$0x5], $0x4000, $0x38;
	[tilespmem:$0x1C8C0] =	vst v63  }
0x10d: {  	s12 =	simm.s32 @p0 $0x5  }
0x10e: {  	_ =	swait.ge @p0 [sflag:s12], $0x4000  }
0x10f: {  	[sflag:s12] =	ssyncset.done @p0 $0x0  }
0x110: {  	s14 =	rddreg [dreg:$0x9];
	[sflag:s12] =	ssyncadd.s32 @p0 $0xFFFFC000  }
0x111: {  	[spmem:s14] =	stream.linear.scatter @p0 [tilespmem:s7], [sflag:$0x5], $0x4000, $0x38;
	[tilespmem:$0x1C8C0] =	vst v63  }
0x112: {  	_ =	swait.ge @p0 [sflag:s12], $0x4000  }
0x113: {  	[sflag:s12] =	ssyncset.done @p0 $0x0  }
0x114: {  	s14 =	rddreg [dreg:$0xa];
	[sflag:s12] =	ssyncadd.s32 @p0 $0xFFFFC000  }
0x115: {  	[spmem:s14] =	stream.linear.scatter @p0 [tilespmem:s7], [sflag:$0x5], $0x4000, $0x38;
	[tilespmem:$0x1C8C0] =	vst v63  }
0x116: {  	_ =	swait.ge @p0 [sflag:s12], $0x4000  }
0x117: {  	[sflag:s12] =	ssyncset.done @p0 $0x0  }
0x118: {  	s14 =	rddreg [dreg:$0xb];
	[sflag:s12] =	ssyncadd.s32 @p0 $0xFFFFC000  }
0x119: {  	[spmem:s14] =	stream.linear.scatter @p0 [tilespmem:s7], [sflag:$0x5], $0xC00, $0x38;
	[tilespmem:$0x1C8C0] =	vst v63  }
0x11a: {  	_ =	swait.ge @p0 [sflag:s12], $0xC00  }
0x11b: {  	[sflag:s12] =	ssyncset.done @p0 $0x0  }
0x11c: {  	s7 =	simm.s32 @!p0 $0x1000;
	[sflag:s12] =	ssyncadd.s32 @p0 $0xFFFFF400;
	s12 =	rddreg [dreg:$0x3]  }
0x11d: {  	[spmem:s12] =	stream.linear.scatter @!p0 [tilespmem:s7], [sflag:$0x5], $0x4000, $0x38;
	[tilespmem:$0x1C8C0] =	vst v63  }
0x11e: {  	s12 =	simm.s32 @!p0 $0x5  }
0x11f: {  	_ =	swait.ge @!p0 [sflag:s12], $0x4000  }
0x120: {  	[sflag:s12] =	ssyncset.done @!p0 $0x0  }
0x121: {  	s14 =	rddreg [dreg:$0x4];
	[sflag:s12] =	ssyncadd.s32 @!p0 $0xFFFFC000  }
0x122: {  	[spmem:s14] =	stream.linear.scatter @!p0 [tilespmem:s7], [sflag:$0x5], $0x4000, $0x38;
	[tilespmem:$0x1C8C0] =	vst v63  }
0x123: {  	_ =	swait.ge @!p0 [sflag:s12], $0x4000  }
0x124: {  	[sflag:s12] =	ssyncset.done @!p0 $0x0  }
0x125: {  	s14 =	rddreg [dreg:$0x5];
	[sflag:s12] =	ssyncadd.s32 @!p0 $0xFFFFC000  }
0x126: {  	[spmem:s14] =	stream.linear.scatter @!p0 [tilespmem:s7], [sflag:$0x5], $0x4000, $0x38;
	[tilespmem:$0x1C8C0] =	vst v63  }
0x127: {  	_ =	swait.ge @!p0 [sflag:s12], $0x4000  }
0x128: {  	[sflag:s12] =	ssyncset.done @!p0 $0x0  }
0x129: {  	s14 =	rddreg [dreg:$0x6];
	[sflag:s12] =	ssyncadd.s32 @!p0 $0xFFFFC000  }
0x12a: {  	[spmem:s14] =	stream.linear.scatter @!p0 [tilespmem:s7], [sflag:$0x5], $0x4000, $0x38;
	[tilespmem:$0x1C8C0] =	vst v63  }
0x12b: {  	_ =	swait.ge @!p0 [sflag:s12], $0x4000  }
0x12c: {  	[sflag:s12] =	ssyncset.done @!p0 $0x0  }
0x12d: {  	s14 =	rddreg [dreg:$0x7];
	[sflag:s12] =	ssyncadd.s32 @!p0 $0xFFFFC000  }
0x12e: {  	[spmem:s14] =	stream.linear.scatter @!p0 [tilespmem:s7], [sflag:$0x5], $0x4000, $0x38;
	[tilespmem:$0x1C8C0] =	vst v63  }
0x12f: {  	_ =	swait.ge @!p0 [sflag:s12], $0x4000  }
0x130: {  	[sflag:s12] =	ssyncset.done @!p0 $0x0  }
0x131: {  	[sflag:s12] =	ssyncadd.s32 @!p0 $0xFFFFC000  }
0x132: {  	s15 =	simm.s32 $0x0;
	s14 =	simm.s32 $0x0;
	[bflag:$0x0] =	sbarrier.arrive $0xFFFF  }
.LBB2_10:
0x133: {  	s7 =	sshll.u32 s15, $0xB  }
0x134: {  	s7 =	sadd.s32 s16, s7  }
0x135: {  	s7 =	sshrl.u32 s7, $0x3  }
0x136: {  	s12 =	sadd.s32 s4, s7  }
0x137: {  	[tilespmem:s14], [sflag:$0x5] =	stream.linear.gather [hbm4b:s12+s14], $0x800, $0x38;
	[tilespmem:$0x1C8C0] =	vst v63  }
0x138: {  	_ =	swait.ge [sflag:s22], $0x800  }
0x139: {  	[sflag:s22] =	ssyncset.done $0x0  }
0x13a: {  	s7 =	sadd.s32 s5, s7;
	[sflag:s22] =	ssyncadd.s32 $0xFFFFF800  }
0x13b: {  	[tilespmem:s23], [sflag:$0x5] =	stream.linear.gather [hbm4b:s7+s14], $0x800, $0x38;
	[tilespmem:$0x1C8C0] =	vst v63  }
0x13c: {  	_ =	swait.ge [sflag:s22], $0x800  }
0x13d: {  	[sflag:s22] =	ssyncset.done $0x0  }
0x13e: {  	s12 =	simm.s32 $0x0;
	s7 =	simm.s32 $0x40;
	[sflag:s22] =	ssyncadd.s32 $0xFFFFF800  }
.LBB2_11:
0x13f: {  	p1 =	sne.s32 s7, $0x1FC0;
	v3 =	vld [tilespmem:s12+$0x0];
	_ =	sdelay $0x1  }
.Ltmp4:
0x140: {  	(pc) =	sbr.rel @p1 .LBB2_11-.Ltmp4, $3  }
0x141: {  	_ =	sdelay $0x1  }
0x142: {  	v3 =	vadd.s32 v1, v3  }
0x143: {  	[tilespmem:s12+$0x0] =	vst v3;
	s12 =	sshra.s32 s7, $0x2;
	s7 =	sadd.s32 $0x40, s7  }
0x144: {  	v3 =	vld [tilespmem:s12+$0x0];
	_ =	sdelay $0x4  }
0x145: {  	v3 =	vadd.s32 v1, v3  }
0x146: {  	s7 =	simm.s32 $0x0;
	[tilespmem:s12+$0x0] =	vst v3  }
0x147: {  	[tilespmem:s25], [sflag:$0x1] =	stream.indirect.gather [hbm4b:s6+s24], $0x80, s7, s24, $0xb8;
	[tilespmem:$0x1C8C0] =	vst v63  }
0x148: {  	_ =	swait.ge [sflag:s26], $0x4000  }
0x149: {  	[sflag:s26] =	ssyncset.done $0x0  }
0x14a: {  	[sflag:s26] =	ssyncadd.s32 $0xFFFFC000  }
0x14b: {  	[spmem:s2] =	stream.indirect.scatter.add.f32 [tilespmem:s25], [sflag:$0x3], $0x80, s23, s24, $0xb8;
	[tilespmem:$0x1C8C0] =	vst v63  }
0x14c: {  	_ = 	snop  }
0x14d: {  	[tilespmem:s28], [sflag:$0x2] =	stream.indirect.gather [hbm4b:s6+s24], $0x80, s24, s24, $0xb8;
	[tilespmem:$0x1C8C0] =	vst v63  }
0x14e: {  	_ =	swait.ge [sflag:s29], $0x4000  }
0x14f: {  	[sflag:s29] =	ssyncset.done $0x0  }
0x150: {  	s12 =	simm.s32 $0x880;
	[sflag:s29] =	ssyncadd.s32 $0xFFFFC000  }
0x151: {  	[spmem:s2] =	stream.indirect.scatter.add.f32 [tilespmem:s28], [sflag:$0x4], $0x80, s12, s24, $0xb8;
	[tilespmem:$0x1C8C0] =	vst v63  }
0x152: {  	_ =	swait.ge [sflag:s31], $0x4000  }
0x153: {  	[sflag:s31] =	ssyncset.done $0x0  }
0x154: {  	s12 =	simm.s32 $0x100;
	[sflag:s31] =	ssyncadd.s32 $0xFFFFC000  }
0x155: {  	[tilespmem:s25], [sflag:$0x1] =	stream.indirect.gather [hbm4b:s6+s24], $0x80, s12, s24, $0xb8;
	[tilespmem:$0x1C8C0] =	vst v63  }
0x156: {  	_ =	swait.ge [sflag:s26], $0x4000  }
0x157: {  	[sflag:s26] =	ssyncset.done $0x0  }
0x158: {  	s12 =	simm.s32 $0x900;
	[sflag:s26] =	ssyncadd.s32 $0xFFFFC000  }
0x159: {  	[spmem:s2] =	stream.indirect.scatter.add.f32 [tilespmem:s25], [sflag:$0x3], $0x80, s12, s24, $0xb8;
	[tilespmem:$0x1C8C0] =	vst v63  }
0x15a: {  	_ =	swait.ge [sflag:s17], $0x4000  }
0x15b: {  	[sflag:s17] =	ssyncset.done $0x0  }
0x15c: {  	s12 =	simm.s32 $0x180;
	[sflag:s17] =	ssyncadd.s32 $0xFFFFC000  }
0x15d: {  	[tilespmem:s28], [sflag:$0x2] =	stream.indirect.gather [hbm4b:s6+s24], $0x80, s12, s24, $0xb8;
	[tilespmem:$0x1C8C0] =	vst v63  }
0x15e: {  	_ =	swait.ge [sflag:s29], $0x4000  }
0x15f: {  	[sflag:s29] =	ssyncset.done $0x0  }
0x160: {  	s12 =	simm.s32 $0x980;
	[sflag:s29] =	ssyncadd.s32 $0xFFFFC000  }
0x161: {  	[spmem:s2] =	stream.indirect.scatter.add.f32 [tilespmem:s28], [sflag:$0x4], $0x80, s12, s24, $0xb8;
	[tilespmem:$0x1C8C0] =	vst v63  }
0x162: {  	_ =	swait.ge [sflag:s31], $0x4000  }
0x163: {  	[sflag:s31] =	ssyncset.done $0x0  }
0x164: {  	s12 =	simm.s32 $0x200;
	[sflag:s31] =	ssyncadd.s32 $0xFFFFC000  }
0x165: {  	[tilespmem:s25], [sflag:$0x1] =	stream.indirect.gather [hbm4b:s6+s24], $0x80, s12, s24, $0xb8;
	[tilespmem:$0x1C8C0] =	vst v63  }
0x166: {  	_ =	swait.ge [sflag:s26], $0x4000  }
0x167: {  	[sflag:s26] =	ssyncset.done $0x0  }
0x168: {  	s12 =	simm.s32 $0xA00;
	[sflag:s26] =	ssyncadd.s32 $0xFFFFC000  }
0x169: {  	[spmem:s2] =	stream.indirect.scatter.add.f32 [tilespmem:s25], [sflag:$0x3], $0x80, s12, s24, $0xb8;
	[tilespmem:$0x1C8C0] =	vst v63  }
0x16a: {  	_ =	swait.ge [sflag:s17], $0x4000  }
0x16b: {  	[sflag:s17] =	ssyncset.done $0x0  }
0x16c: {  	s12 =	simm.s32 $0x280;
	[sflag:s17] =	ssyncadd.s32 $0xFFFFC000  }
0x16d: {  	[tilespmem:s28], [sflag:$0x2] =	stream.indirect.gather [hbm4b:s6+s24], $0x80, s12, s24, $0xb8;
	[tilespmem:$0x1C8C0] =	vst v63  }
0x16e: {  	_ =	swait.ge [sflag:s29], $0x4000  }
0x16f: {  	[sflag:s29] =	ssyncset.done $0x0  }
0x170: {  	s12 =	simm.s32 $0xA80;
	[sflag:s29] =	ssyncadd.s32 $0xFFFFC000  }
0x171: {  	[spmem:s2] =	stream.indirect.scatter.add.f32 [tilespmem:s28], [sflag:$0x4], $0x80, s12, s24, $0xb8;
	[tilespmem:$0x1C8C0] =	vst v63  }
0x172: {  	_ =	swait.ge [sflag:s31], $0x4000  }
0x173: {  	[sflag:s31] =	ssyncset.done $0x0  }
0x174: {  	s12 =	simm.s32 $0x300;
	[sflag:s31] =	ssyncadd.s32 $0xFFFFC000  }
0x175: {  	[tilespmem:s25], [sflag:$0x1] =	stream.indirect.gather [hbm4b:s6+s24], $0x80, s12, s24, $0xb8;
	[tilespmem:$0x1C8C0] =	vst v63  }
0x176: {  	_ =	swait.ge [sflag:s26], $0x4000  }
0x177: {  	[sflag:s26] =	ssyncset.done $0x0  }
0x178: {  	s12 =	simm.s32 $0xB00;
	[sflag:s26] =	ssyncadd.s32 $0xFFFFC000  }
0x179: {  	[spmem:s2] =	stream.indirect.scatter.add.f32 [tilespmem:s25], [sflag:$0x3], $0x80, s12, s24, $0xb8;
	[tilespmem:$0x1C8C0] =	vst v63  }
0x17a: {  	_ =	swait.ge [sflag:s17], $0x4000  }
0x17b: {  	[sflag:s17] =	ssyncset.done $0x0  }
0x17c: {  	s12 =	simm.s32 $0x380;
	[sflag:s17] =	ssyncadd.s32 $0xFFFFC000  }
0x17d: {  	[tilespmem:s28], [sflag:$0x2] =	stream.indirect.gather [hbm4b:s6+s24], $0x80, s12, s24, $0xb8;
	[tilespmem:$0x1C8C0] =	vst v63  }
0x17e: {  	_ =	swait.ge [sflag:s29], $0x4000  }
0x17f: {  	[sflag:s29] =	ssyncset.done $0x0  }
0x180: {  	s12 =	simm.s32 $0xB80;
	[sflag:s29] =	ssyncadd.s32 $0xFFFFC000  }
0x181: {  	[spmem:s2] =	stream.indirect.scatter.add.f32 [tilespmem:s28], [sflag:$0x4], $0x80, s12, s24, $0xb8;
	[tilespmem:$0x1C8C0] =	vst v63  }
0x182: {  	_ =	swait.ge [sflag:s31], $0x4000  }
0x183: {  	[sflag:s31] =	ssyncset.done $0x0  }
0x184: {  	s12 =	simm.s32 $0x400;
	[sflag:s31] =	ssyncadd.s32 $0xFFFFC000  }
0x185: {  	[tilespmem:s25], [sflag:$0x1] =	stream.indirect.gather [hbm4b:s6+s24], $0x80, s12, s24, $0xb8;
	[tilespmem:$0x1C8C0] =	vst v63  }
0x186: {  	_ =	swait.ge [sflag:s26], $0x4000  }
0x187: {  	[sflag:s26] =	ssyncset.done $0x0  }
0x188: {  	s12 =	simm.s32 $0xC00;
	[sflag:s26] =	ssyncadd.s32 $0xFFFFC000  }
0x189: {  	[spmem:s2] =	stream.indirect.scatter.add.f32 [tilespmem:s25], [sflag:$0x3], $0x80, s12, s24, $0xb8;
	[tilespmem:$0x1C8C0] =	vst v63  }
0x18a: {  	_ =	swait.ge [sflag:s17], $0x4000  }
0x18b: {  	[sflag:s17] =	ssyncset.done $0x0  }
0x18c: {  	s12 =	simm.s32 $0x480;
	[sflag:s17] =	ssyncadd.s32 $0xFFFFC000  }
0x18d: {  	[tilespmem:s28], [sflag:$0x2] =	stream.indirect.gather [hbm4b:s6+s24], $0x80, s12, s24, $0xb8;
	[tilespmem:$0x1C8C0] =	vst v63  }
0x18e: {  	_ =	swait.ge [sflag:s29], $0x4000  }
0x18f: {  	[sflag:s29] =	ssyncset.done $0x0  }
0x190: {  	[sflag:s29] =	ssyncadd.s32 $0xFFFFC000  }
0x191: {  	[spmem:s2] =	stream.indirect.scatter.add.f32 [tilespmem:s28], [sflag:$0x4], $0x80, s3, s24, $0xb8;
	[tilespmem:$0x1C8C0] =	vst v63  }
0x192: {  	_ =	swait.ge [sflag:s31], $0x4000  }
0x193: {  	[sflag:s31] =	ssyncset.done $0x0  }
0x194: {  	[sflag:s31] =	ssyncadd.s32 $0xFFFFC000  }
0x195: {  	[tilespmem:s25], [sflag:$0x1] =	stream.indirect.gather [hbm4b:s6+s24], $0x80, s30, s24, $0xb8;
	[tilespmem:$0x1C8C0] =	vst v63  }
0x196: {  	_ =	swait.ge [sflag:s26], $0x4000  }
0x197: {  	[sflag:s26] =	ssyncset.done $0x0  }
0x198: {  	[sflag:s26] =	ssyncadd.s32 $0xFFFFC000  }
0x199: {  	[spmem:s2] =	stream.indirect.scatter.add.f32 [tilespmem:s25], [sflag:$0x3], $0x80, s0, s24, $0xb8;
	[tilespmem:$0x1C8C0] =	vst v63  }
0x19a: {  	_ =	swait.ge [sflag:s17], $0x4000  }
0x19b: {  	[sflag:s17] =	ssyncset.done $0x0  }
0x19c: {  	[sflag:s17] =	ssyncadd.s32 $0xFFFFC000  }
0x19d: {  	[tilespmem:s28], [sflag:$0x2] =	stream.indirect.gather [hbm4b:s6+s24], $0x80, s1, s24, $0xb8;
	[tilespmem:$0x1C8C0] =	vst v63  }
0x19e: {  	_ =	swait.ge [sflag:s29], $0x4000  }
0x19f: {  	[sflag:s29] =	ssyncset.done $0x0  }
0x1a0: {  	[sflag:s29] =	ssyncadd.s32 $0xFFFFC000  }
0x1a1: {  	[spmem:s2] =	stream.indirect.scatter.add.f32 [tilespmem:s28], [sflag:$0x4], $0x80, s18, s24, $0xb8;
	[tilespmem:$0x1C8C0] =	vst v63  }
0x1a2: {  	_ =	swait.ge [sflag:s31], $0x4000  }
0x1a3: {  	[sflag:s31] =	ssyncset.done $0x0  }
0x1a4: {  	[sflag:s31] =	ssyncadd.s32 $0xFFFFC000  }
0x1a5: {  	[tilespmem:s25], [sflag:$0x1] =	stream.indirect.gather [hbm4b:s6+s24], $0x80, s19, s24, $0xb8;
	[tilespmem:$0x1C8C0] =	vst v63  }
0x1a6: {  	_ =	swait.ge [sflag:s26], $0x4000  }
0x1a7: {  	[sflag:s26] =	ssyncset.done $0x0  }
0x1a8: {  	[sflag:s26] =	ssyncadd.s32 $0xFFFFC000  }
0x1a9: {  	[spmem:s2] =	stream.indirect.scatter.add.f32 [tilespmem:s25], [sflag:$0x3], $0x80, s20, s24, $0xb8;
	[tilespmem:$0x1C8C0] =	vst v63  }
0x1aa: {  	_ =	swait.ge [sflag:s17], $0x4000  }
0x1ab: {  	[sflag:s17] =	ssyncset.done $0x0  }
0x1ac: {  	[sflag:s17] =	ssyncadd.s32 $0xFFFFC000  }
0x1ad: {  	[tilespmem:s28], [sflag:$0x2] =	stream.indirect.gather [hbm4b:s6+s24], $0x80, s21, s24, $0xb8;
	[tilespmem:$0x1C8C0] =	vst v63  }
0x1ae: {  	_ =	swait.ge [sflag:s29], $0x4000  }
0x1af: {  	[sflag:s29] =	ssyncset.done $0x0  }
0x1b0: {  	[sflag:s29] =	ssyncadd.s32 $0xFFFFC000  }
0x1b1: {  	[spmem:s2] =	stream.indirect.scatter.add.f32 [tilespmem:s28], [sflag:$0x4], $0x80, s8, s24, $0xb8;
	[tilespmem:$0x1C8C0] =	vst v63  }
0x1b2: {  	_ =	swait.ge [sflag:s31], $0x4000  }
0x1b3: {  	[sflag:s31] =	ssyncset.done $0x0  }
0x1b4: {  	[sflag:s31] =	ssyncadd.s32 $0xFFFFC000  }
0x1b5: {  	[tilespmem:s25], [sflag:$0x1] =	stream.indirect.gather [hbm4b:s6+s24], $0x80, s9, s24, $0xb8;
	[tilespmem:$0x1C8C0] =	vst v63  }
0x1b6: {  	_ =	swait.ge [sflag:s26], $0x4000  }
0x1b7: {  	[sflag:s26] =	ssyncset.done $0x0  }
0x1b8: {  	[sflag:s26] =	ssyncadd.s32 $0xFFFFC000  }
0x1b9: {  	[spmem:s2] =	stream.indirect.scatter.add.f32 [tilespmem:s25], [sflag:$0x3], $0x80, s10, s24, $0xb8;
	[tilespmem:$0x1C8C0] =	vst v63  }
0x1ba: {  	_ =	swait.ge [sflag:s17], $0x4000  }
0x1bb: {  	[sflag:s17] =	ssyncset.done $0x0  }
0x1bc: {  	[sflag:s17] =	ssyncadd.s32 $0xFFFFC000  }
0x1bd: {  	[tilespmem:s28], [sflag:$0x2] =	stream.indirect.gather [hbm4b:s6+s24], $0x80, s11, s24, $0xb8;
	[tilespmem:$0x1C8C0] =	vst v63  }
0x1be: {  	_ =	swait.ge [sflag:s29], $0x4000  }
0x1bf: {  	[sflag:s29] =	ssyncset.done $0x0  }
0x1c0: {  	s15 =	sadd.s32 $0x1, s15;
	[sflag:s29] =	ssyncadd.s32 $0xFFFFC000  }
0x1c1: {  	[spmem:s2] =	stream.indirect.scatter.add.f32 [tilespmem:s28], [sflag:$0x4], $0x80, s13, s24, $0xb8;
	[tilespmem:$0x1C8C0] =	vst v63  }
0x1c2: {  	p1 =	sne.s32 s15, $0xA;
	_ =	swait.ge [sflag:s17], $0x4000  }
.Ltmp5:
0x1c3: {  	[sflag:s17] =	ssyncset.done $0x0;
	(pc) =	sbr.rel @p1 .LBB2_10-.Ltmp5, $4  }
0x1c4: {  	[sflag:s17] =	ssyncadd.s32 $0xFFFFC000  }
0x1c5: {  	_ =	swait.ge [sflag:s31], $0x4000  }
0x1c6: {  	[sflag:s31] =	ssyncset.done $0x0  }
0x1c7: {  	[sflag:s31] =	ssyncadd.s32 $0xFFFFC000  }
0x1c8: {  	[bflag:$0x0] =	sbarrier.arrive $0xFFFF  }
0x1c9: {  	s12 =	rddreg [dreg:$0xf]  }
0x1ca: {  	s7 =	simm.s32 @p0 $0x1FC5;
	s14 =	rddreg [dreg:$0x12]  }
0x1cb: {  	[hbm:s12], [sflag:s7] =	dma.local @p0 [spmem:s14], $0x1900  }
0x1cc: {  	s7 =	simm.s32 @p0 $0x5  }
0x1cd: {  	_ =	swait.ge @p0 [sflag:s7], $0x1900  }
0x1ce: {  	s12 =	rddreg [dreg:$0x13]  }
0x1cf: {  	[sflag:s7] =	ssyncset.done @p0 $0x0;
	s14 =	rddreg [dreg:$0x14]  }
0x1d0: {  	[sflag:s7] =	ssyncadd.s32 @p0 $0xFFFFE700;
	s7 =	rddreg [dreg:$0xe]  }
0x1d1: {  	[hbm:s7], [sflag:s12] =	dma.local @!p0 [spmem:s14], $0x2800  }
0x1d2: {  	s7 =	simm.s32 @!p0 $0x5  }
0x1d3: {  	_ =	swait.ge @!p0 [sflag:s7], $0x2800  }
0x1d4: {  	s14 =	rddreg [dreg:$0x11]  }
0x1d5: {  	s15 =	rddreg [dreg:$0x10];
	s12 =	sadd.s32 $0x1, s14  }
0x1d6: {  	p1 =	sne.s32 s12, s15  }
.Ltmp6:
0x1d7: {  	_ = 	snop;
	(pc) =	sbr.rel @p1 .LBB2_1-.Ltmp6, $3  }
0x1d8: {  	[sflag:s7] =	ssyncset.done @!p0 $0x0  }
0x1d9: {  	[sflag:s7] =	ssyncadd.s32 @!p0 $0xFFFFD800  }
0x1da: {  	[bflag:$0x0] =	sbarrier.arrive $0xFFFF;
	_ =	sdelay $0x1  }
0x1db: {  	_ =	sfence.sel $0x180000  }
0x1dc: {  	[bflag:$0x0] =	sbarrier.arrive $0xFFFF  }
0x1dd: {  	_ =	strace $0x9000004A  }
0x1de: {  	s0 =	stileid.u32;
	[bflag:$0x2] =	sbarrier.arrive $0xFFFF  }
0x1df: {  	p0 =	sne.s32 s0, $0x0;
	s0 =	rddreg [dreg:$0x2]  }
0x1e0: {  	s0 =	sadd.s32 @!p0 $0x100000, s0  }
0x1e1: {  	[sflag:s0] =	ssyncadd.tile.s32 @!p0 $0x1;
	_ =	shalt  }
.Lfunc_end2:
_tile_overlayer_lowered:
.L_overlay_start_2:
0x1e2: {  	(tag) =	ssettag $0x2  }
0x1e3: {  	s0 =	rddreg [dreg:$0x0];
	s2 =	stileid.u32  }
0x1e4: {  	s1 =	rddreg [dreg:$0x1];
	p0 =	sne.s32 s2, $0x0  }
0x1e5: {  	s3 =	rddreg [dreg:$0x2];
	[bflag:$0x3] =	sbarrier.arrive $0xFFFF;
	s2 =	simm.s32 @!p0 $0x1C05  }
0x1e6: {  	[timem:s3], [sflag:s2] =	dma.local @!p0 [hbm:s0], s1  }
0x1e7: {  	s0 =	simm.s32 @!p0 $0x5  }
0x1e8: {  	_ =	swait.ge @!p0 [sflag:s0], s1  }
0x1e9: {  	s1 =	ssub.s32 @!p0 $0x0, s1;
	[sflag:s0] =	ssyncset.done @!p0 $0x0  }
0x1ea: {  	[sflag:s0] =	ssyncadd.s32 @!p0 s1  }
0x1eb: {  	[bflag:$0x3] =	sbarrier.arrive $0xFFFF  }
0x1ec: {  	_ =	shalt  }

</sc_bundles>
